<compile_context>
chip_gen: v7x
topology: tpu7x:2x2x1
jax: 0.10.2.dev20260603
libtpu: 0.0.44.dev20260713+nightly
codegen_flags: <defaults>
</compile_context>

<pallas_src>
import functools

import jax
import jax.numpy as jnp
from jax import lax
from jax.experimental import pallas as pl
from jax.experimental.pallas import tpu as pltpu
from jax.experimental.pallas import tpu_sc as plsc

_NUM_HEADS = 32
_PARAM_DIM = 32768
_K = int(0.01 * _NUM_HEADS * _PARAM_DIM)
_SIG_HI = 0.9933071490757153
_SIG_LO = 0.006692850924284856

_L = 16
_NSUB = 16
_NB = 256
_NBP = 257
_NZCH = 264
_WIDTHS = (8, 8, 8, 7)
_SHIFTS = (23, 15, 7, 0)


def _sc_threshold_body(x_hbm, t_hbm, data_v, hist_v, fold_v, pub_v, sh_hist,
                       sh_zero, sem0, sem1):
    cid = lax.axis_index("c")
    sid = lax.axis_index("s")
    lanes = lax.iota(jnp.int32, _L)
    lane_base = lanes * _NBP
    ones = jnp.ones((_L,), jnp.int32)
    zeros16 = jnp.zeros((_L,), jnp.int32)

    cp0 = pltpu.async_copy(x_hbm.at[sid], data_v.at[pl.ds(0, _PARAM_DIM)],
                           sem0)
    cp1 = pltpu.async_copy(x_hbm.at[sid + _NSUB],
                           data_v.at[pl.ds(_PARAM_DIM, _PARAM_DIM)], sem1)

    for c in range(_NB // _L):
        fold_v[pl.ds(c * _L, _L)] = zeros16
    fold_v[pl.ds(_NZCH - _L, _L)] = zeros16
    pltpu.sync_copy(fold_v, sh_zero.at[pl.ds(sid * _NZCH, _NZCH)])
    plsc.subcore_barrier()

    prefix = jnp.int32(0)
    krem = jnp.int32(_K)

    for lvl in range(len(_WIDTHS)):
        shift = _SHIFTS[lvl]
        bin_mask = jnp.int32((1 << _WIDTHS[lvl]) - 1)

        pltpu.sync_copy(sh_zero, hist_v)

        def _scan_range(lo, hi, shift=shift, bin_mask=bin_mask, lvl=lvl,
                        prefix=prefix):

            @plsc.parallel_loop(lo, hi, step=_L, unroll=8)
            def _scan(j):
                v = data_v[pl.ds(j, _L)]
                bits = lax.bitcast_convert_type(v, jnp.int32)
                binv = (lax.shift_right_logical(bits, jnp.int32(shift))
                        & bin_mask)
                idx = lane_base + binv
                if lvl == 0:
                    plsc.addupdate_scatter(hist_v, [idx], ones)
                else:
                    pshift = _SHIFTS[lvl - 1]
                    pmask = jnp.int32((1 << (31 - pshift)) - 1)
                    pm = (lax.shift_right_logical(bits, jnp.int32(pshift))
                          & pmask) == prefix
                    plsc.addupdate_scatter(hist_v, [idx], ones, mask=pm)

        if lvl == 0:
            cp0.wait()
            _scan_range(0, _PARAM_DIM)
            cp1.wait()
            _scan_range(_PARAM_DIM, 2 * _PARAM_DIM)
        else:
            _scan_range(0, 2 * _PARAM_DIM)

        nch = (1 << _WIDTHS[lvl]) // _L

        @plsc.parallel_loop(0, nch, step=1, unroll=2)
        def _fold(c):
            acc = hist_v[pl.ds(c * _L, _L)]
            for lane in range(1, _L):
                acc = acc + hist_v[pl.ds(lane * _NBP + c * _L, _L)]
            fold_v[pl.ds(c * _L, _L)] = acc

        for c in range(nch, _NB // _L):
            fold_v[pl.ds(c * _L, _L)] = zeros16

        plsc.subcore_barrier()
        pltpu.sync_copy(fold_v.at[pl.ds(0, _NB)],
                        sh_hist.at[pl.ds(sid * _NB, _NB)])
        plsc.subcore_barrier()

        pltpu.sync_copy(sh_hist, hist_v.at[pl.ds(0, _NSUB * _NB)])

        @plsc.parallel_loop(0, _NB // _L, step=1, unroll=2)
        def _macc(c):
            acc = hist_v[pl.ds(c * _L, _L)]
            for s in range(1, _NSUB):
                acc = acc + hist_v[pl.ds(s * _NB + c * _L, _L)]
            fold_v[pl.ds(c * _L, _L)] = acc

        def scan_tot(i, carry):
            run, chsel, runsel, found = carry
            ch = (_NB // _L - 1) - i
            v = fold_v[pl.ds(ch * _L, _L)]
            tot = jnp.sum(v)
            crosses = jnp.logical_and(found == 0, run + tot >= krem)
            chsel = jnp.where(crosses, ch, chsel)
            runsel = jnp.where(crosses, run, runsel)
            run = jnp.where(found == 0, run + tot, run)
            found = jnp.where(crosses, jnp.int32(1), found)
            return run, chsel, runsel, found

        _, chsel, runsel, _ = lax.fori_loop(
            0, _NB // _L, scan_tot,
            (jnp.int32(0), jnp.int32(0), jnp.int32(0), jnp.int32(0)))
        v = fold_v[pl.ds(chsel * _L, _L)]
        tot = jnp.sum(v)
        suff = (tot - lax.cumsum(v)) + v
        cond = (runsel + suff) >= krem
        jstar = jnp.max(jnp.where(cond, lanes, jnp.int32(-1)))
        s_at = jnp.sum(jnp.where(lanes == jstar, suff, 0))
        v_at = jnp.sum(jnp.where(lanes == jstar, v, 0))
        bsel = chsel * _L + jstar
        ksel = krem - (runsel + s_at - v_at)
        prefix = jnp.bitwise_or(
            lax.shift_left(prefix, jnp.int32(_WIDTHS[lvl])), bsel)
        krem = ksel

    @pl.when(jnp.logical_and(cid == 0, sid == 0))
    def _writeout():
        pub_v[pl.ds(0, _L)] = jnp.full((_L,), prefix, jnp.int32)
        pltpu.sync_copy(pub_v.at[pl.ds(0, _L)], t_hbm)


@functools.lru_cache(maxsize=1)
def _sc_threshold():
    return pl.kernel(
        _sc_threshold_body,
        out_type=jax.ShapeDtypeStruct((_L,), jnp.int32),
        mesh=plsc.VectorSubcoreMesh(
            core_axis_name="c", subcore_axis_name="s", num_cores=2,
            num_subcores=16),
        scratch_types=[
            pltpu.VMEM((2 * _PARAM_DIM,), jnp.float32),
            pltpu.VMEM((_NSUB * _NZCH,), jnp.int32),
            pltpu.VMEM((_NZCH,), jnp.int32),
            pltpu.VMEM((2 * _L,), jnp.int32),
            pltpu.VMEM_SHARED((_NSUB * _NB,), jnp.int32),
            pltpu.VMEM_SHARED((_NSUB * _NZCH,), jnp.int32),
            pltpu.SemaphoreType.DMA,
            pltpu.SemaphoreType.DMA,
        ],
        compiler_params=pltpu.CompilerParams(needs_layout_passes=False),
    )


def _tc_mask_body(t_ref, x_ref, o_ref):
    t = t_ref[0]
    x = x_ref[...]
    bits = lax.bitcast_convert_type(jnp.abs(x), jnp.int32)
    o_ref[...] = jnp.where(
        bits > t, jnp.float32(_SIG_HI), jnp.float32(_SIG_LO)) * x


@jax.jit
def kernel(task_vectors):
    tbits = _sc_threshold()(task_vectors)
    return pl.pallas_call(
        _tc_mask_body,
        in_specs=[
            pl.BlockSpec(memory_space=pltpu.SMEM),
            pl.BlockSpec(memory_space=pltpu.VMEM),
        ],
        out_shape=jax.ShapeDtypeStruct(task_vectors.shape,
                                       task_vectors.dtype),
    )(tbits, task_vectors)

# --- scband reference (transcript-rebuilt; emitter-appended) ---
"""Pipeline reference for scband-multi-head-localizer-5763846111966 (READ-ONLY COPY).

The authoritative reference and input builder live on the scoring server;
editing this copy changes nothing except your own understanding.
"""

import jax, jax.numpy as jnp
import numpy as np

SPARSITY = 0.01
SIGMOID_BIAS = 5.0
NUM_HEADS = 32
PARAM_DIM = 32768


def setup_inputs(seed: int = 0) -> dict:
    key = jax.random.key(seed)
    task_vectors = jax.random.normal(key, (NUM_HEADS, PARAM_DIM), dtype=jnp.float32)
    return {"task_vectors": task_vectors}


def reference(task_vectors):
    # create_basepatch: global top-k over |task vectors| to find threshold,
    # then build +/- sigmoid_bias mask logits (topk_masking core op).
    abs_tv = jnp.abs(task_vectors).reshape(-1)
    k = int(SPARSITY * (NUM_HEADS * PARAM_DIM))
    values, _indices = jax.lax.top_k(abs_tv, k)
    threshold = jnp.min(values)
    mask_logits = jnp.where(jnp.abs(task_vectors) > threshold,
                            jnp.float32(SIGMOID_BIAS),
                            jnp.float32(-SIGMOID_BIAS))
    # interpolate_model (round_=False): frac = sigmoid(mask); grafted delta = frac * task_vector
    frac = jax.nn.sigmoid(mask_logits)
    grafted = frac * task_vectors
    return grafted

if __name__ == "__main__":
    import jax
    _d = setup_inputs()
    print(jax.jit(kernel)(*tuple(_d.values())))

</pallas_src>

<mosaic_0001>
#map = affine_map<(d0, d1) -> (0, 0)>
#map1 = affine_map<(d0, d1) -> (0)>
module attributes {stable_mosaic.version = 14 : i64} {
  func.func @_sc_threshold_body(%arg0: i32, %arg1: i32, %arg2: memref<32x32768xf32, #tpu.memory_space<hbm>>, %arg3: memref<16xi32, #tpu.memory_space<hbm>>, %arg4: memref<65536xf32, #tpu.memory_space<vmem>>, %arg5: memref<4224xi32, #tpu.memory_space<vmem>>, %arg6: memref<264xi32, #tpu.memory_space<vmem>>, %arg7: memref<32xi32, #tpu.memory_space<vmem>>, %arg8: memref<4096xi32, #tpu.memory_space<vmem_shared>>, %arg9: memref<4224xi32, #tpu.memory_space<vmem_shared>>, %arg10: memref<!tpu.dma_semaphore, #tpu.memory_space<semaphore_mem>>, %arg11: memref<!tpu.dma_semaphore, #tpu.memory_space<semaphore_mem>>) attributes {dimension_semantics = [#tpu.dimension_semantics<core_parallel>, #tpu.dimension_semantics<subcore_parallel>], iteration_bounds = array<i64: 2, 16>, scalar_prefetch = 0 : i64, scratch_operands = 8 : i64, tpu.core_type = #tpu.core_type<sc_vector_subcore>, window_params = [{transform_indices = #map}, {transform_indices = #map1}]} {
    %iota3A = tpu.iota {dimensions = array<i32: 0>} : vector<16xi32>
    %mul3A = arith.constant 257 : i32
    %mul3A_0 = vector.broadcast %mul3A : i32 to vector<16xi32>
    %mul3A_1 = arith.muli %iota3A, %mul3A_0 : vector<16xi32>
    %broadcast_in_dim3A = arith.constant 1 : i32
    %broadcast_in_dim3A_2 = vector.broadcast %broadcast_in_dim3A : i32 to vector<16xi32>
    %broadcast_in_dim3A_3 = arith.constant 0 : i32
    %broadcast_in_dim3A_4 = vector.broadcast %broadcast_in_dim3A_3 : i32 to vector<16xi32>
    %dma_start3A = arith.constant 0 : i32
    %dma_start3A_5 = tpu.memref_slice %arg4[%dma_start3A] : memref<65536xf32, #tpu.memory_space<vmem>> -> memref<32768xf32, #tpu.memory_space<vmem>>
    %dma_start3A_6 = arith.constant 0 : i32
    %dma_start3A_7 = tpu.memref_slice %arg2[%arg1, %dma_start3A_6] : memref<32x32768xf32, #tpu.memory_space<hbm>> -> memref<1x32768xf32, #tpu.memory_space<hbm>>
    %dma_start3A_8 = tpu.memref_squeeze %dma_start3A_7 : memref<1x32768xf32, #tpu.memory_space<hbm>> -> memref<32768xf32, #tpu.memory_space<hbm>>
    %dma_start3A_9 = arith.constant 0 : i32
    %dma_start3A_10 = tpu.memref_slice %arg4[%dma_start3A_9] : memref<65536xf32, #tpu.memory_space<vmem>> -> memref<32768xf32, #tpu.memory_space<vmem>>
    %dma_start3A_11 = arith.constant 0 : i32
    %dma_start3A_12 = tpu.memref_slice %arg2[%arg1, %dma_start3A_11] : memref<32x32768xf32, #tpu.memory_space<hbm>> -> memref<1x32768xf32, #tpu.memory_space<hbm>>
    %dma_start3A_13 = tpu.memref_squeeze %dma_start3A_12 : memref<1x32768xf32, #tpu.memory_space<hbm>> -> memref<32768xf32, #tpu.memory_space<hbm>>
    tpu.enqueue_dma source(%dma_start3A_13 : memref<32768xf32, #tpu.memory_space<hbm>>) target(%dma_start3A_10 : memref<32768xf32, #tpu.memory_space<vmem>>) target_semaphore(%arg10 : memref<!tpu.dma_semaphore, #tpu.memory_space<semaphore_mem>>)
    %add3A = arith.constant 16 : i32
    %add3A_14 = arith.addi %arg1, %add3A : i32
    %dma_start3A_15 = arith.constant 32768 : i32
    %dma_start3A_16 = tpu.memref_slice %arg4[%dma_start3A_15] : memref<65536xf32, #tpu.memory_space<vmem>> -> memref<32768xf32, #tpu.memory_space<vmem>>
    %dma_start3A_17 = arith.constant 0 : i32
    %dma_start3A_18 = tpu.memref_slice %arg2[%add3A_14, %dma_start3A_17] : memref<32x32768xf32, #tpu.memory_space<hbm>> -> memref<1x32768xf32, #tpu.memory_space<hbm>>
    %dma_start3A_19 = tpu.memref_squeeze %dma_start3A_18 : memref<1x32768xf32, #tpu.memory_space<hbm>> -> memref<32768xf32, #tpu.memory_space<hbm>>
    %dma_start3A_20 = arith.constant 32768 : i32
    %dma_start3A_21 = tpu.memref_slice %arg4[%dma_start3A_20] : memref<65536xf32, #tpu.memory_space<vmem>> -> memref<32768xf32, #tpu.memory_space<vmem>>
    %dma_start3A_22 = arith.constant 0 : i32
    %dma_start3A_23 = tpu.memref_slice %arg2[%add3A_14, %dma_start3A_22] : memref<32x32768xf32, #tpu.memory_space<hbm>> -> memref<1x32768xf32, #tpu.memory_space<hbm>>
    %dma_start3A_24 = tpu.memref_squeeze %dma_start3A_23 : memref<1x32768xf32, #tpu.memory_space<hbm>> -> memref<32768xf32, #tpu.memory_space<hbm>>
    tpu.enqueue_dma source(%dma_start3A_24 : memref<32768xf32, #tpu.memory_space<hbm>>) target(%dma_start3A_21 : memref<32768xf32, #tpu.memory_space<vmem>>) target_semaphore(%arg11 : memref<!tpu.dma_semaphore, #tpu.memory_space<semaphore_mem>>)
    %swap3A = arith.constant 0 : index
    %swap3A_25 = tpu.vector_load %arg6[%swap3A] {strides = array<i32>} : memref<264xi32, #tpu.memory_space<vmem>>, vector<16xi32>,
    tpu.vector_store %arg6[%swap3A], %broadcast_in_dim3A_4 {strides = array<i32>} : memref<264xi32, #tpu.memory_space<vmem>>, vector<16xi32>,
    %swap3A_26 = arith.constant 16 : index
    %swap3A_27 = tpu.vector_load %arg6[%swap3A_26] {strides = array<i32>} : memref<264xi32, #tpu.memory_space<vmem>>, vector<16xi32>,
    tpu.vector_store %arg6[%swap3A_26], %broadcast_in_dim3A_4 {strides = array<i32>} : memref<264xi32, #tpu.memory_space<vmem>>, vector<16xi32>,
    %swap3A_28 = arith.constant 32 : index
    %swap3A_29 = tpu.vector_load %arg6[%swap3A_28] {strides = array<i32>} : memref<264xi32, #tpu.memory_space<vmem>>, vector<16xi32>,
    tpu.vector_store %arg6[%swap3A_28], %broadcast_in_dim3A_4 {strides = array<i32>} : memref<264xi32, #tpu.memory_space<vmem>>, vector<16xi32>,
    %swap3A_30 = arith.constant 48 : index
    %swap3A_31 = tpu.vector_load %arg6[%swap3A_30] {strides = array<i32>} : memref<264xi32, #tpu.memory_space<vmem>>, vector<16xi32>,
    tpu.vector_store %arg6[%swap3A_30], %broadcast_in_dim3A_4 {strides = array<i32>} : memref<264xi32, #tpu.memory_space<vmem>>, vector<16xi32>,
    %swap3A_32 = arith.constant 64 : index
    %swap3A_33 = tpu.vector_load %arg6[%swap3A_32] {strides = array<i32>} : memref<264xi32, #tpu.memory_space<vmem>>, vector<16xi32>,
    tpu.vector_store %arg6[%swap3A_32], %broadcast_in_dim3A_4 {strides = array<i32>} : memref<264xi32, #tpu.memory_space<vmem>>, vector<16xi32>,
    %swap3A_34 = arith.constant 80 : index
    %swap3A_35 = tpu.vector_load %arg6[%swap3A_34] {strides = array<i32>} : memref<264xi32, #tpu.memory_space<vmem>>, vector<16xi32>,
    tpu.vector_store %arg6[%swap3A_34], %broadcast_in_dim3A_4 {strides = array<i32>} : memref<264xi32, #tpu.memory_space<vmem>>, vector<16xi32>,
    %swap3A_36 = arith.constant 96 : index
    %swap3A_37 = tpu.vector_load %arg6[%swap3A_36] {strides = array<i32>} : memref<264xi32, #tpu.memory_space<vmem>>, vector<16xi32>,
    tpu.vector_store %arg6[%swap3A_36], %broadcast_in_dim3A_4 {strides = array<i32>} : memref<264xi32, #tpu.memory_space<vmem>>, vector<16xi32>,
    %swap3A_38 = arith.constant 112 : index
    %swap3A_39 = tpu.vector_load %arg6[%swap3A_38] {strides = array<i32>} : memref<264xi32, #tpu.memory_space<vmem>>, vector<16xi32>,
    tpu.vector_store %arg6[%swap3A_38], %broadcast_in_dim3A_4 {strides = array<i32>} : memref<264xi32, #tpu.memory_space<vmem>>, vector<16xi32>,
    %swap3A_40 = arith.constant 128 : index
    %swap3A_41 = tpu.vector_load %arg6[%swap3A_40] {strides = array<i32>} : memref<264xi32, #tpu.memory_space<vmem>>, vector<16xi32>,
    tpu.vector_store %arg6[%swap3A_40], %broadcast_in_dim3A_4 {strides = array<i32>} : memref<264xi32, #tpu.memory_space<vmem>>, vector<16xi32>,
    %swap3A_42 = arith.constant 144 : index
    %swap3A_43 = tpu.vector_load %arg6[%swap3A_42] {strides = array<i32>} : memref<264xi32, #tpu.memory_space<vmem>>, vector<16xi32>,
    tpu.vector_store %arg6[%swap3A_42], %broadcast_in_dim3A_4 {strides = array<i32>} : memref<264xi32, #tpu.memory_space<vmem>>, vector<16xi32>,
    %swap3A_44 = arith.constant 160 : index
    %swap3A_45 = tpu.vector_load %arg6[%swap3A_44] {strides = array<i32>} : memref<264xi32, #tpu.memory_space<vmem>>, vector<16xi32>,
    tpu.vector_store %arg6[%swap3A_44], %broadcast_in_dim3A_4 {strides = array<i32>} : memref<264xi32, #tpu.memory_space<vmem>>, vector<16xi32>,
    %swap3A_46 = arith.constant 176 : index
    %swap3A_47 = tpu.vector_load %arg6[%swap3A_46] {strides = array<i32>} : memref<264xi32, #tpu.memory_space<vmem>>, vector<16xi32>,
    tpu.vector_store %arg6[%swap3A_46], %broadcast_in_dim3A_4 {strides = array<i32>} : memref<264xi32, #tpu.memory_space<vmem>>, vector<16xi32>,
    %swap3A_48 = arith.constant 192 : index
    %swap3A_49 = tpu.vector_load %arg6[%swap3A_48] {strides = array<i32>} : memref<264xi32, #tpu.memory_space<vmem>>, vector<16xi32>,
    tpu.vector_store %arg6[%swap3A_48], %broadcast_in_dim3A_4 {strides = array<i32>} : memref<264xi32, #tpu.memory_space<vmem>>, vector<16xi32>,
    %swap3A_50 = arith.constant 208 : index
    %swap3A_51 = tpu.vector_load %arg6[%swap3A_50] {strides = array<i32>} : memref<264xi32, #tpu.memory_space<vmem>>, vector<16xi32>,
    tpu.vector_store %arg6[%swap3A_50], %broadcast_in_dim3A_4 {strides = array<i32>} : memref<264xi32, #tpu.memory_space<vmem>>, vector<16xi32>,
    %swap3A_52 = arith.constant 224 : index
    %swap3A_53 = tpu.vector_load %arg6[%swap3A_52] {strides = array<i32>} : memref<264xi32, #tpu.memory_space<vmem>>, vector<16xi32>,
    tpu.vector_store %arg6[%swap3A_52], %broadcast_in_dim3A_4 {strides = array<i32>} : memref<264xi32, #tpu.memory_space<vmem>>, vector<16xi32>,
    %swap3A_54 = arith.constant 240 : index
    %swap3A_55 = tpu.vector_load %arg6[%swap3A_54] {strides = array<i32>} : memref<264xi32, #tpu.memory_space<vmem>>, vector<16xi32>,
    tpu.vector_store %arg6[%swap3A_54], %broadcast_in_dim3A_4 {strides = array<i32>} : memref<264xi32, #tpu.memory_space<vmem>>, vector<16xi32>,
    %swap3A_56 = arith.constant 248 : index
    %swap3A_57 = tpu.vector_load %arg6[%swap3A_56] {strides = array<i32>} : memref<264xi32, #tpu.memory_space<vmem>>, vector<16xi32>,
    tpu.vector_store %arg6[%swap3A_56], %broadcast_in_dim3A_4 {strides = array<i32>} : memref<264xi32, #tpu.memory_space<vmem>>, vector<16xi32>,
    %mul3A_58 = arith.constant 264 : i32
    %mul3A_59 = arith.muli %arg1, %mul3A_58 : i32
    "tpu.region"() ({
      %run_scoped3A = tpu.sem_alloc : memref<!tpu.dma_semaphore, #tpu.memory_space<semaphore_mem>>
      %dma_start3A_415 = tpu.memref_slice %arg9[%mul3A_59] : memref<4224xi32, #tpu.memory_space<vmem_shared>> -> memref<264xi32, #tpu.memory_space<vmem_shared>>
      %dma_start3A_416 = tpu.memref_slice %arg9[%mul3A_59] : memref<4224xi32, #tpu.memory_space<vmem_shared>> -> memref<264xi32, #tpu.memory_space<vmem_shared>>
      tpu.enqueue_dma source(%arg6 : memref<264xi32, #tpu.memory_space<vmem>>) target(%dma_start3A_416 : memref<264xi32, #tpu.memory_space<vmem_shared>>) target_semaphore(%run_scoped3A : memref<!tpu.dma_semaphore, #tpu.memory_space<semaphore_mem>>)
      %dma_wait3A_417 = tpu.memref_slice %arg9[%mul3A_59] : memref<4224xi32, #tpu.memory_space<vmem_shared>> -> memref<264xi32, #tpu.memory_space<vmem_shared>>
      %dma_wait3A_418 = tpu.memref_slice %arg9[%mul3A_59] : memref<4224xi32, #tpu.memory_space<vmem_shared>> -> memref<264xi32, #tpu.memory_space<vmem_shared>>
      tpu.wait_dma2 semaphore(%run_scoped3A : memref<!tpu.dma_semaphore, #tpu.memory_space<semaphore_mem>>) src(%arg6 : memref<264xi32, #tpu.memory_space<vmem>>) dst(%dma_wait3A_418 : memref<264xi32, #tpu.memory_space<vmem_shared>>)
      tpu.yield
    }) : () -> ()
    %barrier3A = arith.constant 0 : index
    tpu.barrier barrier_id(%barrier3A)
    "tpu.region"() ({
      %run_scoped3A = tpu.sem_alloc : memref<!tpu.dma_semaphore, #tpu.memory_space<semaphore_mem>>
      tpu.enqueue_dma source(%arg9 : memref<4224xi32, #tpu.memory_space<vmem_shared>>) target(%arg5 : memref<4224xi32, #tpu.memory_space<vmem>>) target_semaphore(%run_scoped3A : memref<!tpu.dma_semaphore, #tpu.memory_space<semaphore_mem>>)
      tpu.wait_dma2 semaphore(%run_scoped3A : memref<!tpu.dma_semaphore, #tpu.memory_space<semaphore_mem>>) src(%arg9 : memref<4224xi32, #tpu.memory_space<vmem_shared>>) dst(%arg5 : memref<4224xi32, #tpu.memory_space<vmem>>)
      tpu.yield
    }) : () -> ()
    %dma_wait3A = arith.constant 0 : i32
    %dma_wait3A_60 = tpu.memref_slice %arg4[%dma_wait3A] : memref<65536xf32, #tpu.memory_space<vmem>> -> memref<32768xf32, #tpu.memory_space<vmem>>
    %dma_wait3A_61 = arith.constant 0 : i32
    %dma_wait3A_62 = tpu.memref_slice %arg2[%arg1, %dma_wait3A_61] : memref<32x32768xf32, #tpu.memory_space<hbm>> -> memref<1x32768xf32, #tpu.memory_space<hbm>>
    %dma_wait3A_63 = tpu.memref_squeeze %dma_wait3A_62 : memref<1x32768xf32, #tpu.memory_space<hbm>> -> memref<32768xf32, #tpu.memory_space<hbm>>
    %dma_wait3A_64 = arith.constant 0 : i32
    %dma_wait3A_65 = tpu.memref_slice %arg4[%dma_wait3A_64] : memref<65536xf32, #tpu.memory_space<vmem>> -> memref<32768xf32, #tpu.memory_space<vmem>>
    %dma_wait3A_66 = arith.constant 0 : i32
    %dma_wait3A_67 = tpu.memref_slice %arg2[%arg1, %dma_wait3A_66] : memref<32x32768xf32, #tpu.memory_space<hbm>> -> memref<1x32768xf32, #tpu.memory_space<hbm>>
    %dma_wait3A_68 = tpu.memref_squeeze %dma_wait3A_67 : memref<1x32768xf32, #tpu.memory_space<hbm>> -> memref<32768xf32, #tpu.memory_space<hbm>>
    tpu.wait_dma2 semaphore(%arg10 : memref<!tpu.dma_semaphore, #tpu.memory_space<semaphore_mem>>) src(%dma_wait3A_68 : memref<32768xf32, #tpu.memory_space<hbm>>) dst(%dma_wait3A_65 : memref<32768xf32, #tpu.memory_space<vmem>>)
    %parallel_loop3A = arith.constant 0 : i32
    %parallel_loop3A_69 = arith.constant 32768 : i32
    %parallel_loop3A_70 = arith.constant 16 : i32
    %parallel_loop3A_71 = arith.constant 255 : i32
    scf.for %parallel_loop3A_415 = %parallel_loop3A to %parallel_loop3A_69 step %parallel_loop3A_70  : i32 {
      %parallel_loop3A_416 = arith.index_cast %parallel_loop3A_415 : i32 to index
      %parallel_loop3A_417 = tpu.vector_load %arg4[%parallel_loop3A_416] {strides = array<i32>} : memref<65536xf32, #tpu.memory_space<vmem>>, vector<16xf32>,
      %parallel_loop3A_418 = tpu.bitcast %parallel_loop3A_417 : vector<16xf32> -> vector<16xi32>
      %parallel_loop3A_419 = arith.constant 23 : i32
      %parallel_loop3A_420 = vector.broadcast %parallel_loop3A_419 : i32 to vector<16xi32>
      %parallel_loop3A_421 = arith.shrui %parallel_loop3A_418, %parallel_loop3A_420 : vector<16xi32>
      %parallel_loop3A_422 = vector.broadcast %parallel_loop3A_71 : i32 to vector<16xi32>
      %parallel_loop3A_423 = arith.andi %parallel_loop3A_421, %parallel_loop3A_422 : vector<16xi32>
      %parallel_loop3A_424 = arith.addi %mul3A_1, %parallel_loop3A_423 : vector<16xi32>
      tpu.vector_store_idx %arg5[%parallel_loop3A_424], %broadcast_in_dim3A_2 {add = true} : memref<4224xi32, #tpu.memory_space<vmem>>[vector<16xi32>], vector<16xi32>,
    } {sc.loop_unroll_factor = 8 : i64, sc.parallel_access}
    %dma_wait3A_72 = arith.constant 32768 : i32
    %dma_wait3A_73 = tpu.memref_slice %arg4[%dma_wait3A_72] : memref<65536xf32, #tpu.memory_space<vmem>> -> memref<32768xf32, #tpu.memory_space<vmem>>
    %dma_wait3A_74 = arith.constant 0 : i32
    %dma_wait3A_75 = tpu.memref_slice %arg2[%add3A_14, %dma_wait3A_74] : memref<32x32768xf32, #tpu.memory_space<hbm>> -> memref<1x32768xf32, #tpu.memory_space<hbm>>
    %dma_wait3A_76 = tpu.memref_squeeze %dma_wait3A_75 : memref<1x32768xf32, #tpu.memory_space<hbm>> -> memref<32768xf32, #tpu.memory_space<hbm>>
    %dma_wait3A_77 = arith.constant 32768 : i32
    %dma_wait3A_78 = tpu.memref_slice %arg4[%dma_wait3A_77] : memref<65536xf32, #tpu.memory_space<vmem>> -> memref<32768xf32, #tpu.memory_space<vmem>>
    %dma_wait3A_79 = arith.constant 0 : i32
    %dma_wait3A_80 = tpu.memref_slice %arg2[%add3A_14, %dma_wait3A_79] : memref<32x32768xf32, #tpu.memory_space<hbm>> -> memref<1x32768xf32, #tpu.memory_space<hbm>>
    %dma_wait3A_81 = tpu.memref_squeeze %dma_wait3A_80 : memref<1x32768xf32, #tpu.memory_space<hbm>> -> memref<32768xf32, #tpu.memory_space<hbm>>
    tpu.wait_dma2 semaphore(%arg11 : memref<!tpu.dma_semaphore, #tpu.memory_space<semaphore_mem>>) src(%dma_wait3A_81 : memref<32768xf32, #tpu.memory_space<hbm>>) dst(%dma_wait3A_78 : memref<32768xf32, #tpu.memory_space<vmem>>)
    %parallel_loop3A_82 = arith.constant 32768 : i32
    %parallel_loop3A_83 = arith.constant 65536 : i32
    %parallel_loop3A_84 = arith.constant 16 : i32
    %parallel_loop3A_85 = arith.constant 255 : i32
    scf.for %parallel_loop3A_415 = %parallel_loop3A_82 to %parallel_loop3A_83 step %parallel_loop3A_84  : i32 {
      %parallel_loop3A_416 = arith.index_cast %parallel_loop3A_415 : i32 to index
      %parallel_loop3A_417 = tpu.vector_load %arg4[%parallel_loop3A_416] {strides = array<i32>} : memref<65536xf32, #tpu.memory_space<vmem>>, vector<16xf32>,
      %parallel_loop3A_418 = tpu.bitcast %parallel_loop3A_417 : vector<16xf32> -> vector<16xi32>
      %parallel_loop3A_419 = arith.constant 23 : i32
      %parallel_loop3A_420 = vector.broadcast %parallel_loop3A_419 : i32 to vector<16xi32>
      %parallel_loop3A_421 = arith.shrui %parallel_loop3A_418, %parallel_loop3A_420 : vector<16xi32>
      %parallel_loop3A_422 = vector.broadcast %parallel_loop3A_85 : i32 to vector<16xi32>
      %parallel_loop3A_423 = arith.andi %parallel_loop3A_421, %parallel_loop3A_422 : vector<16xi32>
      %parallel_loop3A_424 = arith.addi %mul3A_1, %parallel_loop3A_423 : vector<16xi32>
      tpu.vector_store_idx %arg5[%parallel_loop3A_424], %broadcast_in_dim3A_2 {add = true} : memref<4224xi32, #tpu.memory_space<vmem>>[vector<16xi32>], vector<16xi32>,
    } {sc.loop_unroll_factor = 8 : i64, sc.parallel_access}
    %parallel_loop3A_86 = arith.constant 0 : i32
    %parallel_loop3A_87 = arith.constant 16 : i32
    %parallel_loop3A_88 = arith.constant 1 : i32
    scf.for %parallel_loop3A_415 = %parallel_loop3A_86 to %parallel_loop3A_87 step %parallel_loop3A_88  : i32 {
      %parallel_loop3A_416 = arith.constant 16 : i32
      %parallel_loop3A_417 = arith.muli %parallel_loop3A_415, %parallel_loop3A_416 : i32
      %parallel_loop3A_418 = arith.index_cast %parallel_loop3A_417 : i32 to index
      %parallel_loop3A_419 = tpu.vector_load %arg5[%parallel_loop3A_418] {strides = array<i32>} : memref<4224xi32, #tpu.memory_space<vmem>>, vector<16xi32>,
      %parallel_loop3A_420 = arith.constant 16 : i32
      %parallel_loop3A_421 = arith.muli %parallel_loop3A_415, %parallel_loop3A_420 : i32
      %parallel_loop3A_422 = arith.constant 257 : i32
      %parallel_loop3A_423 = arith.addi %parallel_loop3A_422, %parallel_loop3A_421 : i32
      %parallel_loop3A_424 = arith.index_cast %parallel_loop3A_423 : i32 to index
      %parallel_loop3A_425 = tpu.vector_load %arg5[%parallel_loop3A_424] {strides = array<i32>} : memref<4224xi32, #tpu.memory_space<vmem>>, vector<16xi32>,
      %parallel_loop3A_426 = arith.addi %parallel_loop3A_419, %parallel_loop3A_425 : vector<16xi32>
      %parallel_loop3A_427 = arith.constant 16 : i32
      %parallel_loop3A_428 = arith.muli %parallel_loop3A_415, %parallel_loop3A_427 : i32
      %parallel_loop3A_429 = arith.constant 514 : i32
      %parallel_loop3A_430 = arith.addi %parallel_loop3A_429, %parallel_loop3A_428 : i32
      %parallel_loop3A_431 = arith.index_cast %parallel_loop3A_430 : i32 to index
      %parallel_loop3A_432 = tpu.vector_load %arg5[%parallel_loop3A_431] {strides = array<i32>} : memref<4224xi32, #tpu.memory_space<vmem>>, vector<16xi32>,
      %parallel_loop3A_433 = arith.addi %parallel_loop3A_426, %parallel_loop3A_432 : vector<16xi32>
      %parallel_loop3A_434 = arith.constant 16 : i32
      %parallel_loop3A_435 = arith.muli %parallel_loop3A_415, %parallel_loop3A_434 : i32
      %parallel_loop3A_436 = arith.constant 771 : i32
      %parallel_loop3A_437 = arith.addi %parallel_loop3A_436, %parallel_loop3A_435 : i32
      %parallel_loop3A_438 = arith.index_cast %parallel_loop3A_437 : i32 to index
      %parallel_loop3A_439 = tpu.vector_load %arg5[%parallel_loop3A_438] {strides = array<i32>} : memref<4224xi32, #tpu.memory_space<vmem>>, vector<16xi32>,
      %parallel_loop3A_440 = arith.addi %parallel_loop3A_433, %parallel_loop3A_439 : vector<16xi32>
      %parallel_loop3A_441 = arith.constant 16 : i32
      %parallel_loop3A_442 = arith.muli %parallel_loop3A_415, %parallel_loop3A_441 : i32
      %parallel_loop3A_443 = arith.constant 1028 : i32
      %parallel_loop3A_444 = arith.addi %parallel_loop3A_443, %parallel_loop3A_442 : i32
      %parallel_loop3A_445 = arith.index_cast %parallel_loop3A_444 : i32 to index
      %parallel_loop3A_446 = tpu.vector_load %arg5[%parallel_loop3A_445] {strides = array<i32>} : memref<4224xi32, #tpu.memory_space<vmem>>, vector<16xi32>,
      %parallel_loop3A_447 = arith.addi %parallel_loop3A_440, %parallel_loop3A_446 : vector<16xi32>
      %parallel_loop3A_448 = arith.constant 16 : i32
      %parallel_loop3A_449 = arith.muli %parallel_loop3A_415, %parallel_loop3A_448 : i32
      %parallel_loop3A_450 = arith.constant 1285 : i32
      %parallel_loop3A_451 = arith.addi %parallel_loop3A_450, %parallel_loop3A_449 : i32
      %parallel_loop3A_452 = arith.index_cast %parallel_loop3A_451 : i32 to index
      %parallel_loop3A_453 = tpu.vector_load %arg5[%parallel_loop3A_452] {strides = array<i32>} : memref<4224xi32, #tpu.memory_space<vmem>>, vector<16xi32>,
      %parallel_loop3A_454 = arith.addi %parallel_loop3A_447, %parallel_loop3A_453 : vector<16xi32>
      %parallel_loop3A_455 = arith.constant 16 : i32
      %parallel_loop3A_456 = arith.muli %parallel_loop3A_415, %parallel_loop3A_455 : i32
      %parallel_loop3A_457 = arith.constant 1542 : i32
      %parallel_loop3A_458 = arith.addi %parallel_loop3A_457, %parallel_loop3A_456 : i32
      %parallel_loop3A_459 = arith.index_cast %parallel_loop3A_458 : i32 to index
      %parallel_loop3A_460 = tpu.vector_load %arg5[%parallel_loop3A_459] {strides = array<i32>} : memref<4224xi32, #tpu.memory_space<vmem>>, vector<16xi32>,
      %parallel_loop3A_461 = arith.addi %parallel_loop3A_454, %parallel_loop3A_460 : vector<16xi32>
      %parallel_loop3A_462 = arith.constant 16 : i32
      %parallel_loop3A_463 = arith.muli %parallel_loop3A_415, %parallel_loop3A_462 : i32
      %parallel_loop3A_464 = arith.constant 1799 : i32
      %parallel_loop3A_465 = arith.addi %parallel_loop3A_464, %parallel_loop3A_463 : i32
      %parallel_loop3A_466 = arith.index_cast %parallel_loop3A_465 : i32 to index
      %parallel_loop3A_467 = tpu.vector_load %arg5[%parallel_loop3A_466] {strides = array<i32>} : memref<4224xi32, #tpu.memory_space<vmem>>, vector<16xi32>,
      %parallel_loop3A_468 = arith.addi %parallel_loop3A_461, %parallel_loop3A_467 : vector<16xi32>
      %parallel_loop3A_469 = arith.constant 16 : i32
      %parallel_loop3A_470 = arith.muli %parallel_loop3A_415, %parallel_loop3A_469 : i32
      %parallel_loop3A_471 = arith.constant 2056 : i32
      %parallel_loop3A_472 = arith.addi %parallel_loop3A_471, %parallel_loop3A_470 : i32
      %parallel_loop3A_473 = arith.index_cast %parallel_loop3A_472 : i32 to index
      %parallel_loop3A_474 = tpu.vector_load %arg5[%parallel_loop3A_473] {strides = array<i32>} : memref<4224xi32, #tpu.memory_space<vmem>>, vector<16xi32>,
      %parallel_loop3A_475 = arith.addi %parallel_loop3A_468, %parallel_loop3A_474 : vector<16xi32>
      %parallel_loop3A_476 = arith.constant 16 : i32
      %parallel_loop3A_477 = arith.muli %parallel_loop3A_415, %parallel_loop3A_476 : i32
      %parallel_loop3A_478 = arith.constant 2313 : i32
      %parallel_loop3A_479 = arith.addi %parallel_loop3A_478, %parallel_loop3A_477 : i32
      %parallel_loop3A_480 = arith.index_cast %parallel_loop3A_479 : i32 to index
      %parallel_loop3A_481 = tpu.vector_load %arg5[%parallel_loop3A_480] {strides = array<i32>} : memref<4224xi32, #tpu.memory_space<vmem>>, vector<16xi32>,
      %parallel_loop3A_482 = arith.addi %parallel_loop3A_475, %parallel_loop3A_481 : vector<16xi32>
      %parallel_loop3A_483 = arith.constant 16 : i32
      %parallel_loop3A_484 = arith.muli %parallel_loop3A_415, %parallel_loop3A_483 : i32
      %parallel_loop3A_485 = arith.constant 2570 : i32
      %parallel_loop3A_486 = arith.addi %parallel_loop3A_485, %parallel_loop3A_484 : i32
      %parallel_loop3A_487 = arith.index_cast %parallel_loop3A_486 : i32 to index
      %parallel_loop3A_488 = tpu.vector_load %arg5[%parallel_loop3A_487] {strides = array<i32>} : memref<4224xi32, #tpu.memory_space<vmem>>, vector<16xi32>,
      %parallel_loop3A_489 = arith.addi %parallel_loop3A_482, %parallel_loop3A_488 : vector<16xi32>
      %parallel_loop3A_490 = arith.constant 16 : i32
      %parallel_loop3A_491 = arith.muli %parallel_loop3A_415, %parallel_loop3A_490 : i32
      %parallel_loop3A_492 = arith.constant 2827 : i32
      %parallel_loop3A_493 = arith.addi %parallel_loop3A_492, %parallel_loop3A_491 : i32
      %parallel_loop3A_494 = arith.index_cast %parallel_loop3A_493 : i32 to index
      %parallel_loop3A_495 = tpu.vector_load %arg5[%parallel_loop3A_494] {strides = array<i32>} : memref<4224xi32, #tpu.memory_space<vmem>>, vector<16xi32>,
      %parallel_loop3A_496 = arith.addi %parallel_loop3A_489, %parallel_loop3A_495 : vector<16xi32>
      %parallel_loop3A_497 = arith.constant 16 : i32
      %parallel_loop3A_498 = arith.muli %parallel_loop3A_415, %parallel_loop3A_497 : i32
      %parallel_loop3A_499 = arith.constant 3084 : i32
      %parallel_loop3A_500 = arith.addi %parallel_loop3A_499, %parallel_loop3A_498 : i32
      %parallel_loop3A_501 = arith.index_cast %parallel_loop3A_500 : i32 to index
      %parallel_loop3A_502 = tpu.vector_load %arg5[%parallel_loop3A_501] {strides = array<i32>} : memref<4224xi32, #tpu.memory_space<vmem>>, vector<16xi32>,
      %parallel_loop3A_503 = arith.addi %parallel_loop3A_496, %parallel_loop3A_502 : vector<16xi32>
      %parallel_loop3A_504 = arith.constant 16 : i32
      %parallel_loop3A_505 = arith.muli %parallel_loop3A_415, %parallel_loop3A_504 : i32
      %parallel_loop3A_506 = arith.constant 3341 : i32
      %parallel_loop3A_507 = arith.addi %parallel_loop3A_506, %parallel_loop3A_505 : i32
      %parallel_loop3A_508 = arith.index_cast %parallel_loop3A_507 : i32 to index
      %parallel_loop3A_509 = tpu.vector_load %arg5[%parallel_loop3A_508] {strides = array<i32>} : memref<4224xi32, #tpu.memory_space<vmem>>, vector<16xi32>,
      %parallel_loop3A_510 = arith.addi %parallel_loop3A_503, %parallel_loop3A_509 : vector<16xi32>
      %parallel_loop3A_511 = arith.constant 16 : i32
      %parallel_loop3A_512 = arith.muli %parallel_loop3A_415, %parallel_loop3A_511 : i32
      %parallel_loop3A_513 = arith.constant 3598 : i32
      %parallel_loop3A_514 = arith.addi %parallel_loop3A_513, %parallel_loop3A_512 : i32
      %parallel_loop3A_515 = arith.index_cast %parallel_loop3A_514 : i32 to index
      %parallel_loop3A_516 = tpu.vector_load %arg5[%parallel_loop3A_515] {strides = array<i32>} : memref<4224xi32, #tpu.memory_space<vmem>>, vector<16xi32>,
      %parallel_loop3A_517 = arith.addi %parallel_loop3A_510, %parallel_loop3A_516 : vector<16xi32>
      %parallel_loop3A_518 = arith.constant 16 : i32
      %parallel_loop3A_519 = arith.muli %parallel_loop3A_415, %parallel_loop3A_518 : i32
      %parallel_loop3A_520 = arith.constant 3855 : i32
      %parallel_loop3A_521 = arith.addi %parallel_loop3A_520, %parallel_loop3A_519 : i32
      %parallel_loop3A_522 = arith.index_cast %parallel_loop3A_521 : i32 to index
      %parallel_loop3A_523 = tpu.vector_load %arg5[%parallel_loop3A_522] {strides = array<i32>} : memref<4224xi32, #tpu.memory_space<vmem>>, vector<16xi32>,
      %parallel_loop3A_524 = arith.addi %parallel_loop3A_517, %parallel_loop3A_523 : vector<16xi32>
      %parallel_loop3A_525 = arith.constant 16 : i32
      %parallel_loop3A_526 = arith.muli %parallel_loop3A_415, %parallel_loop3A_525 : i32
      %parallel_loop3A_527 = arith.index_cast %parallel_loop3A_526 : i32 to index
      %parallel_loop3A_528 = tpu.vector_load %arg6[%parallel_loop3A_527] {strides = array<i32>} : memref<264xi32, #tpu.memory_space<vmem>>, vector<16xi32>,
      tpu.vector_store %arg6[%parallel_loop3A_527], %parallel_loop3A_524 {strides = array<i32>} : memref<264xi32, #tpu.memory_space<vmem>>, vector<16xi32>,
    } {sc.loop_unroll_factor = 2 : i64, sc.parallel_access}
    %barrier3A_89 = arith.constant 0 : index
    tpu.barrier barrier_id(%barrier3A_89)
    %mul3A_90 = arith.constant 256 : i32
    %mul3A_91 = arith.muli %arg1, %mul3A_90 : i32
    "tpu.region"() ({
      %run_scoped3A = tpu.sem_alloc : memref<!tpu.dma_semaphore, #tpu.memory_space<semaphore_mem>>
      %dma_start3A_415 = arith.constant 0 : i32
      %dma_start3A_416 = tpu.memref_slice %arg6[%dma_start3A_415] : memref<264xi32, #tpu.memory_space<vmem>> -> memref<256xi32, #tpu.memory_space<vmem>>
      %dma_start3A_417 = tpu.memref_slice %arg8[%mul3A_91] : memref<4096xi32, #tpu.memory_space<vmem_shared>> -> memref<256xi32, #tpu.memory_space<vmem_shared>>
      %dma_start3A_418 = tpu.memref_slice %arg8[%mul3A_91] : memref<4096xi32, #tpu.memory_space<vmem_shared>> -> memref<256xi32, #tpu.memory_space<vmem_shared>>
      %dma_start3A_419 = arith.constant 0 : i32
      %dma_start3A_420 = tpu.memref_slice %arg6[%dma_start3A_419] : memref<264xi32, #tpu.memory_space<vmem>> -> memref<256xi32, #tpu.memory_space<vmem>>
      tpu.enqueue_dma source(%dma_start3A_420 : memref<256xi32, #tpu.memory_space<vmem>>) target(%dma_start3A_418 : memref<256xi32, #tpu.memory_space<vmem_shared>>) target_semaphore(%run_scoped3A : memref<!tpu.dma_semaphore, #tpu.memory_space<semaphore_mem>>)
      %dma_wait3A_421 = arith.constant 0 : i32
      %dma_wait3A_422 = tpu.memref_slice %arg6[%dma_wait3A_421] : memref<264xi32, #tpu.memory_space<vmem>> -> memref<256xi32, #tpu.memory_space<vmem>>
      %dma_wait3A_423 = tpu.memref_slice %arg8[%mul3A_91] : memref<4096xi32, #tpu.memory_space<vmem_shared>> -> memref<256xi32, #tpu.memory_space<vmem_shared>>
      %dma_wait3A_424 = tpu.memref_slice %arg8[%mul3A_91] : memref<4096xi32, #tpu.memory_space<vmem_shared>> -> memref<256xi32, #tpu.memory_space<vmem_shared>>
      %dma_wait3A_425 = arith.constant 0 : i32
      %dma_wait3A_426 = tpu.memref_slice %arg6[%dma_wait3A_425] : memref<264xi32, #tpu.memory_space<vmem>> -> memref<256xi32, #tpu.memory_space<vmem>>
      tpu.wait_dma2 semaphore(%run_scoped3A : memref<!tpu.dma_semaphore, #tpu.memory_space<semaphore_mem>>) src(%dma_wait3A_426 : memref<256xi32, #tpu.memory_space<vmem>>) dst(%dma_wait3A_424 : memref<256xi32, #tpu.memory_space<vmem_shared>>)
      tpu.yield
    }) : () -> ()
    %barrier3A_92 = arith.constant 0 : index
    tpu.barrier barrier_id(%barrier3A_92)
    "tpu.region"() ({
      %run_scoped3A = tpu.sem_alloc : memref<!tpu.dma_semaphore, #tpu.memory_space<semaphore_mem>>
      %dma_start3A_415 = arith.constant 0 : i32
      %dma_start3A_416 = tpu.memref_slice %arg5[%dma_start3A_415] : memref<4224xi32, #tpu.memory_space<vmem>> -> memref<4096xi32, #tpu.memory_space<vmem>>
      %dma_start3A_417 = arith.constant 0 : i32
      %dma_start3A_418 = tpu.memref_slice %arg5[%dma_start3A_417] : memref<4224xi32, #tpu.memory_space<vmem>> -> memref<4096xi32, #tpu.memory_space<vmem>>
      tpu.enqueue_dma source(%arg8 : memref<4096xi32, #tpu.memory_space<vmem_shared>>) target(%dma_start3A_418 : memref<4096xi32, #tpu.memory_space<vmem>>) target_semaphore(%run_scoped3A : memref<!tpu.dma_semaphore, #tpu.memory_space<semaphore_mem>>)
      %dma_wait3A_419 = arith.constant 0 : i32
      %dma_wait3A_420 = tpu.memref_slice %arg5[%dma_wait3A_419] : memref<4224xi32, #tpu.memory_space<vmem>> -> memref<4096xi32, #tpu.memory_space<vmem>>
      %dma_wait3A_421 = arith.constant 0 : i32
      %dma_wait3A_422 = tpu.memref_slice %arg5[%dma_wait3A_421] : memref<4224xi32, #tpu.memory_space<vmem>> -> memref<4096xi32, #tpu.memory_space<vmem>>
      tpu.wait_dma2 semaphore(%run_scoped3A : memref<!tpu.dma_semaphore, #tpu.memory_space<semaphore_mem>>) src(%arg8 : memref<4096xi32, #tpu.memory_space<vmem_shared>>) dst(%dma_wait3A_422 : memref<4096xi32, #tpu.memory_space<vmem>>)
      tpu.yield
    }) : () -> ()
    %parallel_loop3A_93 = arith.constant 0 : i32
    %parallel_loop3A_94 = arith.constant 16 : i32
    %parallel_loop3A_95 = arith.constant 1 : i32
    scf.for %parallel_loop3A_415 = %parallel_loop3A_93 to %parallel_loop3A_94 step %parallel_loop3A_95  : i32 {
      %parallel_loop3A_416 = arith.constant 16 : i32
      %parallel_loop3A_417 = arith.muli %parallel_loop3A_415, %parallel_loop3A_416 : i32
      %parallel_loop3A_418 = arith.index_cast %parallel_loop3A_417 : i32 to index
      %parallel_loop3A_419 = tpu.vector_load %arg5[%parallel_loop3A_418] {strides = array<i32>} : memref<4224xi32, #tpu.memory_space<vmem>>, vector<16xi32>,
      %parallel_loop3A_420 = arith.constant 16 : i32
      %parallel_loop3A_421 = arith.muli %parallel_loop3A_415, %parallel_loop3A_420 : i32
      %parallel_loop3A_422 = arith.constant 256 : i32
      %parallel_loop3A_423 = arith.addi %parallel_loop3A_422, %parallel_loop3A_421 : i32
      %parallel_loop3A_424 = arith.index_cast %parallel_loop3A_423 : i32 to index
      %parallel_loop3A_425 = tpu.vector_load %arg5[%parallel_loop3A_424] {strides = array<i32>} : memref<4224xi32, #tpu.memory_space<vmem>>, vector<16xi32>,
      %parallel_loop3A_426 = arith.addi %parallel_loop3A_419, %parallel_loop3A_425 : vector<16xi32>
      %parallel_loop3A_427 = arith.constant 16 : i32
      %parallel_loop3A_428 = arith.muli %parallel_loop3A_415, %parallel_loop3A_427 : i32
      %parallel_loop3A_429 = arith.constant 512 : i32
      %parallel_loop3A_430 = arith.addi %parallel_loop3A_429, %parallel_loop3A_428 : i32
      %parallel_loop3A_431 = arith.index_cast %parallel_loop3A_430 : i32 to index
      %parallel_loop3A_432 = tpu.vector_load %arg5[%parallel_loop3A_431] {strides = array<i32>} : memref<4224xi32, #tpu.memory_space<vmem>>, vector<16xi32>,
      %parallel_loop3A_433 = arith.addi %parallel_loop3A_426, %parallel_loop3A_432 : vector<16xi32>
      %parallel_loop3A_434 = arith.constant 16 : i32
      %parallel_loop3A_435 = arith.muli %parallel_loop3A_415, %parallel_loop3A_434 : i32
      %parallel_loop3A_436 = arith.constant 768 : i32
      %parallel_loop3A_437 = arith.addi %parallel_loop3A_436, %parallel_loop3A_435 : i32
      %parallel_loop3A_438 = arith.index_cast %parallel_loop3A_437 : i32 to index
      %parallel_loop3A_439 = tpu.vector_load %arg5[%parallel_loop3A_438] {strides = array<i32>} : memref<4224xi32, #tpu.memory_space<vmem>>, vector<16xi32>,
      %parallel_loop3A_440 = arith.addi %parallel_loop3A_433, %parallel_loop3A_439 : vector<16xi32>
      %parallel_loop3A_441 = arith.constant 16 : i32
      %parallel_loop3A_442 = arith.muli %parallel_loop3A_415, %parallel_loop3A_441 : i32
      %parallel_loop3A_443 = arith.constant 1024 : i32
      %parallel_loop3A_444 = arith.addi %parallel_loop3A_443, %parallel_loop3A_442 : i32
      %parallel_loop3A_445 = arith.index_cast %parallel_loop3A_444 : i32 to index
      %parallel_loop3A_446 = tpu.vector_load %arg5[%parallel_loop3A_445] {strides = array<i32>} : memref<4224xi32, #tpu.memory_space<vmem>>, vector<16xi32>,
      %parallel_loop3A_447 = arith.addi %parallel_loop3A_440, %parallel_loop3A_446 : vector<16xi32>
      %parallel_loop3A_448 = arith.constant 16 : i32
      %parallel_loop3A_449 = arith.muli %parallel_loop3A_415, %parallel_loop3A_448 : i32
      %parallel_loop3A_450 = arith.constant 1280 : i32
      %parallel_loop3A_451 = arith.addi %parallel_loop3A_450, %parallel_loop3A_449 : i32
      %parallel_loop3A_452 = arith.index_cast %parallel_loop3A_451 : i32 to index
      %parallel_loop3A_453 = tpu.vector_load %arg5[%parallel_loop3A_452] {strides = array<i32>} : memref<4224xi32, #tpu.memory_space<vmem>>, vector<16xi32>,
      %parallel_loop3A_454 = arith.addi %parallel_loop3A_447, %parallel_loop3A_453 : vector<16xi32>
      %parallel_loop3A_455 = arith.constant 16 : i32
      %parallel_loop3A_456 = arith.muli %parallel_loop3A_415, %parallel_loop3A_455 : i32
      %parallel_loop3A_457 = arith.constant 1536 : i32
      %parallel_loop3A_458 = arith.addi %parallel_loop3A_457, %parallel_loop3A_456 : i32
      %parallel_loop3A_459 = arith.index_cast %parallel_loop3A_458 : i32 to index
      %parallel_loop3A_460 = tpu.vector_load %arg5[%parallel_loop3A_459] {strides = array<i32>} : memref<4224xi32, #tpu.memory_space<vmem>>, vector<16xi32>,
      %parallel_loop3A_461 = arith.addi %parallel_loop3A_454, %parallel_loop3A_460 : vector<16xi32>
      %parallel_loop3A_462 = arith.constant 16 : i32
      %parallel_loop3A_463 = arith.muli %parallel_loop3A_415, %parallel_loop3A_462 : i32
      %parallel_loop3A_464 = arith.constant 1792 : i32
      %parallel_loop3A_465 = arith.addi %parallel_loop3A_464, %parallel_loop3A_463 : i32
      %parallel_loop3A_466 = arith.index_cast %parallel_loop3A_465 : i32 to index
      %parallel_loop3A_467 = tpu.vector_load %arg5[%parallel_loop3A_466] {strides = array<i32>} : memref<4224xi32, #tpu.memory_space<vmem>>, vector<16xi32>,
      %parallel_loop3A_468 = arith.addi %parallel_loop3A_461, %parallel_loop3A_467 : vector<16xi32>
      %parallel_loop3A_469 = arith.constant 16 : i32
      %parallel_loop3A_470 = arith.muli %parallel_loop3A_415, %parallel_loop3A_469 : i32
      %parallel_loop3A_471 = arith.constant 2048 : i32
      %parallel_loop3A_472 = arith.addi %parallel_loop3A_471, %parallel_loop3A_470 : i32
      %parallel_loop3A_473 = arith.index_cast %parallel_loop3A_472 : i32 to index
      %parallel_loop3A_474 = tpu.vector_load %arg5[%parallel_loop3A_473] {strides = array<i32>} : memref<4224xi32, #tpu.memory_space<vmem>>, vector<16xi32>,
      %parallel_loop3A_475 = arith.addi %parallel_loop3A_468, %parallel_loop3A_474 : vector<16xi32>
      %parallel_loop3A_476 = arith.constant 16 : i32
      %parallel_loop3A_477 = arith.muli %parallel_loop3A_415, %parallel_loop3A_476 : i32
      %parallel_loop3A_478 = arith.constant 2304 : i32
      %parallel_loop3A_479 = arith.addi %parallel_loop3A_478, %parallel_loop3A_477 : i32
      %parallel_loop3A_480 = arith.index_cast %parallel_loop3A_479 : i32 to index
      %parallel_loop3A_481 = tpu.vector_load %arg5[%parallel_loop3A_480] {strides = array<i32>} : memref<4224xi32, #tpu.memory_space<vmem>>, vector<16xi32>,
      %parallel_loop3A_482 = arith.addi %parallel_loop3A_475, %parallel_loop3A_481 : vector<16xi32>
      %parallel_loop3A_483 = arith.constant 16 : i32
      %parallel_loop3A_484 = arith.muli %parallel_loop3A_415, %parallel_loop3A_483 : i32
      %parallel_loop3A_485 = arith.constant 2560 : i32
      %parallel_loop3A_486 = arith.addi %parallel_loop3A_485, %parallel_loop3A_484 : i32
      %parallel_loop3A_487 = arith.index_cast %parallel_loop3A_486 : i32 to index
      %parallel_loop3A_488 = tpu.vector_load %arg5[%parallel_loop3A_487] {strides = array<i32>} : memref<4224xi32, #tpu.memory_space<vmem>>, vector<16xi32>,
      %parallel_loop3A_489 = arith.addi %parallel_loop3A_482, %parallel_loop3A_488 : vector<16xi32>
      %parallel_loop3A_490 = arith.constant 16 : i32
      %parallel_loop3A_491 = arith.muli %parallel_loop3A_415, %parallel_loop3A_490 : i32
      %parallel_loop3A_492 = arith.constant 2816 : i32
      %parallel_loop3A_493 = arith.addi %parallel_loop3A_492, %parallel_loop3A_491 : i32
      %parallel_loop3A_494 = arith.index_cast %parallel_loop3A_493 : i32 to index
      %parallel_loop3A_495 = tpu.vector_load %arg5[%parallel_loop3A_494] {strides = array<i32>} : memref<4224xi32, #tpu.memory_space<vmem>>, vector<16xi32>,
      %parallel_loop3A_496 = arith.addi %parallel_loop3A_489, %parallel_loop3A_495 : vector<16xi32>
      %parallel_loop3A_497 = arith.constant 16 : i32
      %parallel_loop3A_498 = arith.muli %parallel_loop3A_415, %parallel_loop3A_497 : i32
      %parallel_loop3A_499 = arith.constant 3072 : i32
      %parallel_loop3A_500 = arith.addi %parallel_loop3A_499, %parallel_loop3A_498 : i32
      %parallel_loop3A_501 = arith.index_cast %parallel_loop3A_500 : i32 to index
      %parallel_loop3A_502 = tpu.vector_load %arg5[%parallel_loop3A_501] {strides = array<i32>} : memref<4224xi32, #tpu.memory_space<vmem>>, vector<16xi32>,
      %parallel_loop3A_503 = arith.addi %parallel_loop3A_496, %parallel_loop3A_502 : vector<16xi32>
      %parallel_loop3A_504 = arith.constant 16 : i32
      %parallel_loop3A_505 = arith.muli %parallel_loop3A_415, %parallel_loop3A_504 : i32
      %parallel_loop3A_506 = arith.constant 3328 : i32
      %parallel_loop3A_507 = arith.addi %parallel_loop3A_506, %parallel_loop3A_505 : i32
      %parallel_loop3A_508 = arith.index_cast %parallel_loop3A_507 : i32 to index
      %parallel_loop3A_509 = tpu.vector_load %arg5[%parallel_loop3A_508] {strides = array<i32>} : memref<4224xi32, #tpu.memory_space<vmem>>, vector<16xi32>,
      %parallel_loop3A_510 = arith.addi %parallel_loop3A_503, %parallel_loop3A_509 : vector<16xi32>
      %parallel_loop3A_511 = arith.constant 16 : i32
      %parallel_loop3A_512 = arith.muli %parallel_loop3A_415, %parallel_loop3A_511 : i32
      %parallel_loop3A_513 = arith.constant 3584 : i32
      %parallel_loop3A_514 = arith.addi %parallel_loop3A_513, %parallel_loop3A_512 : i32
      %parallel_loop3A_515 = arith.index_cast %parallel_loop3A_514 : i32 to index
      %parallel_loop3A_516 = tpu.vector_load %arg5[%parallel_loop3A_515] {strides = array<i32>} : memref<4224xi32, #tpu.memory_space<vmem>>, vector<16xi32>,
      %parallel_loop3A_517 = arith.addi %parallel_loop3A_510, %parallel_loop3A_516 : vector<16xi32>
      %parallel_loop3A_518 = arith.constant 16 : i32
      %parallel_loop3A_519 = arith.muli %parallel_loop3A_415, %parallel_loop3A_518 : i32
      %parallel_loop3A_520 = arith.constant 3840 : i32
      %parallel_loop3A_521 = arith.addi %parallel_loop3A_520, %parallel_loop3A_519 : i32
      %parallel_loop3A_522 = arith.index_cast %parallel_loop3A_521 : i32 to index
      %parallel_loop3A_523 = tpu.vector_load %arg5[%parallel_loop3A_522] {strides = array<i32>} : memref<4224xi32, #tpu.memory_space<vmem>>, vector<16xi32>,
      %parallel_loop3A_524 = arith.addi %parallel_loop3A_517, %parallel_loop3A_523 : vector<16xi32>
      %parallel_loop3A_525 = arith.constant 16 : i32
      %parallel_loop3A_526 = arith.muli %parallel_loop3A_415, %parallel_loop3A_525 : i32
      %parallel_loop3A_527 = arith.index_cast %parallel_loop3A_526 : i32 to index
      %parallel_loop3A_528 = tpu.vector_load %arg6[%parallel_loop3A_527] {strides = array<i32>} : memref<264xi32, #tpu.memory_space<vmem>>, vector<16xi32>,
      tpu.vector_store %arg6[%parallel_loop3A_527], %parallel_loop3A_524 {strides = array<i32>} : memref<264xi32, #tpu.memory_space<vmem>>, vector<16xi32>,
    } {sc.loop_unroll_factor = 2 : i64, sc.parallel_access}
    %scan3A = arith.constant 10485 : i32
    %scan3A_96 = arith.constant 0 : i32
    %scan3A_97 = arith.constant 0 : i32
    %scan3A_98 = arith.constant 0 : i32
    %scan3A_99 = arith.constant 0 : i32
    %scan3A_100 = arith.constant 0 : i32
    %scan3A_101 = arith.constant 16 : i32
    %scan3A_102 = arith.addi %scan3A_100, %scan3A_101 : i32
    %scan3A_103 = arith.constant 1 : i32
    %scan3A_104:4 = scf.for %scan3A_415 = %scan3A_100 to %scan3A_102 step %scan3A_103 iter_args(%scan3A_416 = %scan3A_96, %scan3A_417 = %scan3A_97, %scan3A_418 = %scan3A_98, %scan3A_419 = %scan3A_99) -> (i32, i32, i32, i32)  : i32 {
      %sub3A_420 = arith.constant 15 : i32
      %sub3A_421 = arith.subi %sub3A_420, %scan3A_415 : i32
      %mul3A_422 = arith.constant 16 : i32
      %mul3A_423 = arith.muli %sub3A_421, %mul3A_422 : i32
      %get3A_424 = arith.index_cast %mul3A_423 : i32 to index
      %get3A_425 = tpu.vector_load %arg6[%get3A_424] {strides = array<i32>} : memref<264xi32, #tpu.memory_space<vmem>>, vector<16xi32>,
      %reduce_sum3A_426 = arith.constant true
      %reduce_sum3A_427 = vector.broadcast %reduce_sum3A_426 : i1 to vector<16xi1>
      %reduce_sum3A_428 = tpu.scan <sum>, %get3A_425 masked %reduce_sum3A_427 : vector<16xi32>, vector<16xi1> -> vector<16xi32>
      %reduce_sum3A_429 = vector.extract %reduce_sum3A_428[15] : i32 from vector<16xi32>
      %eq3A_430 = arith.constant 0 : i32
      %eq3A_431 = arith.cmpi eq, %scan3A_419, %eq3A_430 : i32
      %add3A_432 = arith.addi %scan3A_416, %reduce_sum3A_429 : i32
      %ge3A_433 = arith.cmpi sge, %add3A_432, %scan3A : i32
      %and3A_434 = arith.andi %eq3A_431, %ge3A_433 : i1
      %select_n3A_435 = arith.select %and3A_434, %sub3A_421, %scan3A_417 : i32
      %select_n3A_436 = arith.select %and3A_434, %scan3A_416, %scan3A_418 : i32
      %eq3A_437 = arith.constant 0 : i32
      %eq3A_438 = arith.cmpi eq, %scan3A_419, %eq3A_437 : i32
      %add3A_439 = arith.addi %scan3A_416, %reduce_sum3A_429 : i32
      %select_n3A_440 = arith.select %eq3A_438, %add3A_439, %scan3A_416 : i32
      %jit3A_441 = arith.constant 1 : i32
      %select_n3A_442 = arith.select %and3A_434, %jit3A_441, %scan3A_419 : i32
      scf.yield %select_n3A_440, %select_n3A_435, %select_n3A_436, %select_n3A_442 : i32, i32, i32, i32
    }
    %scan3A_105 = arith.constant 16 : i32
    %mul3A_106 = arith.constant 16 : i32
    %mul3A_107 = arith.muli %scan3A_104#1, %mul3A_106 : i32
    %get3A = arith.index_cast %mul3A_107 : i32 to index
    %get3A_108 = tpu.vector_load %arg6[%get3A] {strides = array<i32>} : memref<264xi32, #tpu.memory_space<vmem>>, vector<16xi32>,
    %reduce_sum3A = arith.constant true
    %reduce_sum3A_109 = vector.broadcast %reduce_sum3A : i1 to vector<16xi1>
    %reduce_sum3A_110 = tpu.scan <sum>, %get3A_108 masked %reduce_sum3A_109 : vector<16xi32>, vector<16xi1> -> vector<16xi32>
    %reduce_sum3A_111 = vector.extract %reduce_sum3A_110[15] : i32 from vector<16xi32>
    %cumsum3A = arith.constant true
    %cumsum3A_112 = vector.broadcast %cumsum3A : i1 to vector<16xi1>
    %cumsum3A_113 = tpu.scan <sum>, %get3A_108 masked %cumsum3A_112 : vector<16xi32>, vector<16xi1> -> vector<16xi32>
    %sub3A = vector.broadcast %reduce_sum3A_111 : i32 to vector<16xi32>
    %sub3A_114 = arith.subi %sub3A, %cumsum3A_113 : vector<16xi32>
    %add3A_115 = arith.addi %sub3A_114, %get3A_108 : vector<16xi32>
    %add3A_116 = vector.broadcast %scan3A_104#2 : i32 to vector<16xi32>
    %add3A_117 = arith.addi %add3A_116, %add3A_115 : vector<16xi32>
    %ge3A = arith.constant 10485 : i32
    %ge3A_118 = vector.broadcast %ge3A : i32 to vector<16xi32>
    %ge3A_119 = arith.cmpi sge, %add3A_117, %ge3A_118 : vector<16xi32>
    %jit3A = arith.constant -1 : i32
    %broadcast_in_dim3A_120 = vector.broadcast %jit3A : i32 to vector<16xi32>
    %select_n3A = arith.select %ge3A_119, %iota3A, %broadcast_in_dim3A_120 : vector<16xi1>, vector<16xi32>
    %reduce_max3A = arith.constant true
    %reduce_max3A_121 = vector.broadcast %reduce_max3A : i1 to vector<16xi1>
    %reduce_max3A_122 = arith.constant -2147483648 : i32
    %reduce_max3A_123 = vector.broadcast %reduce_max3A_122 : i32 to vector<16xi32>
    %reduce_max3A_124 = arith.xori %select_n3A, %reduce_max3A_123 : vector<16xi32>
    %reduce_max3A_125 = tpu.scan <max>, %reduce_max3A_124 masked %reduce_max3A_121 : vector<16xi32>, vector<16xi1> -> vector<16xi32>
    %reduce_max3A_126 = arith.xori %reduce_max3A_125, %reduce_max3A_123 : vector<16xi32>
    %reduce_max3A_127 = vector.extract %reduce_max3A_126[15] : i32 from vector<16xi32>
    %eq3A = vector.broadcast %reduce_max3A_127 : i32 to vector<16xi32>
    %eq3A_128 = arith.cmpi eq, %iota3A, %eq3A : vector<16xi32>
    %jit3A_129 = arith.constant 0 : i32
    %broadcast_in_dim3A_130 = vector.broadcast %jit3A_129 : i32 to vector<16xi32>
    %select_n3A_131 = arith.select %eq3A_128, %add3A_115, %broadcast_in_dim3A_130 : vector<16xi1>, vector<16xi32>
    %reduce_sum3A_132 = arith.constant true
    %reduce_sum3A_133 = vector.broadcast %reduce_sum3A_132 : i1 to vector<16xi1>
    %reduce_sum3A_134 = tpu.scan <sum>, %select_n3A_131 masked %reduce_sum3A_133 : vector<16xi32>, vector<16xi1> -> vector<16xi32>
    %reduce_sum3A_135 = vector.extract %reduce_sum3A_134[15] : i32 from vector<16xi32>
    %eq3A_136 = vector.broadcast %reduce_max3A_127 : i32 to vector<16xi32>
    %eq3A_137 = arith.cmpi eq, %iota3A, %eq3A_136 : vector<16xi32>
    %jit3A_138 = arith.constant 0 : i32
    %broadcast_in_dim3A_139 = vector.broadcast %jit3A_138 : i32 to vector<16xi32>
    %select_n3A_140 = arith.select %eq3A_137, %get3A_108, %broadcast_in_dim3A_139 : vector<16xi1>, vector<16xi32>
    %reduce_sum3A_141 = arith.constant true
    %reduce_sum3A_142 = vector.broadcast %reduce_sum3A_141 : i1 to vector<16xi1>
    %reduce_sum3A_143 = tpu.scan <sum>, %select_n3A_140 masked %reduce_sum3A_142 : vector<16xi32>, vector<16xi1> -> vector<16xi32>
    %reduce_sum3A_144 = vector.extract %reduce_sum3A_143[15] : i32 from vector<16xi32>
    %mul3A_145 = arith.constant 16 : i32
    %mul3A_146 = arith.muli %scan3A_104#1, %mul3A_145 : i32
    %add3A_147 = arith.addi %mul3A_146, %reduce_max3A_127 : i32
    %add3A_148 = arith.addi %scan3A_104#2, %reduce_sum3A_135 : i32
    %sub3A_149 = arith.subi %add3A_148, %reduce_sum3A_144 : i32
    %sub3A_150 = arith.constant 10485 : i32
    %sub3A_151 = arith.subi %sub3A_150, %sub3A_149 : i32
    %shift_left3A = arith.constant 0 : i32
    %shift_left3A_152 = arith.constant 8 : i32
    %shift_left3A_153 = arith.shli %shift_left3A, %shift_left3A_152 : i32
    %or3A = arith.ori %shift_left3A_153, %add3A_147 : i32
    "tpu.region"() ({
      %run_scoped3A = tpu.sem_alloc : memref<!tpu.dma_semaphore, #tpu.memory_space<semaphore_mem>>
      tpu.enqueue_dma source(%arg9 : memref<4224xi32, #tpu.memory_space<vmem_shared>>) target(%arg5 : memref<4224xi32, #tpu.memory_space<vmem>>) target_semaphore(%run_scoped3A : memref<!tpu.dma_semaphore, #tpu.memory_space<semaphore_mem>>)
      tpu.wait_dma2 semaphore(%run_scoped3A : memref<!tpu.dma_semaphore, #tpu.memory_space<semaphore_mem>>) src(%arg9 : memref<4224xi32, #tpu.memory_space<vmem_shared>>) dst(%arg5 : memref<4224xi32, #tpu.memory_space<vmem>>)
      tpu.yield
    }) : () -> ()
    %parallel_loop3A_154 = arith.constant 0 : i32
    %parallel_loop3A_155 = arith.constant 65536 : i32
    %parallel_loop3A_156 = arith.constant 16 : i32
    %parallel_loop3A_157 = arith.constant 255 : i32
    scf.for %parallel_loop3A_415 = %parallel_loop3A_154 to %parallel_loop3A_155 step %parallel_loop3A_156  : i32 {
      %parallel_loop3A_416 = arith.index_cast %parallel_loop3A_415 : i32 to index
      %parallel_loop3A_417 = tpu.vector_load %arg4[%parallel_loop3A_416] {strides = array<i32>} : memref<65536xf32, #tpu.memory_space<vmem>>, vector<16xf32>,
      %parallel_loop3A_418 = tpu.bitcast %parallel_loop3A_417 : vector<16xf32> -> vector<16xi32>
      %parallel_loop3A_419 = arith.constant 15 : i32
      %parallel_loop3A_420 = vector.broadcast %parallel_loop3A_419 : i32 to vector<16xi32>
      %parallel_loop3A_421 = arith.shrui %parallel_loop3A_418, %parallel_loop3A_420 : vector<16xi32>
      %parallel_loop3A_422 = vector.broadcast %parallel_loop3A_157 : i32 to vector<16xi32>
      %parallel_loop3A_423 = arith.andi %parallel_loop3A_421, %parallel_loop3A_422 : vector<16xi32>
      %parallel_loop3A_424 = arith.addi %mul3A_1, %parallel_loop3A_423 : vector<16xi32>
      %parallel_loop3A_425 = arith.constant 23 : i32
      %parallel_loop3A_426 = vector.broadcast %parallel_loop3A_425 : i32 to vector<16xi32>
      %parallel_loop3A_427 = arith.shrui %parallel_loop3A_418, %parallel_loop3A_426 : vector<16xi32>
      %parallel_loop3A_428 = arith.constant 255 : i32
      %parallel_loop3A_429 = vector.broadcast %parallel_loop3A_428 : i32 to vector<16xi32>
      %parallel_loop3A_430 = arith.andi %parallel_loop3A_427, %parallel_loop3A_429 : vector<16xi32>
      %parallel_loop3A_431 = vector.broadcast %or3A : i32 to vector<16xi32>
      %parallel_loop3A_432 = arith.cmpi eq, %parallel_loop3A_430, %parallel_loop3A_431 : vector<16xi32>
      tpu.vector_store_idx %arg5[%parallel_loop3A_424], %broadcast_in_dim3A_2 masked %parallel_loop3A_432 {add = true} : memref<4224xi32, #tpu.memory_space<vmem>>[vector<16xi32>], vector<16xi32>, vector<16xi1>
    } {sc.loop_unroll_factor = 8 : i64, sc.parallel_access}
    %parallel_loop3A_158 = arith.constant 0 : i32
    %parallel_loop3A_159 = arith.constant 16 : i32
    %parallel_loop3A_160 = arith.constant 1 : i32
    scf.for %parallel_loop3A_415 = %parallel_loop3A_158 to %parallel_loop3A_159 step %parallel_loop3A_160  : i32 {
      %parallel_loop3A_416 = arith.constant 16 : i32
      %parallel_loop3A_417 = arith.muli %parallel_loop3A_415, %parallel_loop3A_416 : i32
      %parallel_loop3A_418 = arith.index_cast %parallel_loop3A_417 : i32 to index
      %parallel_loop3A_419 = tpu.vector_load %arg5[%parallel_loop3A_418] {strides = array<i32>} : memref<4224xi32, #tpu.memory_space<vmem>>, vector<16xi32>,
      %parallel_loop3A_420 = arith.constant 16 : i32
      %parallel_loop3A_421 = arith.muli %parallel_loop3A_415, %parallel_loop3A_420 : i32
      %parallel_loop3A_422 = arith.constant 257 : i32
      %parallel_loop3A_423 = arith.addi %parallel_loop3A_422, %parallel_loop3A_421 : i32
      %parallel_loop3A_424 = arith.index_cast %parallel_loop3A_423 : i32 to index
      %parallel_loop3A_425 = tpu.vector_load %arg5[%parallel_loop3A_424] {strides = array<i32>} : memref<4224xi32, #tpu.memory_space<vmem>>, vector<16xi32>,
      %parallel_loop3A_426 = arith.addi %parallel_loop3A_419, %parallel_loop3A_425 : vector<16xi32>
      %parallel_loop3A_427 = arith.constant 16 : i32
      %parallel_loop3A_428 = arith.muli %parallel_loop3A_415, %parallel_loop3A_427 : i32
      %parallel_loop3A_429 = arith.constant 514 : i32
      %parallel_loop3A_430 = arith.addi %parallel_loop3A_429, %parallel_loop3A_428 : i32
      %parallel_loop3A_431 = arith.index_cast %parallel_loop3A_430 : i32 to index
      %parallel_loop3A_432 = tpu.vector_load %arg5[%parallel_loop3A_431] {strides = array<i32>} : memref<4224xi32, #tpu.memory_space<vmem>>, vector<16xi32>,
      %parallel_loop3A_433 = arith.addi %parallel_loop3A_426, %parallel_loop3A_432 : vector<16xi32>
      %parallel_loop3A_434 = arith.constant 16 : i32
      %parallel_loop3A_435 = arith.muli %parallel_loop3A_415, %parallel_loop3A_434 : i32
      %parallel_loop3A_436 = arith.constant 771 : i32
      %parallel_loop3A_437 = arith.addi %parallel_loop3A_436, %parallel_loop3A_435 : i32
      %parallel_loop3A_438 = arith.index_cast %parallel_loop3A_437 : i32 to index
      %parallel_loop3A_439 = tpu.vector_load %arg5[%parallel_loop3A_438] {strides = array<i32>} : memref<4224xi32, #tpu.memory_space<vmem>>, vector<16xi32>,
      %parallel_loop3A_440 = arith.addi %parallel_loop3A_433, %parallel_loop3A_439 : vector<16xi32>
      %parallel_loop3A_441 = arith.constant 16 : i32
      %parallel_loop3A_442 = arith.muli %parallel_loop3A_415, %parallel_loop3A_441 : i32
      %parallel_loop3A_443 = arith.constant 1028 : i32
      %parallel_loop3A_444 = arith.addi %parallel_loop3A_443, %parallel_loop3A_442 : i32
      %parallel_loop3A_445 = arith.index_cast %parallel_loop3A_444 : i32 to index
      %parallel_loop3A_446 = tpu.vector_load %arg5[%parallel_loop3A_445] {strides = array<i32>} : memref<4224xi32, #tpu.memory_space<vmem>>, vector<16xi32>,
      %parallel_loop3A_447 = arith.addi %parallel_loop3A_440, %parallel_loop3A_446 : vector<16xi32>
      %parallel_loop3A_448 = arith.constant 16 : i32
      %parallel_loop3A_449 = arith.muli %parallel_loop3A_415, %parallel_loop3A_448 : i32
      %parallel_loop3A_450 = arith.constant 1285 : i32
      %parallel_loop3A_451 = arith.addi %parallel_loop3A_450, %parallel_loop3A_449 : i32
      %parallel_loop3A_452 = arith.index_cast %parallel_loop3A_451 : i32 to index
      %parallel_loop3A_453 = tpu.vector_load %arg5[%parallel_loop3A_452] {strides = array<i32>} : memref<4224xi32, #tpu.memory_space<vmem>>, vector<16xi32>,
      %parallel_loop3A_454 = arith.addi %parallel_loop3A_447, %parallel_loop3A_453 : vector<16xi32>
      %parallel_loop3A_455 = arith.constant 16 : i32
      %parallel_loop3A_456 = arith.muli %parallel_loop3A_415, %parallel_loop3A_455 : i32
      %parallel_loop3A_457 = arith.constant 1542 : i32
      %parallel_loop3A_458 = arith.addi %parallel_loop3A_457, %parallel_loop3A_456 : i32
      %parallel_loop3A_459 = arith.index_cast %parallel_loop3A_458 : i32 to index
      %parallel_loop3A_460 = tpu.vector_load %arg5[%parallel_loop3A_459] {strides = array<i32>} : memref<4224xi32, #tpu.memory_space<vmem>>, vector<16xi32>,
      %parallel_loop3A_461 = arith.addi %parallel_loop3A_454, %parallel_loop3A_460 : vector<16xi32>
      %parallel_loop3A_462 = arith.constant 16 : i32
      %parallel_loop3A_463 = arith.muli %parallel_loop3A_415, %parallel_loop3A_462 : i32
      %parallel_loop3A_464 = arith.constant 1799 : i32
      %parallel_loop3A_465 = arith.addi %parallel_loop3A_464, %parallel_loop3A_463 : i32
      %parallel_loop3A_466 = arith.index_cast %parallel_loop3A_465 : i32 to index
      %parallel_loop3A_467 = tpu.vector_load %arg5[%parallel_loop3A_466] {strides = array<i32>} : memref<4224xi32, #tpu.memory_space<vmem>>, vector<16xi32>,
      %parallel_loop3A_468 = arith.addi %parallel_loop3A_461, %parallel_loop3A_467 : vector<16xi32>
      %parallel_loop3A_469 = arith.constant 16 : i32
      %parallel_loop3A_470 = arith.muli %parallel_loop3A_415, %parallel_loop3A_469 : i32
      %parallel_loop3A_471 = arith.constant 2056 : i32
      %parallel_loop3A_472 = arith.addi %parallel_loop3A_471, %parallel_loop3A_470 : i32
      %parallel_loop3A_473 = arith.index_cast %parallel_loop3A_472 : i32 to index
      %parallel_loop3A_474 = tpu.vector_load %arg5[%parallel_loop3A_473] {strides = array<i32>} : memref<4224xi32, #tpu.memory_space<vmem>>, vector<16xi32>,
      %parallel_loop3A_475 = arith.addi %parallel_loop3A_468, %parallel_loop3A_474 : vector<16xi32>
      %parallel_loop3A_476 = arith.constant 16 : i32
      %parallel_loop3A_477 = arith.muli %parallel_loop3A_415, %parallel_loop3A_476 : i32
      %parallel_loop3A_478 = arith.constant 2313 : i32
      %parallel_loop3A_479 = arith.addi %parallel_loop3A_478, %parallel_loop3A_477 : i32
      %parallel_loop3A_480 = arith.index_cast %parallel_loop3A_479 : i32 to index
      %parallel_loop3A_481 = tpu.vector_load %arg5[%parallel_loop3A_480] {strides = array<i32>} : memref<4224xi32, #tpu.memory_space<vmem>>, vector<16xi32>,
      %parallel_loop3A_482 = arith.addi %parallel_loop3A_475, %parallel_loop3A_481 : vector<16xi32>
      %parallel_loop3A_483 = arith.constant 16 : i32
      %parallel_loop3A_484 = arith.muli %parallel_loop3A_415, %parallel_loop3A_483 : i32
      %parallel_loop3A_485 = arith.constant 2570 : i32
      %parallel_loop3A_486 = arith.addi %parallel_loop3A_485, %parallel_loop3A_484 : i32
      %parallel_loop3A_487 = arith.index_cast %parallel_loop3A_486 : i32 to index
      %parallel_loop3A_488 = tpu.vector_load %arg5[%parallel_loop3A_487] {strides = array<i32>} : memref<4224xi32, #tpu.memory_space<vmem>>, vector<16xi32>,
      %parallel_loop3A_489 = arith.addi %parallel_loop3A_482, %parallel_loop3A_488 : vector<16xi32>
      %parallel_loop3A_490 = arith.constant 16 : i32
      %parallel_loop3A_491 = arith.muli %parallel_loop3A_415, %parallel_loop3A_490 : i32
      %parallel_loop3A_492 = arith.constant 2827 : i32
      %parallel_loop3A_493 = arith.addi %parallel_loop3A_492, %parallel_loop3A_491 : i32
      %parallel_loop3A_494 = arith.index_cast %parallel_loop3A_493 : i32 to index
      %parallel_loop3A_495 = tpu.vector_load %arg5[%parallel_loop3A_494] {strides = array<i32>} : memref<4224xi32, #tpu.memory_space<vmem>>, vector<16xi32>,
      %parallel_loop3A_496 = arith.addi %parallel_loop3A_489, %parallel_loop3A_495 : vector<16xi32>
      %parallel_loop3A_497 = arith.constant 16 : i32
      %parallel_loop3A_498 = arith.muli %parallel_loop3A_415, %parallel_loop3A_497 : i32
      %parallel_loop3A_499 = arith.constant 3084 : i32
      %parallel_loop3A_500 = arith.addi %parallel_loop3A_499, %parallel_loop3A_498 : i32
      %parallel_loop3A_501 = arith.index_cast %parallel_loop3A_500 : i32 to index
      %parallel_loop3A_502 = tpu.vector_load %arg5[%parallel_loop3A_501] {strides = array<i32>} : memref<4224xi32, #tpu.memory_space<vmem>>, vector<16xi32>,
      %parallel_loop3A_503 = arith.addi %parallel_loop3A_496, %parallel_loop3A_502 : vector<16xi32>
      %parallel_loop3A_504 = arith.constant 16 : i32
      %parallel_loop3A_505 = arith.muli %parallel_loop3A_415, %parallel_loop3A_504 : i32
      %parallel_loop3A_506 = arith.constant 3341 : i32
      %parallel_loop3A_507 = arith.addi %parallel_loop3A_506, %parallel_loop3A_505 : i32
      %parallel_loop3A_508 = arith.index_cast %parallel_loop3A_507 : i32 to index
      %parallel_loop3A_509 = tpu.vector_load %arg5[%parallel_loop3A_508] {strides = array<i32>} : memref<4224xi32, #tpu.memory_space<vmem>>, vector<16xi32>,
      %parallel_loop3A_510 = arith.addi %parallel_loop3A_503, %parallel_loop3A_509 : vector<16xi32>
      %parallel_loop3A_511 = arith.constant 16 : i32
      %parallel_loop3A_512 = arith.muli %parallel_loop3A_415, %parallel_loop3A_511 : i32
      %parallel_loop3A_513 = arith.constant 3598 : i32
      %parallel_loop3A_514 = arith.addi %parallel_loop3A_513, %parallel_loop3A_512 : i32
      %parallel_loop3A_515 = arith.index_cast %parallel_loop3A_514 : i32 to index
      %parallel_loop3A_516 = tpu.vector_load %arg5[%parallel_loop3A_515] {strides = array<i32>} : memref<4224xi32, #tpu.memory_space<vmem>>, vector<16xi32>,
      %parallel_loop3A_517 = arith.addi %parallel_loop3A_510, %parallel_loop3A_516 : vector<16xi32>
      %parallel_loop3A_518 = arith.constant 16 : i32
      %parallel_loop3A_519 = arith.muli %parallel_loop3A_415, %parallel_loop3A_518 : i32
      %parallel_loop3A_520 = arith.constant 3855 : i32
      %parallel_loop3A_521 = arith.addi %parallel_loop3A_520, %parallel_loop3A_519 : i32
      %parallel_loop3A_522 = arith.index_cast %parallel_loop3A_521 : i32 to index
      %parallel_loop3A_523 = tpu.vector_load %arg5[%parallel_loop3A_522] {strides = array<i32>} : memref<4224xi32, #tpu.memory_space<vmem>>, vector<16xi32>,
      %parallel_loop3A_524 = arith.addi %parallel_loop3A_517, %parallel_loop3A_523 : vector<16xi32>
      %parallel_loop3A_525 = arith.constant 16 : i32
      %parallel_loop3A_526 = arith.muli %parallel_loop3A_415, %parallel_loop3A_525 : i32
      %parallel_loop3A_527 = arith.index_cast %parallel_loop3A_526 : i32 to index
      %parallel_loop3A_528 = tpu.vector_load %arg6[%parallel_loop3A_527] {strides = array<i32>} : memref<264xi32, #tpu.memory_space<vmem>>, vector<16xi32>,
      tpu.vector_store %arg6[%parallel_loop3A_527], %parallel_loop3A_524 {strides = array<i32>} : memref<264xi32, #tpu.memory_space<vmem>>, vector<16xi32>,
    } {sc.loop_unroll_factor = 2 : i64, sc.parallel_access}
    %barrier3A_161 = arith.constant 0 : index
    tpu.barrier barrier_id(%barrier3A_161)
    %mul3A_162 = arith.constant 256 : i32
    %mul3A_163 = arith.muli %arg1, %mul3A_162 : i32
    "tpu.region"() ({
      %run_scoped3A = tpu.sem_alloc : memref<!tpu.dma_semaphore, #tpu.memory_space<semaphore_mem>>
      %dma_start3A_415 = arith.constant 0 : i32
      %dma_start3A_416 = tpu.memref_slice %arg6[%dma_start3A_415] : memref<264xi32, #tpu.memory_space<vmem>> -> memref<256xi32, #tpu.memory_space<vmem>>
      %dma_start3A_417 = tpu.memref_slice %arg8[%mul3A_163] : memref<4096xi32, #tpu.memory_space<vmem_shared>> -> memref<256xi32, #tpu.memory_space<vmem_shared>>
      %dma_start3A_418 = tpu.memref_slice %arg8[%mul3A_163] : memref<4096xi32, #tpu.memory_space<vmem_shared>> -> memref<256xi32, #tpu.memory_space<vmem_shared>>
      %dma_start3A_419 = arith.constant 0 : i32
      %dma_start3A_420 = tpu.memref_slice %arg6[%dma_start3A_419] : memref<264xi32, #tpu.memory_space<vmem>> -> memref<256xi32, #tpu.memory_space<vmem>>
      tpu.enqueue_dma source(%dma_start3A_420 : memref<256xi32, #tpu.memory_space<vmem>>) target(%dma_start3A_418 : memref<256xi32, #tpu.memory_space<vmem_shared>>) target_semaphore(%run_scoped3A : memref<!tpu.dma_semaphore, #tpu.memory_space<semaphore_mem>>)
      %dma_wait3A_421 = arith.constant 0 : i32
      %dma_wait3A_422 = tpu.memref_slice %arg6[%dma_wait3A_421] : memref<264xi32, #tpu.memory_space<vmem>> -> memref<256xi32, #tpu.memory_space<vmem>>
      %dma_wait3A_423 = tpu.memref_slice %arg8[%mul3A_163] : memref<4096xi32, #tpu.memory_space<vmem_shared>> -> memref<256xi32, #tpu.memory_space<vmem_shared>>
      %dma_wait3A_424 = tpu.memref_slice %arg8[%mul3A_163] : memref<4096xi32, #tpu.memory_space<vmem_shared>> -> memref<256xi32, #tpu.memory_space<vmem_shared>>
      %dma_wait3A_425 = arith.constant 0 : i32
      %dma_wait3A_426 = tpu.memref_slice %arg6[%dma_wait3A_425] : memref<264xi32, #tpu.memory_space<vmem>> -> memref<256xi32, #tpu.memory_space<vmem>>
      tpu.wait_dma2 semaphore(%run_scoped3A : memref<!tpu.dma_semaphore, #tpu.memory_space<semaphore_mem>>) src(%dma_wait3A_426 : memref<256xi32, #tpu.memory_space<vmem>>) dst(%dma_wait3A_424 : memref<256xi32, #tpu.memory_space<vmem_shared>>)
      tpu.yield
    }) : () -> ()
    %barrier3A_164 = arith.constant 0 : index
    tpu.barrier barrier_id(%barrier3A_164)
    "tpu.region"() ({
      %run_scoped3A = tpu.sem_alloc : memref<!tpu.dma_semaphore, #tpu.memory_space<semaphore_mem>>
      %dma_start3A_415 = arith.constant 0 : i32
      %dma_start3A_416 = tpu.memref_slice %arg5[%dma_start3A_415] : memref<4224xi32, #tpu.memory_space<vmem>> -> memref<4096xi32, #tpu.memory_space<vmem>>
      %dma_start3A_417 = arith.constant 0 : i32
      %dma_start3A_418 = tpu.memref_slice %arg5[%dma_start3A_417] : memref<4224xi32, #tpu.memory_space<vmem>> -> memref<4096xi32, #tpu.memory_space<vmem>>
      tpu.enqueue_dma source(%arg8 : memref<4096xi32, #tpu.memory_space<vmem_shared>>) target(%dma_start3A_418 : memref<4096xi32, #tpu.memory_space<vmem>>) target_semaphore(%run_scoped3A : memref<!tpu.dma_semaphore, #tpu.memory_space<semaphore_mem>>)
      %dma_wait3A_419 = arith.constant 0 : i32
      %dma_wait3A_420 = tpu.memref_slice %arg5[%dma_wait3A_419] : memref<4224xi32, #tpu.memory_space<vmem>> -> memref<4096xi32, #tpu.memory_space<vmem>>
      %dma_wait3A_421 = arith.constant 0 : i32
      %dma_wait3A_422 = tpu.memref_slice %arg5[%dma_wait3A_421] : memref<4224xi32, #tpu.memory_space<vmem>> -> memref<4096xi32, #tpu.memory_space<vmem>>
      tpu.wait_dma2 semaphore(%run_scoped3A : memref<!tpu.dma_semaphore, #tpu.memory_space<semaphore_mem>>) src(%arg8 : memref<4096xi32, #tpu.memory_space<vmem_shared>>) dst(%dma_wait3A_422 : memref<4096xi32, #tpu.memory_space<vmem>>)
      tpu.yield
    }) : () -> ()
    %parallel_loop3A_165 = arith.constant 0 : i32
    %parallel_loop3A_166 = arith.constant 16 : i32
    %parallel_loop3A_167 = arith.constant 1 : i32
    scf.for %parallel_loop3A_415 = %parallel_loop3A_165 to %parallel_loop3A_166 step %parallel_loop3A_167  : i32 {
      %parallel_loop3A_416 = arith.constant 16 : i32
      %parallel_loop3A_417 = arith.muli %parallel_loop3A_415, %parallel_loop3A_416 : i32
      %parallel_loop3A_418 = arith.index_cast %parallel_loop3A_417 : i32 to index
      %parallel_loop3A_419 = tpu.vector_load %arg5[%parallel_loop3A_418] {strides = array<i32>} : memref<4224xi32, #tpu.memory_space<vmem>>, vector<16xi32>,
      %parallel_loop3A_420 = arith.constant 16 : i32
      %parallel_loop3A_421 = arith.muli %parallel_loop3A_415, %parallel_loop3A_420 : i32
      %parallel_loop3A_422 = arith.constant 256 : i32
      %parallel_loop3A_423 = arith.addi %parallel_loop3A_422, %parallel_loop3A_421 : i32
      %parallel_loop3A_424 = arith.index_cast %parallel_loop3A_423 : i32 to index
      %parallel_loop3A_425 = tpu.vector_load %arg5[%parallel_loop3A_424] {strides = array<i32>} : memref<4224xi32, #tpu.memory_space<vmem>>, vector<16xi32>,
      %parallel_loop3A_426 = arith.addi %parallel_loop3A_419, %parallel_loop3A_425 : vector<16xi32>
      %parallel_loop3A_427 = arith.constant 16 : i32
      %parallel_loop3A_428 = arith.muli %parallel_loop3A_415, %parallel_loop3A_427 : i32
      %parallel_loop3A_429 = arith.constant 512 : i32
      %parallel_loop3A_430 = arith.addi %parallel_loop3A_429, %parallel_loop3A_428 : i32
      %parallel_loop3A_431 = arith.index_cast %parallel_loop3A_430 : i32 to index
      %parallel_loop3A_432 = tpu.vector_load %arg5[%parallel_loop3A_431] {strides = array<i32>} : memref<4224xi32, #tpu.memory_space<vmem>>, vector<16xi32>,
      %parallel_loop3A_433 = arith.addi %parallel_loop3A_426, %parallel_loop3A_432 : vector<16xi32>
      %parallel_loop3A_434 = arith.constant 16 : i32
      %parallel_loop3A_435 = arith.muli %parallel_loop3A_415, %parallel_loop3A_434 : i32
      %parallel_loop3A_436 = arith.constant 768 : i32
      %parallel_loop3A_437 = arith.addi %parallel_loop3A_436, %parallel_loop3A_435 : i32
      %parallel_loop3A_438 = arith.index_cast %parallel_loop3A_437 : i32 to index
      %parallel_loop3A_439 = tpu.vector_load %arg5[%parallel_loop3A_438] {strides = array<i32>} : memref<4224xi32, #tpu.memory_space<vmem>>, vector<16xi32>,
      %parallel_loop3A_440 = arith.addi %parallel_loop3A_433, %parallel_loop3A_439 : vector<16xi32>
      %parallel_loop3A_441 = arith.constant 16 : i32
      %parallel_loop3A_442 = arith.muli %parallel_loop3A_415, %parallel_loop3A_441 : i32
      %parallel_loop3A_443 = arith.constant 1024 : i32
      %parallel_loop3A_444 = arith.addi %parallel_loop3A_443, %parallel_loop3A_442 : i32
      %parallel_loop3A_445 = arith.index_cast %parallel_loop3A_444 : i32 to index
      %parallel_loop3A_446 = tpu.vector_load %arg5[%parallel_loop3A_445] {strides = array<i32>} : memref<4224xi32, #tpu.memory_space<vmem>>, vector<16xi32>,
      %parallel_loop3A_447 = arith.addi %parallel_loop3A_440, %parallel_loop3A_446 : vector<16xi32>
      %parallel_loop3A_448 = arith.constant 16 : i32
      %parallel_loop3A_449 = arith.muli %parallel_loop3A_415, %parallel_loop3A_448 : i32
      %parallel_loop3A_450 = arith.constant 1280 : i32
      %parallel_loop3A_451 = arith.addi %parallel_loop3A_450, %parallel_loop3A_449 : i32
      %parallel_loop3A_452 = arith.index_cast %parallel_loop3A_451 : i32 to index
      %parallel_loop3A_453 = tpu.vector_load %arg5[%parallel_loop3A_452] {strides = array<i32>} : memref<4224xi32, #tpu.memory_space<vmem>>, vector<16xi32>,
      %parallel_loop3A_454 = arith.addi %parallel_loop3A_447, %parallel_loop3A_453 : vector<16xi32>
      %parallel_loop3A_455 = arith.constant 16 : i32
      %parallel_loop3A_456 = arith.muli %parallel_loop3A_415, %parallel_loop3A_455 : i32
      %parallel_loop3A_457 = arith.constant 1536 : i32
      %parallel_loop3A_458 = arith.addi %parallel_loop3A_457, %parallel_loop3A_456 : i32
      %parallel_loop3A_459 = arith.index_cast %parallel_loop3A_458 : i32 to index
      %parallel_loop3A_460 = tpu.vector_load %arg5[%parallel_loop3A_459] {strides = array<i32>} : memref<4224xi32, #tpu.memory_space<vmem>>, vector<16xi32>,
      %parallel_loop3A_461 = arith.addi %parallel_loop3A_454, %parallel_loop3A_460 : vector<16xi32>
      %parallel_loop3A_462 = arith.constant 16 : i32
      %parallel_loop3A_463 = arith.muli %parallel_loop3A_415, %parallel_loop3A_462 : i32
      %parallel_loop3A_464 = arith.constant 1792 : i32
      %parallel_loop3A_465 = arith.addi %parallel_loop3A_464, %parallel_loop3A_463 : i32
      %parallel_loop3A_466 = arith.index_cast %parallel_loop3A_465 : i32 to index
      %parallel_loop3A_467 = tpu.vector_load %arg5[%parallel_loop3A_466] {strides = array<i32>} : memref<4224xi32, #tpu.memory_space<vmem>>, vector<16xi32>,
      %parallel_loop3A_468 = arith.addi %parallel_loop3A_461, %parallel_loop3A_467 : vector<16xi32>
      %parallel_loop3A_469 = arith.constant 16 : i32
      %parallel_loop3A_470 = arith.muli %parallel_loop3A_415, %parallel_loop3A_469 : i32
      %parallel_loop3A_471 = arith.constant 2048 : i32
      %parallel_loop3A_472 = arith.addi %parallel_loop3A_471, %parallel_loop3A_470 : i32
      %parallel_loop3A_473 = arith.index_cast %parallel_loop3A_472 : i32 to index
      %parallel_loop3A_474 = tpu.vector_load %arg5[%parallel_loop3A_473] {strides = array<i32>} : memref<4224xi32, #tpu.memory_space<vmem>>, vector<16xi32>,
      %parallel_loop3A_475 = arith.addi %parallel_loop3A_468, %parallel_loop3A_474 : vector<16xi32>
      %parallel_loop3A_476 = arith.constant 16 : i32
      %parallel_loop3A_477 = arith.muli %parallel_loop3A_415, %parallel_loop3A_476 : i32
      %parallel_loop3A_478 = arith.constant 2304 : i32
      %parallel_loop3A_479 = arith.addi %parallel_loop3A_478, %parallel_loop3A_477 : i32
      %parallel_loop3A_480 = arith.index_cast %parallel_loop3A_479 : i32 to index
      %parallel_loop3A_481 = tpu.vector_load %arg5[%parallel_loop3A_480] {strides = array<i32>} : memref<4224xi32, #tpu.memory_space<vmem>>, vector<16xi32>,
      %parallel_loop3A_482 = arith.addi %parallel_loop3A_475, %parallel_loop3A_481 : vector<16xi32>
      %parallel_loop3A_483 = arith.constant 16 : i32
      %parallel_loop3A_484 = arith.muli %parallel_loop3A_415, %parallel_loop3A_483 : i32
      %parallel_loop3A_485 = arith.constant 2560 : i32
      %parallel_loop3A_486 = arith.addi %parallel_loop3A_485, %parallel_loop3A_484 : i32
      %parallel_loop3A_487 = arith.index_cast %parallel_loop3A_486 : i32 to index
      %parallel_loop3A_488 = tpu.vector_load %arg5[%parallel_loop3A_487] {strides = array<i32>} : memref<4224xi32, #tpu.memory_space<vmem>>, vector<16xi32>,
      %parallel_loop3A_489 = arith.addi %parallel_loop3A_482, %parallel_loop3A_488 : vector<16xi32>
      %parallel_loop3A_490 = arith.constant 16 : i32
      %parallel_loop3A_491 = arith.muli %parallel_loop3A_415, %parallel_loop3A_490 : i32
      %parallel_loop3A_492 = arith.constant 2816 : i32
      %parallel_loop3A_493 = arith.addi %parallel_loop3A_492, %parallel_loop3A_491 : i32
      %parallel_loop3A_494 = arith.index_cast %parallel_loop3A_493 : i32 to index
      %parallel_loop3A_495 = tpu.vector_load %arg5[%parallel_loop3A_494] {strides = array<i32>} : memref<4224xi32, #tpu.memory_space<vmem>>, vector<16xi32>,
      %parallel_loop3A_496 = arith.addi %parallel_loop3A_489, %parallel_loop3A_495 : vector<16xi32>
      %parallel_loop3A_497 = arith.constant 16 : i32
      %parallel_loop3A_498 = arith.muli %parallel_loop3A_415, %parallel_loop3A_497 : i32
      %parallel_loop3A_499 = arith.constant 3072 : i32
      %parallel_loop3A_500 = arith.addi %parallel_loop3A_499, %parallel_loop3A_498 : i32
      %parallel_loop3A_501 = arith.index_cast %parallel_loop3A_500 : i32 to index
      %parallel_loop3A_502 = tpu.vector_load %arg5[%parallel_loop3A_501] {strides = array<i32>} : memref<4224xi32, #tpu.memory_space<vmem>>, vector<16xi32>,
      %parallel_loop3A_503 = arith.addi %parallel_loop3A_496, %parallel_loop3A_502 : vector<16xi32>
      %parallel_loop3A_504 = arith.constant 16 : i32
      %parallel_loop3A_505 = arith.muli %parallel_loop3A_415, %parallel_loop3A_504 : i32
      %parallel_loop3A_506 = arith.constant 3328 : i32
      %parallel_loop3A_507 = arith.addi %parallel_loop3A_506, %parallel_loop3A_505 : i32
      %parallel_loop3A_508 = arith.index_cast %parallel_loop3A_507 : i32 to index
      %parallel_loop3A_509 = tpu.vector_load %arg5[%parallel_loop3A_508] {strides = array<i32>} : memref<4224xi32, #tpu.memory_space<vmem>>, vector<16xi32>,
      %parallel_loop3A_510 = arith.addi %parallel_loop3A_503, %parallel_loop3A_509 : vector<16xi32>
      %parallel_loop3A_511 = arith.constant 16 : i32
      %parallel_loop3A_512 = arith.muli %parallel_loop3A_415, %parallel_loop3A_511 : i32
      %parallel_loop3A_513 = arith.constant 3584 : i32
      %parallel_loop3A_514 = arith.addi %parallel_loop3A_513, %parallel_loop3A_512 : i32
      %parallel_loop3A_515 = arith.index_cast %parallel_loop3A_514 : i32 to index
      %parallel_loop3A_516 = tpu.vector_load %arg5[%parallel_loop3A_515] {strides = array<i32>} : memref<4224xi32, #tpu.memory_space<vmem>>, vector<16xi32>,
      %parallel_loop3A_517 = arith.addi %parallel_loop3A_510, %parallel_loop3A_516 : vector<16xi32>
      %parallel_loop3A_518 = arith.constant 16 : i32
      %parallel_loop3A_519 = arith.muli %parallel_loop3A_415, %parallel_loop3A_518 : i32
      %parallel_loop3A_520 = arith.constant 3840 : i32
      %parallel_loop3A_521 = arith.addi %parallel_loop3A_520, %parallel_loop3A_519 : i32
      %parallel_loop3A_522 = arith.index_cast %parallel_loop3A_521 : i32 to index
      %parallel_loop3A_523 = tpu.vector_load %arg5[%parallel_loop3A_522] {strides = array<i32>} : memref<4224xi32, #tpu.memory_space<vmem>>, vector<16xi32>,
      %parallel_loop3A_524 = arith.addi %parallel_loop3A_517, %parallel_loop3A_523 : vector<16xi32>
      %parallel_loop3A_525 = arith.constant 16 : i32
      %parallel_loop3A_526 = arith.muli %parallel_loop3A_415, %parallel_loop3A_525 : i32
      %parallel_loop3A_527 = arith.index_cast %parallel_loop3A_526 : i32 to index
      %parallel_loop3A_528 = tpu.vector_load %arg6[%parallel_loop3A_527] {strides = array<i32>} : memref<264xi32, #tpu.memory_space<vmem>>, vector<16xi32>,
      tpu.vector_store %arg6[%parallel_loop3A_527], %parallel_loop3A_524 {strides = array<i32>} : memref<264xi32, #tpu.memory_space<vmem>>, vector<16xi32>,
    } {sc.loop_unroll_factor = 2 : i64, sc.parallel_access}
    %scan3A_168 = arith.constant 0 : i32
    %scan3A_169 = arith.constant 0 : i32
    %scan3A_170 = arith.constant 0 : i32
    %scan3A_171 = arith.constant 0 : i32
    %scan3A_172 = arith.constant 0 : i32
    %scan3A_173 = arith.constant 16 : i32
    %scan3A_174 = arith.addi %scan3A_172, %scan3A_173 : i32
    %scan3A_175 = arith.constant 1 : i32
    %scan3A_176:4 = scf.for %scan3A_415 = %scan3A_172 to %scan3A_174 step %scan3A_175 iter_args(%scan3A_416 = %scan3A_168, %scan3A_417 = %scan3A_169, %scan3A_418 = %scan3A_170, %scan3A_419 = %scan3A_171) -> (i32, i32, i32, i32)  : i32 {
      %sub3A_420 = arith.constant 15 : i32
      %sub3A_421 = arith.subi %sub3A_420, %scan3A_415 : i32
      %mul3A_422 = arith.constant 16 : i32
      %mul3A_423 = arith.muli %sub3A_421, %mul3A_422 : i32
      %get3A_424 = arith.index_cast %mul3A_423 : i32 to index
      %get3A_425 = tpu.vector_load %arg6[%get3A_424] {strides = array<i32>} : memref<264xi32, #tpu.memory_space<vmem>>, vector<16xi32>,
      %reduce_sum3A_426 = arith.constant true
      %reduce_sum3A_427 = vector.broadcast %reduce_sum3A_426 : i1 to vector<16xi1>
      %reduce_sum3A_428 = tpu.scan <sum>, %get3A_425 masked %reduce_sum3A_427 : vector<16xi32>, vector<16xi1> -> vector<16xi32>
      %reduce_sum3A_429 = vector.extract %reduce_sum3A_428[15] : i32 from vector<16xi32>
      %eq3A_430 = arith.constant 0 : i32
      %eq3A_431 = arith.cmpi eq, %scan3A_419, %eq3A_430 : i32
      %add3A_432 = arith.addi %scan3A_416, %reduce_sum3A_429 : i32
      %ge3A_433 = arith.cmpi sge, %add3A_432, %sub3A_151 : i32
      %and3A_434 = arith.andi %eq3A_431, %ge3A_433 : i1
      %select_n3A_435 = arith.select %and3A_434, %sub3A_421, %scan3A_417 : i32
      %select_n3A_436 = arith.select %and3A_434, %scan3A_416, %scan3A_418 : i32
      %eq3A_437 = arith.constant 0 : i32
      %eq3A_438 = arith.cmpi eq, %scan3A_419, %eq3A_437 : i32
      %add3A_439 = arith.addi %scan3A_416, %reduce_sum3A_429 : i32
      %select_n3A_440 = arith.select %eq3A_438, %add3A_439, %scan3A_416 : i32
      %jit3A_441 = arith.constant 1 : i32
      %select_n3A_442 = arith.select %and3A_434, %jit3A_441, %scan3A_419 : i32
      scf.yield %select_n3A_440, %select_n3A_435, %select_n3A_436, %select_n3A_442 : i32, i32, i32, i32
    }
    %scan3A_177 = arith.constant 16 : i32
    %mul3A_178 = arith.constant 16 : i32
    %mul3A_179 = arith.muli %scan3A_176#1, %mul3A_178 : i32
    %get3A_180 = arith.index_cast %mul3A_179 : i32 to index
    %get3A_181 = tpu.vector_load %arg6[%get3A_180] {strides = array<i32>} : memref<264xi32, #tpu.memory_space<vmem>>, vector<16xi32>,
    %reduce_sum3A_182 = arith.constant true
    %reduce_sum3A_183 = vector.broadcast %reduce_sum3A_182 : i1 to vector<16xi1>
    %reduce_sum3A_184 = tpu.scan <sum>, %get3A_181 masked %reduce_sum3A_183 : vector<16xi32>, vector<16xi1> -> vector<16xi32>
    %reduce_sum3A_185 = vector.extract %reduce_sum3A_184[15] : i32 from vector<16xi32>
    %cumsum3A_186 = arith.constant true
    %cumsum3A_187 = vector.broadcast %cumsum3A_186 : i1 to vector<16xi1>
    %cumsum3A_188 = tpu.scan <sum>, %get3A_181 masked %cumsum3A_187 : vector<16xi32>, vector<16xi1> -> vector<16xi32>
    %sub3A_189 = vector.broadcast %reduce_sum3A_185 : i32 to vector<16xi32>
    %sub3A_190 = arith.subi %sub3A_189, %cumsum3A_188 : vector<16xi32>
    %add3A_191 = arith.addi %sub3A_190, %get3A_181 : vector<16xi32>
    %add3A_192 = vector.broadcast %scan3A_176#2 : i32 to vector<16xi32>
    %add3A_193 = arith.addi %add3A_192, %add3A_191 : vector<16xi32>
    %ge3A_194 = vector.broadcast %sub3A_151 : i32 to vector<16xi32>
    %ge3A_195 = arith.cmpi sge, %add3A_193, %ge3A_194 : vector<16xi32>
    %jit3A_196 = arith.constant -1 : i32
    %broadcast_in_dim3A_197 = vector.broadcast %jit3A_196 : i32 to vector<16xi32>
    %select_n3A_198 = arith.select %ge3A_195, %iota3A, %broadcast_in_dim3A_197 : vector<16xi1>, vector<16xi32>
    %reduce_max3A_199 = arith.constant true
    %reduce_max3A_200 = vector.broadcast %reduce_max3A_199 : i1 to vector<16xi1>
    %reduce_max3A_201 = arith.constant -2147483648 : i32
    %reduce_max3A_202 = vector.broadcast %reduce_max3A_201 : i32 to vector<16xi32>
    %reduce_max3A_203 = arith.xori %select_n3A_198, %reduce_max3A_202 : vector<16xi32>
    %reduce_max3A_204 = tpu.scan <max>, %reduce_max3A_203 masked %reduce_max3A_200 : vector<16xi32>, vector<16xi1> -> vector<16xi32>
    %reduce_max3A_205 = arith.xori %reduce_max3A_204, %reduce_max3A_202 : vector<16xi32>
    %reduce_max3A_206 = vector.extract %reduce_max3A_205[15] : i32 from vector<16xi32>
    %eq3A_207 = vector.broadcast %reduce_max3A_206 : i32 to vector<16xi32>
    %eq3A_208 = arith.cmpi eq, %iota3A, %eq3A_207 : vector<16xi32>
    %jit3A_209 = arith.constant 0 : i32
    %broadcast_in_dim3A_210 = vector.broadcast %jit3A_209 : i32 to vector<16xi32>
    %select_n3A_211 = arith.select %eq3A_208, %add3A_191, %broadcast_in_dim3A_210 : vector<16xi1>, vector<16xi32>
    %reduce_sum3A_212 = arith.constant true
    %reduce_sum3A_213 = vector.broadcast %reduce_sum3A_212 : i1 to vector<16xi1>
    %reduce_sum3A_214 = tpu.scan <sum>, %select_n3A_211 masked %reduce_sum3A_213 : vector<16xi32>, vector<16xi1> -> vector<16xi32>
    %reduce_sum3A_215 = vector.extract %reduce_sum3A_214[15] : i32 from vector<16xi32>
    %eq3A_216 = vector.broadcast %reduce_max3A_206 : i32 to vector<16xi32>
    %eq3A_217 = arith.cmpi eq, %iota3A, %eq3A_216 : vector<16xi32>
    %jit3A_218 = arith.constant 0 : i32
    %broadcast_in_dim3A_219 = vector.broadcast %jit3A_218 : i32 to vector<16xi32>
    %select_n3A_220 = arith.select %eq3A_217, %get3A_181, %broadcast_in_dim3A_219 : vector<16xi1>, vector<16xi32>
    %reduce_sum3A_221 = arith.constant true
    %reduce_sum3A_222 = vector.broadcast %reduce_sum3A_221 : i1 to vector<16xi1>
    %reduce_sum3A_223 = tpu.scan <sum>, %select_n3A_220 masked %reduce_sum3A_222 : vector<16xi32>, vector<16xi1> -> vector<16xi32>
    %reduce_sum3A_224 = vector.extract %reduce_sum3A_223[15] : i32 from vector<16xi32>
    %mul3A_225 = arith.constant 16 : i32
    %mul3A_226 = arith.muli %scan3A_176#1, %mul3A_225 : i32
    %add3A_227 = arith.addi %mul3A_226, %reduce_max3A_206 : i32
    %add3A_228 = arith.addi %scan3A_176#2, %reduce_sum3A_215 : i32
    %sub3A_229 = arith.subi %add3A_228, %reduce_sum3A_224 : i32
    %sub3A_230 = arith.subi %sub3A_151, %sub3A_229 : i32
    %shift_left3A_231 = arith.constant 8 : i32
    %shift_left3A_232 = arith.shli %or3A, %shift_left3A_231 : i32
    %or3A_233 = arith.ori %shift_left3A_232, %add3A_227 : i32
    "tpu.region"() ({
      %run_scoped3A = tpu.sem_alloc : memref<!tpu.dma_semaphore, #tpu.memory_space<semaphore_mem>>
      tpu.enqueue_dma source(%arg9 : memref<4224xi32, #tpu.memory_space<vmem_shared>>) target(%arg5 : memref<4224xi32, #tpu.memory_space<vmem>>) target_semaphore(%run_scoped3A : memref<!tpu.dma_semaphore, #tpu.memory_space<semaphore_mem>>)
      tpu.wait_dma2 semaphore(%run_scoped3A : memref<!tpu.dma_semaphore, #tpu.memory_space<semaphore_mem>>) src(%arg9 : memref<4224xi32, #tpu.memory_space<vmem_shared>>) dst(%arg5 : memref<4224xi32, #tpu.memory_space<vmem>>)
      tpu.yield
    }) : () -> ()
    %parallel_loop3A_234 = arith.constant 0 : i32
    %parallel_loop3A_235 = arith.constant 65536 : i32
    %parallel_loop3A_236 = arith.constant 16 : i32
    %parallel_loop3A_237 = arith.constant 255 : i32
    scf.for %parallel_loop3A_415 = %parallel_loop3A_234 to %parallel_loop3A_235 step %parallel_loop3A_236  : i32 {
      %parallel_loop3A_416 = arith.index_cast %parallel_loop3A_415 : i32 to index
      %parallel_loop3A_417 = tpu.vector_load %arg4[%parallel_loop3A_416] {strides = array<i32>} : memref<65536xf32, #tpu.memory_space<vmem>>, vector<16xf32>,
      %parallel_loop3A_418 = tpu.bitcast %parallel_loop3A_417 : vector<16xf32> -> vector<16xi32>
      %parallel_loop3A_419 = arith.constant 7 : i32
      %parallel_loop3A_420 = vector.broadcast %parallel_loop3A_419 : i32 to vector<16xi32>
      %parallel_loop3A_421 = arith.shrui %parallel_loop3A_418, %parallel_loop3A_420 : vector<16xi32>
      %parallel_loop3A_422 = vector.broadcast %parallel_loop3A_237 : i32 to vector<16xi32>
      %parallel_loop3A_423 = arith.andi %parallel_loop3A_421, %parallel_loop3A_422 : vector<16xi32>
      %parallel_loop3A_424 = arith.addi %mul3A_1, %parallel_loop3A_423 : vector<16xi32>
      %parallel_loop3A_425 = arith.constant 15 : i32
      %parallel_loop3A_426 = vector.broadcast %parallel_loop3A_425 : i32 to vector<16xi32>
      %parallel_loop3A_427 = arith.shrui %parallel_loop3A_418, %parallel_loop3A_426 : vector<16xi32>
      %parallel_loop3A_428 = arith.constant 65535 : i32
      %parallel_loop3A_429 = vector.broadcast %parallel_loop3A_428 : i32 to vector<16xi32>
      %parallel_loop3A_430 = arith.andi %parallel_loop3A_427, %parallel_loop3A_429 : vector<16xi32>
      %parallel_loop3A_431 = vector.broadcast %or3A_233 : i32 to vector<16xi32>
      %parallel_loop3A_432 = arith.cmpi eq, %parallel_loop3A_430, %parallel_loop3A_431 : vector<16xi32>
      tpu.vector_store_idx %arg5[%parallel_loop3A_424], %broadcast_in_dim3A_2 masked %parallel_loop3A_432 {add = true} : memref<4224xi32, #tpu.memory_space<vmem>>[vector<16xi32>], vector<16xi32>, vector<16xi1>
    } {sc.loop_unroll_factor = 8 : i64, sc.parallel_access}
    %parallel_loop3A_238 = arith.constant 0 : i32
    %parallel_loop3A_239 = arith.constant 16 : i32
    %parallel_loop3A_240 = arith.constant 1 : i32
    scf.for %parallel_loop3A_415 = %parallel_loop3A_238 to %parallel_loop3A_239 step %parallel_loop3A_240  : i32 {
      %parallel_loop3A_416 = arith.constant 16 : i32
      %parallel_loop3A_417 = arith.muli %parallel_loop3A_415, %parallel_loop3A_416 : i32
      %parallel_loop3A_418 = arith.index_cast %parallel_loop3A_417 : i32 to index
      %parallel_loop3A_419 = tpu.vector_load %arg5[%parallel_loop3A_418] {strides = array<i32>} : memref<4224xi32, #tpu.memory_space<vmem>>, vector<16xi32>,
      %parallel_loop3A_420 = arith.constant 16 : i32
      %parallel_loop3A_421 = arith.muli %parallel_loop3A_415, %parallel_loop3A_420 : i32
      %parallel_loop3A_422 = arith.constant 257 : i32
      %parallel_loop3A_423 = arith.addi %parallel_loop3A_422, %parallel_loop3A_421 : i32
      %parallel_loop3A_424 = arith.index_cast %parallel_loop3A_423 : i32 to index
      %parallel_loop3A_425 = tpu.vector_load %arg5[%parallel_loop3A_424] {strides = array<i32>} : memref<4224xi32, #tpu.memory_space<vmem>>, vector<16xi32>,
      %parallel_loop3A_426 = arith.addi %parallel_loop3A_419, %parallel_loop3A_425 : vector<16xi32>
      %parallel_loop3A_427 = arith.constant 16 : i32
      %parallel_loop3A_428 = arith.muli %parallel_loop3A_415, %parallel_loop3A_427 : i32
      %parallel_loop3A_429 = arith.constant 514 : i32
      %parallel_loop3A_430 = arith.addi %parallel_loop3A_429, %parallel_loop3A_428 : i32
      %parallel_loop3A_431 = arith.index_cast %parallel_loop3A_430 : i32 to index
      %parallel_loop3A_432 = tpu.vector_load %arg5[%parallel_loop3A_431] {strides = array<i32>} : memref<4224xi32, #tpu.memory_space<vmem>>, vector<16xi32>,
      %parallel_loop3A_433 = arith.addi %parallel_loop3A_426, %parallel_loop3A_432 : vector<16xi32>
      %parallel_loop3A_434 = arith.constant 16 : i32
      %parallel_loop3A_435 = arith.muli %parallel_loop3A_415, %parallel_loop3A_434 : i32
      %parallel_loop3A_436 = arith.constant 771 : i32
      %parallel_loop3A_437 = arith.addi %parallel_loop3A_436, %parallel_loop3A_435 : i32
      %parallel_loop3A_438 = arith.index_cast %parallel_loop3A_437 : i32 to index
      %parallel_loop3A_439 = tpu.vector_load %arg5[%parallel_loop3A_438] {strides = array<i32>} : memref<4224xi32, #tpu.memory_space<vmem>>, vector<16xi32>,
      %parallel_loop3A_440 = arith.addi %parallel_loop3A_433, %parallel_loop3A_439 : vector<16xi32>
      %parallel_loop3A_441 = arith.constant 16 : i32
      %parallel_loop3A_442 = arith.muli %parallel_loop3A_415, %parallel_loop3A_441 : i32
      %parallel_loop3A_443 = arith.constant 1028 : i32
      %parallel_loop3A_444 = arith.addi %parallel_loop3A_443, %parallel_loop3A_442 : i32
      %parallel_loop3A_445 = arith.index_cast %parallel_loop3A_444 : i32 to index
      %parallel_loop3A_446 = tpu.vector_load %arg5[%parallel_loop3A_445] {strides = array<i32>} : memref<4224xi32, #tpu.memory_space<vmem>>, vector<16xi32>,
      %parallel_loop3A_447 = arith.addi %parallel_loop3A_440, %parallel_loop3A_446 : vector<16xi32>
      %parallel_loop3A_448 = arith.constant 16 : i32
      %parallel_loop3A_449 = arith.muli %parallel_loop3A_415, %parallel_loop3A_448 : i32
      %parallel_loop3A_450 = arith.constant 1285 : i32
      %parallel_loop3A_451 = arith.addi %parallel_loop3A_450, %parallel_loop3A_449 : i32
      %parallel_loop3A_452 = arith.index_cast %parallel_loop3A_451 : i32 to index
      %parallel_loop3A_453 = tpu.vector_load %arg5[%parallel_loop3A_452] {strides = array<i32>} : memref<4224xi32, #tpu.memory_space<vmem>>, vector<16xi32>,
      %parallel_loop3A_454 = arith.addi %parallel_loop3A_447, %parallel_loop3A_453 : vector<16xi32>
      %parallel_loop3A_455 = arith.constant 16 : i32
      %parallel_loop3A_456 = arith.muli %parallel_loop3A_415, %parallel_loop3A_455 : i32
      %parallel_loop3A_457 = arith.constant 1542 : i32
      %parallel_loop3A_458 = arith.addi %parallel_loop3A_457, %parallel_loop3A_456 : i32
      %parallel_loop3A_459 = arith.index_cast %parallel_loop3A_458 : i32 to index
      %parallel_loop3A_460 = tpu.vector_load %arg5[%parallel_loop3A_459] {strides = array<i32>} : memref<4224xi32, #tpu.memory_space<vmem>>, vector<16xi32>,
      %parallel_loop3A_461 = arith.addi %parallel_loop3A_454, %parallel_loop3A_460 : vector<16xi32>
      %parallel_loop3A_462 = arith.constant 16 : i32
      %parallel_loop3A_463 = arith.muli %parallel_loop3A_415, %parallel_loop3A_462 : i32
      %parallel_loop3A_464 = arith.constant 1799 : i32
      %parallel_loop3A_465 = arith.addi %parallel_loop3A_464, %parallel_loop3A_463 : i32
      %parallel_loop3A_466 = arith.index_cast %parallel_loop3A_465 : i32 to index
      %parallel_loop3A_467 = tpu.vector_load %arg5[%parallel_loop3A_466] {strides = array<i32>} : memref<4224xi32, #tpu.memory_space<vmem>>, vector<16xi32>,
      %parallel_loop3A_468 = arith.addi %parallel_loop3A_461, %parallel_loop3A_467 : vector<16xi32>
      %parallel_loop3A_469 = arith.constant 16 : i32
      %parallel_loop3A_470 = arith.muli %parallel_loop3A_415, %parallel_loop3A_469 : i32
      %parallel_loop3A_471 = arith.constant 2056 : i32
      %parallel_loop3A_472 = arith.addi %parallel_loop3A_471, %parallel_loop3A_470 : i32
      %parallel_loop3A_473 = arith.index_cast %parallel_loop3A_472 : i32 to index
      %parallel_loop3A_474 = tpu.vector_load %arg5[%parallel_loop3A_473] {strides = array<i32>} : memref<4224xi32, #tpu.memory_space<vmem>>, vector<16xi32>,
      %parallel_loop3A_475 = arith.addi %parallel_loop3A_468, %parallel_loop3A_474 : vector<16xi32>
      %parallel_loop3A_476 = arith.constant 16 : i32
      %parallel_loop3A_477 = arith.muli %parallel_loop3A_415, %parallel_loop3A_476 : i32
      %parallel_loop3A_478 = arith.constant 2313 : i32
      %parallel_loop3A_479 = arith.addi %parallel_loop3A_478, %parallel_loop3A_477 : i32
      %parallel_loop3A_480 = arith.index_cast %parallel_loop3A_479 : i32 to index
      %parallel_loop3A_481 = tpu.vector_load %arg5[%parallel_loop3A_480] {strides = array<i32>} : memref<4224xi32, #tpu.memory_space<vmem>>, vector<16xi32>,
      %parallel_loop3A_482 = arith.addi %parallel_loop3A_475, %parallel_loop3A_481 : vector<16xi32>
      %parallel_loop3A_483 = arith.constant 16 : i32
      %parallel_loop3A_484 = arith.muli %parallel_loop3A_415, %parallel_loop3A_483 : i32
      %parallel_loop3A_485 = arith.constant 2570 : i32
      %parallel_loop3A_486 = arith.addi %parallel_loop3A_485, %parallel_loop3A_484 : i32
      %parallel_loop3A_487 = arith.index_cast %parallel_loop3A_486 : i32 to index
      %parallel_loop3A_488 = tpu.vector_load %arg5[%parallel_loop3A_487] {strides = array<i32>} : memref<4224xi32, #tpu.memory_space<vmem>>, vector<16xi32>,
      %parallel_loop3A_489 = arith.addi %parallel_loop3A_482, %parallel_loop3A_488 : vector<16xi32>
      %parallel_loop3A_490 = arith.constant 16 : i32
      %parallel_loop3A_491 = arith.muli %parallel_loop3A_415, %parallel_loop3A_490 : i32
      %parallel_loop3A_492 = arith.constant 2827 : i32
      %parallel_loop3A_493 = arith.addi %parallel_loop3A_492, %parallel_loop3A_491 : i32
      %parallel_loop3A_494 = arith.index_cast %parallel_loop3A_493 : i32 to index
      %parallel_loop3A_495 = tpu.vector_load %arg5[%parallel_loop3A_494] {strides = array<i32>} : memref<4224xi32, #tpu.memory_space<vmem>>, vector<16xi32>,
      %parallel_loop3A_496 = arith.addi %parallel_loop3A_489, %parallel_loop3A_495 : vector<16xi32>
      %parallel_loop3A_497 = arith.constant 16 : i32
      %parallel_loop3A_498 = arith.muli %parallel_loop3A_415, %parallel_loop3A_497 : i32
      %parallel_loop3A_499 = arith.constant 3084 : i32
      %parallel_loop3A_500 = arith.addi %parallel_loop3A_499, %parallel_loop3A_498 : i32
      %parallel_loop3A_501 = arith.index_cast %parallel_loop3A_500 : i32 to index
      %parallel_loop3A_502 = tpu.vector_load %arg5[%parallel_loop3A_501] {strides = array<i32>} : memref<4224xi32, #tpu.memory_space<vmem>>, vector<16xi32>,
      %parallel_loop3A_503 = arith.addi %parallel_loop3A_496, %parallel_loop3A_502 : vector<16xi32>
      %parallel_loop3A_504 = arith.constant 16 : i32
      %parallel_loop3A_505 = arith.muli %parallel_loop3A_415, %parallel_loop3A_504 : i32
      %parallel_loop3A_506 = arith.constant 3341 : i32
      %parallel_loop3A_507 = arith.addi %parallel_loop3A_506, %parallel_loop3A_505 : i32
      %parallel_loop3A_508 = arith.index_cast %parallel_loop3A_507 : i32 to index
      %parallel_loop3A_509 = tpu.vector_load %arg5[%parallel_loop3A_508] {strides = array<i32>} : memref<4224xi32, #tpu.memory_space<vmem>>, vector<16xi32>,
      %parallel_loop3A_510 = arith.addi %parallel_loop3A_503, %parallel_loop3A_509 : vector<16xi32>
      %parallel_loop3A_511 = arith.constant 16 : i32
      %parallel_loop3A_512 = arith.muli %parallel_loop3A_415, %parallel_loop3A_511 : i32
      %parallel_loop3A_513 = arith.constant 3598 : i32
      %parallel_loop3A_514 = arith.addi %parallel_loop3A_513, %parallel_loop3A_512 : i32
      %parallel_loop3A_515 = arith.index_cast %parallel_loop3A_514 : i32 to index
      %parallel_loop3A_516 = tpu.vector_load %arg5[%parallel_loop3A_515] {strides = array<i32>} : memref<4224xi32, #tpu.memory_space<vmem>>, vector<16xi32>,
      %parallel_loop3A_517 = arith.addi %parallel_loop3A_510, %parallel_loop3A_516 : vector<16xi32>
      %parallel_loop3A_518 = arith.constant 16 : i32
      %parallel_loop3A_519 = arith.muli %parallel_loop3A_415, %parallel_loop3A_518 : i32
      %parallel_loop3A_520 = arith.constant 3855 : i32
      %parallel_loop3A_521 = arith.addi %parallel_loop3A_520, %parallel_loop3A_519 : i32
      %parallel_loop3A_522 = arith.index_cast %parallel_loop3A_521 : i32 to index
      %parallel_loop3A_523 = tpu.vector_load %arg5[%parallel_loop3A_522] {strides = array<i32>} : memref<4224xi32, #tpu.memory_space<vmem>>, vector<16xi32>,
      %parallel_loop3A_524 = arith.addi %parallel_loop3A_517, %parallel_loop3A_523 : vector<16xi32>
      %parallel_loop3A_525 = arith.constant 16 : i32
      %parallel_loop3A_526 = arith.muli %parallel_loop3A_415, %parallel_loop3A_525 : i32
      %parallel_loop3A_527 = arith.index_cast %parallel_loop3A_526 : i32 to index
      %parallel_loop3A_528 = tpu.vector_load %arg6[%parallel_loop3A_527] {strides = array<i32>} : memref<264xi32, #tpu.memory_space<vmem>>, vector<16xi32>,
      tpu.vector_store %arg6[%parallel_loop3A_527], %parallel_loop3A_524 {strides = array<i32>} : memref<264xi32, #tpu.memory_space<vmem>>, vector<16xi32>,
    } {sc.loop_unroll_factor = 2 : i64, sc.parallel_access}
    %barrier3A_241 = arith.constant 0 : index
    tpu.barrier barrier_id(%barrier3A_241)
    %mul3A_242 = arith.constant 256 : i32
    %mul3A_243 = arith.muli %arg1, %mul3A_242 : i32
    "tpu.region"() ({
      %run_scoped3A = tpu.sem_alloc : memref<!tpu.dma_semaphore, #tpu.memory_space<semaphore_mem>>
      %dma_start3A_415 = arith.constant 0 : i32
      %dma_start3A_416 = tpu.memref_slice %arg6[%dma_start3A_415] : memref<264xi32, #tpu.memory_space<vmem>> -> memref<256xi32, #tpu.memory_space<vmem>>
      %dma_start3A_417 = tpu.memref_slice %arg8[%mul3A_243] : memref<4096xi32, #tpu.memory_space<vmem_shared>> -> memref<256xi32, #tpu.memory_space<vmem_shared>>
      %dma_start3A_418 = tpu.memref_slice %arg8[%mul3A_243] : memref<4096xi32, #tpu.memory_space<vmem_shared>> -> memref<256xi32, #tpu.memory_space<vmem_shared>>
      %dma_start3A_419 = arith.constant 0 : i32
      %dma_start3A_420 = tpu.memref_slice %arg6[%dma_start3A_419] : memref<264xi32, #tpu.memory_space<vmem>> -> memref<256xi32, #tpu.memory_space<vmem>>
      tpu.enqueue_dma source(%dma_start3A_420 : memref<256xi32, #tpu.memory_space<vmem>>) target(%dma_start3A_418 : memref<256xi32, #tpu.memory_space<vmem_shared>>) target_semaphore(%run_scoped3A : memref<!tpu.dma_semaphore, #tpu.memory_space<semaphore_mem>>)
      %dma_wait3A_421 = arith.constant 0 : i32
      %dma_wait3A_422 = tpu.memref_slice %arg6[%dma_wait3A_421] : memref<264xi32, #tpu.memory_space<vmem>> -> memref<256xi32, #tpu.memory_space<vmem>>
      %dma_wait3A_423 = tpu.memref_slice %arg8[%mul3A_243] : memref<4096xi32, #tpu.memory_space<vmem_shared>> -> memref<256xi32, #tpu.memory_space<vmem_shared>>
      %dma_wait3A_424 = tpu.memref_slice %arg8[%mul3A_243] : memref<4096xi32, #tpu.memory_space<vmem_shared>> -> memref<256xi32, #tpu.memory_space<vmem_shared>>
      %dma_wait3A_425 = arith.constant 0 : i32
      %dma_wait3A_426 = tpu.memref_slice %arg6[%dma_wait3A_425] : memref<264xi32, #tpu.memory_space<vmem>> -> memref<256xi32, #tpu.memory_space<vmem>>
      tpu.wait_dma2 semaphore(%run_scoped3A : memref<!tpu.dma_semaphore, #tpu.memory_space<semaphore_mem>>) src(%dma_wait3A_426 : memref<256xi32, #tpu.memory_space<vmem>>) dst(%dma_wait3A_424 : memref<256xi32, #tpu.memory_space<vmem_shared>>)
      tpu.yield
    }) : () -> ()
    %barrier3A_244 = arith.constant 0 : index
    tpu.barrier barrier_id(%barrier3A_244)
    "tpu.region"() ({
      %run_scoped3A = tpu.sem_alloc : memref<!tpu.dma_semaphore, #tpu.memory_space<semaphore_mem>>
      %dma_start3A_415 = arith.constant 0 : i32
      %dma_start3A_416 = tpu.memref_slice %arg5[%dma_start3A_415] : memref<4224xi32, #tpu.memory_space<vmem>> -> memref<4096xi32, #tpu.memory_space<vmem>>
      %dma_start3A_417 = arith.constant 0 : i32
      %dma_start3A_418 = tpu.memref_slice %arg5[%dma_start3A_417] : memref<4224xi32, #tpu.memory_space<vmem>> -> memref<4096xi32, #tpu.memory_space<vmem>>
      tpu.enqueue_dma source(%arg8 : memref<4096xi32, #tpu.memory_space<vmem_shared>>) target(%dma_start3A_418 : memref<4096xi32, #tpu.memory_space<vmem>>) target_semaphore(%run_scoped3A : memref<!tpu.dma_semaphore, #tpu.memory_space<semaphore_mem>>)
      %dma_wait3A_419 = arith.constant 0 : i32
      %dma_wait3A_420 = tpu.memref_slice %arg5[%dma_wait3A_419] : memref<4224xi32, #tpu.memory_space<vmem>> -> memref<4096xi32, #tpu.memory_space<vmem>>
      %dma_wait3A_421 = arith.constant 0 : i32
      %dma_wait3A_422 = tpu.memref_slice %arg5[%dma_wait3A_421] : memref<4224xi32, #tpu.memory_space<vmem>> -> memref<4096xi32, #tpu.memory_space<vmem>>
      tpu.wait_dma2 semaphore(%run_scoped3A : memref<!tpu.dma_semaphore, #tpu.memory_space<semaphore_mem>>) src(%arg8 : memref<4096xi32, #tpu.memory_space<vmem_shared>>) dst(%dma_wait3A_422 : memref<4096xi32, #tpu.memory_space<vmem>>)
      tpu.yield
    }) : () -> ()
    %parallel_loop3A_245 = arith.constant 0 : i32
    %parallel_loop3A_246 = arith.constant 16 : i32
    %parallel_loop3A_247 = arith.constant 1 : i32
    scf.for %parallel_loop3A_415 = %parallel_loop3A_245 to %parallel_loop3A_246 step %parallel_loop3A_247  : i32 {
      %parallel_loop3A_416 = arith.constant 16 : i32
      %parallel_loop3A_417 = arith.muli %parallel_loop3A_415, %parallel_loop3A_416 : i32
      %parallel_loop3A_418 = arith.index_cast %parallel_loop3A_417 : i32 to index
      %parallel_loop3A_419 = tpu.vector_load %arg5[%parallel_loop3A_418] {strides = array<i32>} : memref<4224xi32, #tpu.memory_space<vmem>>, vector<16xi32>,
      %parallel_loop3A_420 = arith.constant 16 : i32
      %parallel_loop3A_421 = arith.muli %parallel_loop3A_415, %parallel_loop3A_420 : i32
      %parallel_loop3A_422 = arith.constant 256 : i32
      %parallel_loop3A_423 = arith.addi %parallel_loop3A_422, %parallel_loop3A_421 : i32
      %parallel_loop3A_424 = arith.index_cast %parallel_loop3A_423 : i32 to index
      %parallel_loop3A_425 = tpu.vector_load %arg5[%parallel_loop3A_424] {strides = array<i32>} : memref<4224xi32, #tpu.memory_space<vmem>>, vector<16xi32>,
      %parallel_loop3A_426 = arith.addi %parallel_loop3A_419, %parallel_loop3A_425 : vector<16xi32>
      %parallel_loop3A_427 = arith.constant 16 : i32
      %parallel_loop3A_428 = arith.muli %parallel_loop3A_415, %parallel_loop3A_427 : i32
      %parallel_loop3A_429 = arith.constant 512 : i32
      %parallel_loop3A_430 = arith.addi %parallel_loop3A_429, %parallel_loop3A_428 : i32
      %parallel_loop3A_431 = arith.index_cast %parallel_loop3A_430 : i32 to index
      %parallel_loop3A_432 = tpu.vector_load %arg5[%parallel_loop3A_431] {strides = array<i32>} : memref<4224xi32, #tpu.memory_space<vmem>>, vector<16xi32>,
      %parallel_loop3A_433 = arith.addi %parallel_loop3A_426, %parallel_loop3A_432 : vector<16xi32>
      %parallel_loop3A_434 = arith.constant 16 : i32
      %parallel_loop3A_435 = arith.muli %parallel_loop3A_415, %parallel_loop3A_434 : i32
      %parallel_loop3A_436 = arith.constant 768 : i32
      %parallel_loop3A_437 = arith.addi %parallel_loop3A_436, %parallel_loop3A_435 : i32
      %parallel_loop3A_438 = arith.index_cast %parallel_loop3A_437 : i32 to index
      %parallel_loop3A_439 = tpu.vector_load %arg5[%parallel_loop3A_438] {strides = array<i32>} : memref<4224xi32, #tpu.memory_space<vmem>>, vector<16xi32>,
      %parallel_loop3A_440 = arith.addi %parallel_loop3A_433, %parallel_loop3A_439 : vector<16xi32>
      %parallel_loop3A_441 = arith.constant 16 : i32
      %parallel_loop3A_442 = arith.muli %parallel_loop3A_415, %parallel_loop3A_441 : i32
      %parallel_loop3A_443 = arith.constant 1024 : i32
      %parallel_loop3A_444 = arith.addi %parallel_loop3A_443, %parallel_loop3A_442 : i32
      %parallel_loop3A_445 = arith.index_cast %parallel_loop3A_444 : i32 to index
      %parallel_loop3A_446 = tpu.vector_load %arg5[%parallel_loop3A_445] {strides = array<i32>} : memref<4224xi32, #tpu.memory_space<vmem>>, vector<16xi32>,
      %parallel_loop3A_447 = arith.addi %parallel_loop3A_440, %parallel_loop3A_446 : vector<16xi32>
      %parallel_loop3A_448 = arith.constant 16 : i32
      %parallel_loop3A_449 = arith.muli %parallel_loop3A_415, %parallel_loop3A_448 : i32
      %parallel_loop3A_450 = arith.constant 1280 : i32
      %parallel_loop3A_451 = arith.addi %parallel_loop3A_450, %parallel_loop3A_449 : i32
      %parallel_loop3A_452 = arith.index_cast %parallel_loop3A_451 : i32 to index
      %parallel_loop3A_453 = tpu.vector_load %arg5[%parallel_loop3A_452] {strides = array<i32>} : memref<4224xi32, #tpu.memory_space<vmem>>, vector<16xi32>,
      %parallel_loop3A_454 = arith.addi %parallel_loop3A_447, %parallel_loop3A_453 : vector<16xi32>
      %parallel_loop3A_455 = arith.constant 16 : i32
      %parallel_loop3A_456 = arith.muli %parallel_loop3A_415, %parallel_loop3A_455 : i32
      %parallel_loop3A_457 = arith.constant 1536 : i32
      %parallel_loop3A_458 = arith.addi %parallel_loop3A_457, %parallel_loop3A_456 : i32
      %parallel_loop3A_459 = arith.index_cast %parallel_loop3A_458 : i32 to index
      %parallel_loop3A_460 = tpu.vector_load %arg5[%parallel_loop3A_459] {strides = array<i32>} : memref<4224xi32, #tpu.memory_space<vmem>>, vector<16xi32>,
      %parallel_loop3A_461 = arith.addi %parallel_loop3A_454, %parallel_loop3A_460 : vector<16xi32>
      %parallel_loop3A_462 = arith.constant 16 : i32
      %parallel_loop3A_463 = arith.muli %parallel_loop3A_415, %parallel_loop3A_462 : i32
      %parallel_loop3A_464 = arith.constant 1792 : i32
      %parallel_loop3A_465 = arith.addi %parallel_loop3A_464, %parallel_loop3A_463 : i32
      %parallel_loop3A_466 = arith.index_cast %parallel_loop3A_465 : i32 to index
      %parallel_loop3A_467 = tpu.vector_load %arg5[%parallel_loop3A_466] {strides = array<i32>} : memref<4224xi32, #tpu.memory_space<vmem>>, vector<16xi32>,
      %parallel_loop3A_468 = arith.addi %parallel_loop3A_461, %parallel_loop3A_467 : vector<16xi32>
      %parallel_loop3A_469 = arith.constant 16 : i32
      %parallel_loop3A_470 = arith.muli %parallel_loop3A_415, %parallel_loop3A_469 : i32
      %parallel_loop3A_471 = arith.constant 2048 : i32
      %parallel_loop3A_472 = arith.addi %parallel_loop3A_471, %parallel_loop3A_470 : i32
      %parallel_loop3A_473 = arith.index_cast %parallel_loop3A_472 : i32 to index
      %parallel_loop3A_474 = tpu.vector_load %arg5[%parallel_loop3A_473] {strides = array<i32>} : memref<4224xi32, #tpu.memory_space<vmem>>, vector<16xi32>,
      %parallel_loop3A_475 = arith.addi %parallel_loop3A_468, %parallel_loop3A_474 : vector<16xi32>
      %parallel_loop3A_476 = arith.constant 16 : i32
      %parallel_loop3A_477 = arith.muli %parallel_loop3A_415, %parallel_loop3A_476 : i32
      %parallel_loop3A_478 = arith.constant 2304 : i32
      %parallel_loop3A_479 = arith.addi %parallel_loop3A_478, %parallel_loop3A_477 : i32
      %parallel_loop3A_480 = arith.index_cast %parallel_loop3A_479 : i32 to index
      %parallel_loop3A_481 = tpu.vector_load %arg5[%parallel_loop3A_480] {strides = array<i32>} : memref<4224xi32, #tpu.memory_space<vmem>>, vector<16xi32>,
      %parallel_loop3A_482 = arith.addi %parallel_loop3A_475, %parallel_loop3A_481 : vector<16xi32>
      %parallel_loop3A_483 = arith.constant 16 : i32
      %parallel_loop3A_484 = arith.muli %parallel_loop3A_415, %parallel_loop3A_483 : i32
      %parallel_loop3A_485 = arith.constant 2560 : i32
      %parallel_loop3A_486 = arith.addi %parallel_loop3A_485, %parallel_loop3A_484 : i32
      %parallel_loop3A_487 = arith.index_cast %parallel_loop3A_486 : i32 to index
      %parallel_loop3A_488 = tpu.vector_load %arg5[%parallel_loop3A_487] {strides = array<i32>} : memref<4224xi32, #tpu.memory_space<vmem>>, vector<16xi32>,
      %parallel_loop3A_489 = arith.addi %parallel_loop3A_482, %parallel_loop3A_488 : vector<16xi32>
      %parallel_loop3A_490 = arith.constant 16 : i32
      %parallel_loop3A_491 = arith.muli %parallel_loop3A_415, %parallel_loop3A_490 : i32
      %parallel_loop3A_492 = arith.constant 2816 : i32
      %parallel_loop3A_493 = arith.addi %parallel_loop3A_492, %parallel_loop3A_491 : i32
      %parallel_loop3A_494 = arith.index_cast %parallel_loop3A_493 : i32 to index
      %parallel_loop3A_495 = tpu.vector_load %arg5[%parallel_loop3A_494] {strides = array<i32>} : memref<4224xi32, #tpu.memory_space<vmem>>, vector<16xi32>,
      %parallel_loop3A_496 = arith.addi %parallel_loop3A_489, %parallel_loop3A_495 : vector<16xi32>
      %parallel_loop3A_497 = arith.constant 16 : i32
      %parallel_loop3A_498 = arith.muli %parallel_loop3A_415, %parallel_loop3A_497 : i32
      %parallel_loop3A_499 = arith.constant 3072 : i32
      %parallel_loop3A_500 = arith.addi %parallel_loop3A_499, %parallel_loop3A_498 : i32
      %parallel_loop3A_501 = arith.index_cast %parallel_loop3A_500 : i32 to index
      %parallel_loop3A_502 = tpu.vector_load %arg5[%parallel_loop3A_501] {strides = array<i32>} : memref<4224xi32, #tpu.memory_space<vmem>>, vector<16xi32>,
      %parallel_loop3A_503 = arith.addi %parallel_loop3A_496, %parallel_loop3A_502 : vector<16xi32>
      %parallel_loop3A_504 = arith.constant 16 : i32
      %parallel_loop3A_505 = arith.muli %parallel_loop3A_415, %parallel_loop3A_504 : i32
      %parallel_loop3A_506 = arith.constant 3328 : i32
      %parallel_loop3A_507 = arith.addi %parallel_loop3A_506, %parallel_loop3A_505 : i32
      %parallel_loop3A_508 = arith.index_cast %parallel_loop3A_507 : i32 to index
      %parallel_loop3A_509 = tpu.vector_load %arg5[%parallel_loop3A_508] {strides = array<i32>} : memref<4224xi32, #tpu.memory_space<vmem>>, vector<16xi32>,
      %parallel_loop3A_510 = arith.addi %parallel_loop3A_503, %parallel_loop3A_509 : vector<16xi32>
      %parallel_loop3A_511 = arith.constant 16 : i32
      %parallel_loop3A_512 = arith.muli %parallel_loop3A_415, %parallel_loop3A_511 : i32
      %parallel_loop3A_513 = arith.constant 3584 : i32
      %parallel_loop3A_514 = arith.addi %parallel_loop3A_513, %parallel_loop3A_512 : i32
      %parallel_loop3A_515 = arith.index_cast %parallel_loop3A_514 : i32 to index
      %parallel_loop3A_516 = tpu.vector_load %arg5[%parallel_loop3A_515] {strides = array<i32>} : memref<4224xi32, #tpu.memory_space<vmem>>, vector<16xi32>,
      %parallel_loop3A_517 = arith.addi %parallel_loop3A_510, %parallel_loop3A_516 : vector<16xi32>
      %parallel_loop3A_518 = arith.constant 16 : i32
      %parallel_loop3A_519 = arith.muli %parallel_loop3A_415, %parallel_loop3A_518 : i32
      %parallel_loop3A_520 = arith.constant 3840 : i32
      %parallel_loop3A_521 = arith.addi %parallel_loop3A_520, %parallel_loop3A_519 : i32
      %parallel_loop3A_522 = arith.index_cast %parallel_loop3A_521 : i32 to index
      %parallel_loop3A_523 = tpu.vector_load %arg5[%parallel_loop3A_522] {strides = array<i32>} : memref<4224xi32, #tpu.memory_space<vmem>>, vector<16xi32>,
      %parallel_loop3A_524 = arith.addi %parallel_loop3A_517, %parallel_loop3A_523 : vector<16xi32>
      %parallel_loop3A_525 = arith.constant 16 : i32
      %parallel_loop3A_526 = arith.muli %parallel_loop3A_415, %parallel_loop3A_525 : i32
      %parallel_loop3A_527 = arith.index_cast %parallel_loop3A_526 : i32 to index
      %parallel_loop3A_528 = tpu.vector_load %arg6[%parallel_loop3A_527] {strides = array<i32>} : memref<264xi32, #tpu.memory_space<vmem>>, vector<16xi32>,
      tpu.vector_store %arg6[%parallel_loop3A_527], %parallel_loop3A_524 {strides = array<i32>} : memref<264xi32, #tpu.memory_space<vmem>>, vector<16xi32>,
    } {sc.loop_unroll_factor = 2 : i64, sc.parallel_access}
    %scan3A_248 = arith.constant 0 : i32
    %scan3A_249 = arith.constant 0 : i32
    %scan3A_250 = arith.constant 0 : i32
    %scan3A_251 = arith.constant 0 : i32
    %scan3A_252 = arith.constant 0 : i32
    %scan3A_253 = arith.constant 16 : i32
    %scan3A_254 = arith.addi %scan3A_252, %scan3A_253 : i32
    %scan3A_255 = arith.constant 1 : i32
    %scan3A_256:4 = scf.for %scan3A_415 = %scan3A_252 to %scan3A_254 step %scan3A_255 iter_args(%scan3A_416 = %scan3A_248, %scan3A_417 = %scan3A_249, %scan3A_418 = %scan3A_250, %scan3A_419 = %scan3A_251) -> (i32, i32, i32, i32)  : i32 {
      %sub3A_420 = arith.constant 15 : i32
      %sub3A_421 = arith.subi %sub3A_420, %scan3A_415 : i32
      %mul3A_422 = arith.constant 16 : i32
      %mul3A_423 = arith.muli %sub3A_421, %mul3A_422 : i32
      %get3A_424 = arith.index_cast %mul3A_423 : i32 to index
      %get3A_425 = tpu.vector_load %arg6[%get3A_424] {strides = array<i32>} : memref<264xi32, #tpu.memory_space<vmem>>, vector<16xi32>,
      %reduce_sum3A_426 = arith.constant true
      %reduce_sum3A_427 = vector.broadcast %reduce_sum3A_426 : i1 to vector<16xi1>
      %reduce_sum3A_428 = tpu.scan <sum>, %get3A_425 masked %reduce_sum3A_427 : vector<16xi32>, vector<16xi1> -> vector<16xi32>
      %reduce_sum3A_429 = vector.extract %reduce_sum3A_428[15] : i32 from vector<16xi32>
      %eq3A_430 = arith.constant 0 : i32
      %eq3A_431 = arith.cmpi eq, %scan3A_419, %eq3A_430 : i32
      %add3A_432 = arith.addi %scan3A_416, %reduce_sum3A_429 : i32
      %ge3A_433 = arith.cmpi sge, %add3A_432, %sub3A_230 : i32
      %and3A_434 = arith.andi %eq3A_431, %ge3A_433 : i1
      %select_n3A_435 = arith.select %and3A_434, %sub3A_421, %scan3A_417 : i32
      %select_n3A_436 = arith.select %and3A_434, %scan3A_416, %scan3A_418 : i32
      %eq3A_437 = arith.constant 0 : i32
      %eq3A_438 = arith.cmpi eq, %scan3A_419, %eq3A_437 : i32
      %add3A_439 = arith.addi %scan3A_416, %reduce_sum3A_429 : i32
      %select_n3A_440 = arith.select %eq3A_438, %add3A_439, %scan3A_416 : i32
      %jit3A_441 = arith.constant 1 : i32
      %select_n3A_442 = arith.select %and3A_434, %jit3A_441, %scan3A_419 : i32
      scf.yield %select_n3A_440, %select_n3A_435, %select_n3A_436, %select_n3A_442 : i32, i32, i32, i32
    }
    %scan3A_257 = arith.constant 16 : i32
    %mul3A_258 = arith.constant 16 : i32
    %mul3A_259 = arith.muli %scan3A_256#1, %mul3A_258 : i32
    %get3A_260 = arith.index_cast %mul3A_259 : i32 to index
    %get3A_261 = tpu.vector_load %arg6[%get3A_260] {strides = array<i32>} : memref<264xi32, #tpu.memory_space<vmem>>, vector<16xi32>,
    %reduce_sum3A_262 = arith.constant true
    %reduce_sum3A_263 = vector.broadcast %reduce_sum3A_262 : i1 to vector<16xi1>
    %reduce_sum3A_264 = tpu.scan <sum>, %get3A_261 masked %reduce_sum3A_263 : vector<16xi32>, vector<16xi1> -> vector<16xi32>
    %reduce_sum3A_265 = vector.extract %reduce_sum3A_264[15] : i32 from vector<16xi32>
    %cumsum3A_266 = arith.constant true
    %cumsum3A_267 = vector.broadcast %cumsum3A_266 : i1 to vector<16xi1>
    %cumsum3A_268 = tpu.scan <sum>, %get3A_261 masked %cumsum3A_267 : vector<16xi32>, vector<16xi1> -> vector<16xi32>
    %sub3A_269 = vector.broadcast %reduce_sum3A_265 : i32 to vector<16xi32>
    %sub3A_270 = arith.subi %sub3A_269, %cumsum3A_268 : vector<16xi32>
    %add3A_271 = arith.addi %sub3A_270, %get3A_261 : vector<16xi32>
    %add3A_272 = vector.broadcast %scan3A_256#2 : i32 to vector<16xi32>
    %add3A_273 = arith.addi %add3A_272, %add3A_271 : vector<16xi32>
    %ge3A_274 = vector.broadcast %sub3A_230 : i32 to vector<16xi32>
    %ge3A_275 = arith.cmpi sge, %add3A_273, %ge3A_274 : vector<16xi32>
    %jit3A_276 = arith.constant -1 : i32
    %broadcast_in_dim3A_277 = vector.broadcast %jit3A_276 : i32 to vector<16xi32>
    %select_n3A_278 = arith.select %ge3A_275, %iota3A, %broadcast_in_dim3A_277 : vector<16xi1>, vector<16xi32>
    %reduce_max3A_279 = arith.constant true
    %reduce_max3A_280 = vector.broadcast %reduce_max3A_279 : i1 to vector<16xi1>
    %reduce_max3A_281 = arith.constant -2147483648 : i32
    %reduce_max3A_282 = vector.broadcast %reduce_max3A_281 : i32 to vector<16xi32>
    %reduce_max3A_283 = arith.xori %select_n3A_278, %reduce_max3A_282 : vector<16xi32>
    %reduce_max3A_284 = tpu.scan <max>, %reduce_max3A_283 masked %reduce_max3A_280 : vector<16xi32>, vector<16xi1> -> vector<16xi32>
    %reduce_max3A_285 = arith.xori %reduce_max3A_284, %reduce_max3A_282 : vector<16xi32>
    %reduce_max3A_286 = vector.extract %reduce_max3A_285[15] : i32 from vector<16xi32>
    %eq3A_287 = vector.broadcast %reduce_max3A_286 : i32 to vector<16xi32>
    %eq3A_288 = arith.cmpi eq, %iota3A, %eq3A_287 : vector<16xi32>
    %jit3A_289 = arith.constant 0 : i32
    %broadcast_in_dim3A_290 = vector.broadcast %jit3A_289 : i32 to vector<16xi32>
    %select_n3A_291 = arith.select %eq3A_288, %add3A_271, %broadcast_in_dim3A_290 : vector<16xi1>, vector<16xi32>
    %reduce_sum3A_292 = arith.constant true
    %reduce_sum3A_293 = vector.broadcast %reduce_sum3A_292 : i1 to vector<16xi1>
    %reduce_sum3A_294 = tpu.scan <sum>, %select_n3A_291 masked %reduce_sum3A_293 : vector<16xi32>, vector<16xi1> -> vector<16xi32>
    %reduce_sum3A_295 = vector.extract %reduce_sum3A_294[15] : i32 from vector<16xi32>
    %eq3A_296 = vector.broadcast %reduce_max3A_286 : i32 to vector<16xi32>
    %eq3A_297 = arith.cmpi eq, %iota3A, %eq3A_296 : vector<16xi32>
    %jit3A_298 = arith.constant 0 : i32
    %broadcast_in_dim3A_299 = vector.broadcast %jit3A_298 : i32 to vector<16xi32>
    %select_n3A_300 = arith.select %eq3A_297, %get3A_261, %broadcast_in_dim3A_299 : vector<16xi1>, vector<16xi32>
    %reduce_sum3A_301 = arith.constant true
    %reduce_sum3A_302 = vector.broadcast %reduce_sum3A_301 : i1 to vector<16xi1>
    %reduce_sum3A_303 = tpu.scan <sum>, %select_n3A_300 masked %reduce_sum3A_302 : vector<16xi32>, vector<16xi1> -> vector<16xi32>
    %reduce_sum3A_304 = vector.extract %reduce_sum3A_303[15] : i32 from vector<16xi32>
    %mul3A_305 = arith.constant 16 : i32
    %mul3A_306 = arith.muli %scan3A_256#1, %mul3A_305 : i32
    %add3A_307 = arith.addi %mul3A_306, %reduce_max3A_286 : i32
    %add3A_308 = arith.addi %scan3A_256#2, %reduce_sum3A_295 : i32
    %sub3A_309 = arith.subi %add3A_308, %reduce_sum3A_304 : i32
    %sub3A_310 = arith.subi %sub3A_230, %sub3A_309 : i32
    %shift_left3A_311 = arith.constant 8 : i32
    %shift_left3A_312 = arith.shli %or3A_233, %shift_left3A_311 : i32
    %or3A_313 = arith.ori %shift_left3A_312, %add3A_307 : i32
    "tpu.region"() ({
      %run_scoped3A = tpu.sem_alloc : memref<!tpu.dma_semaphore, #tpu.memory_space<semaphore_mem>>
      tpu.enqueue_dma source(%arg9 : memref<4224xi32, #tpu.memory_space<vmem_shared>>) target(%arg5 : memref<4224xi32, #tpu.memory_space<vmem>>) target_semaphore(%run_scoped3A : memref<!tpu.dma_semaphore, #tpu.memory_space<semaphore_mem>>)
      tpu.wait_dma2 semaphore(%run_scoped3A : memref<!tpu.dma_semaphore, #tpu.memory_space<semaphore_mem>>) src(%arg9 : memref<4224xi32, #tpu.memory_space<vmem_shared>>) dst(%arg5 : memref<4224xi32, #tpu.memory_space<vmem>>)
      tpu.yield
    }) : () -> ()
    %parallel_loop3A_314 = arith.constant 0 : i32
    %parallel_loop3A_315 = arith.constant 65536 : i32
    %parallel_loop3A_316 = arith.constant 16 : i32
    %parallel_loop3A_317 = arith.constant 127 : i32
    scf.for %parallel_loop3A_415 = %parallel_loop3A_314 to %parallel_loop3A_315 step %parallel_loop3A_316  : i32 {
      %parallel_loop3A_416 = arith.index_cast %parallel_loop3A_415 : i32 to index
      %parallel_loop3A_417 = tpu.vector_load %arg4[%parallel_loop3A_416] {strides = array<i32>} : memref<65536xf32, #tpu.memory_space<vmem>>, vector<16xf32>,
      %parallel_loop3A_418 = tpu.bitcast %parallel_loop3A_417 : vector<16xf32> -> vector<16xi32>
      %parallel_loop3A_419 = arith.constant 0 : i32
      %parallel_loop3A_420 = vector.broadcast %parallel_loop3A_419 : i32 to vector<16xi32>
      %parallel_loop3A_421 = arith.shrui %parallel_loop3A_418, %parallel_loop3A_420 : vector<16xi32>
      %parallel_loop3A_422 = vector.broadcast %parallel_loop3A_317 : i32 to vector<16xi32>
      %parallel_loop3A_423 = arith.andi %parallel_loop3A_421, %parallel_loop3A_422 : vector<16xi32>
      %parallel_loop3A_424 = arith.addi %mul3A_1, %parallel_loop3A_423 : vector<16xi32>
      %parallel_loop3A_425 = arith.constant 7 : i32
      %parallel_loop3A_426 = vector.broadcast %parallel_loop3A_425 : i32 to vector<16xi32>
      %parallel_loop3A_427 = arith.shrui %parallel_loop3A_418, %parallel_loop3A_426 : vector<16xi32>
      %parallel_loop3A_428 = arith.constant 16777215 : i32
      %parallel_loop3A_429 = vector.broadcast %parallel_loop3A_428 : i32 to vector<16xi32>
      %parallel_loop3A_430 = arith.andi %parallel_loop3A_427, %parallel_loop3A_429 : vector<16xi32>
      %parallel_loop3A_431 = vector.broadcast %or3A_313 : i32 to vector<16xi32>
      %parallel_loop3A_432 = arith.cmpi eq, %parallel_loop3A_430, %parallel_loop3A_431 : vector<16xi32>
      tpu.vector_store_idx %arg5[%parallel_loop3A_424], %broadcast_in_dim3A_2 masked %parallel_loop3A_432 {add = true} : memref<4224xi32, #tpu.memory_space<vmem>>[vector<16xi32>], vector<16xi32>, vector<16xi1>
    } {sc.loop_unroll_factor = 8 : i64, sc.parallel_access}
    %parallel_loop3A_318 = arith.constant 0 : i32
    %parallel_loop3A_319 = arith.constant 8 : i32
    %parallel_loop3A_320 = arith.constant 1 : i32
    scf.for %parallel_loop3A_415 = %parallel_loop3A_318 to %parallel_loop3A_319 step %parallel_loop3A_320  : i32 {
      %parallel_loop3A_416 = arith.constant 16 : i32
      %parallel_loop3A_417 = arith.muli %parallel_loop3A_415, %parallel_loop3A_416 : i32
      %parallel_loop3A_418 = arith.index_cast %parallel_loop3A_417 : i32 to index
      %parallel_loop3A_419 = tpu.vector_load %arg5[%parallel_loop3A_418] {strides = array<i32>} : memref<4224xi32, #tpu.memory_space<vmem>>, vector<16xi32>,
      %parallel_loop3A_420 = arith.constant 16 : i32
      %parallel_loop3A_421 = arith.muli %parallel_loop3A_415, %parallel_loop3A_420 : i32
      %parallel_loop3A_422 = arith.constant 257 : i32
      %parallel_loop3A_423 = arith.addi %parallel_loop3A_422, %parallel_loop3A_421 : i32
      %parallel_loop3A_424 = arith.index_cast %parallel_loop3A_423 : i32 to index
      %parallel_loop3A_425 = tpu.vector_load %arg5[%parallel_loop3A_424] {strides = array<i32>} : memref<4224xi32, #tpu.memory_space<vmem>>, vector<16xi32>,
      %parallel_loop3A_426 = arith.addi %parallel_loop3A_419, %parallel_loop3A_425 : vector<16xi32>
      %parallel_loop3A_427 = arith.constant 16 : i32
      %parallel_loop3A_428 = arith.muli %parallel_loop3A_415, %parallel_loop3A_427 : i32
      %parallel_loop3A_429 = arith.constant 514 : i32
      %parallel_loop3A_430 = arith.addi %parallel_loop3A_429, %parallel_loop3A_428 : i32
      %parallel_loop3A_431 = arith.index_cast %parallel_loop3A_430 : i32 to index
      %parallel_loop3A_432 = tpu.vector_load %arg5[%parallel_loop3A_431] {strides = array<i32>} : memref<4224xi32, #tpu.memory_space<vmem>>, vector<16xi32>,
      %parallel_loop3A_433 = arith.addi %parallel_loop3A_426, %parallel_loop3A_432 : vector<16xi32>
      %parallel_loop3A_434 = arith.constant 16 : i32
      %parallel_loop3A_435 = arith.muli %parallel_loop3A_415, %parallel_loop3A_434 : i32
      %parallel_loop3A_436 = arith.constant 771 : i32
      %parallel_loop3A_437 = arith.addi %parallel_loop3A_436, %parallel_loop3A_435 : i32
      %parallel_loop3A_438 = arith.index_cast %parallel_loop3A_437 : i32 to index
      %parallel_loop3A_439 = tpu.vector_load %arg5[%parallel_loop3A_438] {strides = array<i32>} : memref<4224xi32, #tpu.memory_space<vmem>>, vector<16xi32>,
      %parallel_loop3A_440 = arith.addi %parallel_loop3A_433, %parallel_loop3A_439 : vector<16xi32>
      %parallel_loop3A_441 = arith.constant 16 : i32
      %parallel_loop3A_442 = arith.muli %parallel_loop3A_415, %parallel_loop3A_441 : i32
      %parallel_loop3A_443 = arith.constant 1028 : i32
      %parallel_loop3A_444 = arith.addi %parallel_loop3A_443, %parallel_loop3A_442 : i32
      %parallel_loop3A_445 = arith.index_cast %parallel_loop3A_444 : i32 to index
      %parallel_loop3A_446 = tpu.vector_load %arg5[%parallel_loop3A_445] {strides = array<i32>} : memref<4224xi32, #tpu.memory_space<vmem>>, vector<16xi32>,
      %parallel_loop3A_447 = arith.addi %parallel_loop3A_440, %parallel_loop3A_446 : vector<16xi32>
      %parallel_loop3A_448 = arith.constant 16 : i32
      %parallel_loop3A_449 = arith.muli %parallel_loop3A_415, %parallel_loop3A_448 : i32
      %parallel_loop3A_450 = arith.constant 1285 : i32
      %parallel_loop3A_451 = arith.addi %parallel_loop3A_450, %parallel_loop3A_449 : i32
      %parallel_loop3A_452 = arith.index_cast %parallel_loop3A_451 : i32 to index
      %parallel_loop3A_453 = tpu.vector_load %arg5[%parallel_loop3A_452] {strides = array<i32>} : memref<4224xi32, #tpu.memory_space<vmem>>, vector<16xi32>,
      %parallel_loop3A_454 = arith.addi %parallel_loop3A_447, %parallel_loop3A_453 : vector<16xi32>
      %parallel_loop3A_455 = arith.constant 16 : i32
      %parallel_loop3A_456 = arith.muli %parallel_loop3A_415, %parallel_loop3A_455 : i32
      %parallel_loop3A_457 = arith.constant 1542 : i32
      %parallel_loop3A_458 = arith.addi %parallel_loop3A_457, %parallel_loop3A_456 : i32
      %parallel_loop3A_459 = arith.index_cast %parallel_loop3A_458 : i32 to index
      %parallel_loop3A_460 = tpu.vector_load %arg5[%parallel_loop3A_459] {strides = array<i32>} : memref<4224xi32, #tpu.memory_space<vmem>>, vector<16xi32>,
      %parallel_loop3A_461 = arith.addi %parallel_loop3A_454, %parallel_loop3A_460 : vector<16xi32>
      %parallel_loop3A_462 = arith.constant 16 : i32
      %parallel_loop3A_463 = arith.muli %parallel_loop3A_415, %parallel_loop3A_462 : i32
      %parallel_loop3A_464 = arith.constant 1799 : i32
      %parallel_loop3A_465 = arith.addi %parallel_loop3A_464, %parallel_loop3A_463 : i32
      %parallel_loop3A_466 = arith.index_cast %parallel_loop3A_465 : i32 to index
      %parallel_loop3A_467 = tpu.vector_load %arg5[%parallel_loop3A_466] {strides = array<i32>} : memref<4224xi32, #tpu.memory_space<vmem>>, vector<16xi32>,
      %parallel_loop3A_468 = arith.addi %parallel_loop3A_461, %parallel_loop3A_467 : vector<16xi32>
      %parallel_loop3A_469 = arith.constant 16 : i32
      %parallel_loop3A_470 = arith.muli %parallel_loop3A_415, %parallel_loop3A_469 : i32
      %parallel_loop3A_471 = arith.constant 2056 : i32
      %parallel_loop3A_472 = arith.addi %parallel_loop3A_471, %parallel_loop3A_470 : i32
      %parallel_loop3A_473 = arith.index_cast %parallel_loop3A_472 : i32 to index
      %parallel_loop3A_474 = tpu.vector_load %arg5[%parallel_loop3A_473] {strides = array<i32>} : memref<4224xi32, #tpu.memory_space<vmem>>, vector<16xi32>,
      %parallel_loop3A_475 = arith.addi %parallel_loop3A_468, %parallel_loop3A_474 : vector<16xi32>
      %parallel_loop3A_476 = arith.constant 16 : i32
      %parallel_loop3A_477 = arith.muli %parallel_loop3A_415, %parallel_loop3A_476 : i32
      %parallel_loop3A_478 = arith.constant 2313 : i32
      %parallel_loop3A_479 = arith.addi %parallel_loop3A_478, %parallel_loop3A_477 : i32
      %parallel_loop3A_480 = arith.index_cast %parallel_loop3A_479 : i32 to index
      %parallel_loop3A_481 = tpu.vector_load %arg5[%parallel_loop3A_480] {strides = array<i32>} : memref<4224xi32, #tpu.memory_space<vmem>>, vector<16xi32>,
      %parallel_loop3A_482 = arith.addi %parallel_loop3A_475, %parallel_loop3A_481 : vector<16xi32>
      %parallel_loop3A_483 = arith.constant 16 : i32
      %parallel_loop3A_484 = arith.muli %parallel_loop3A_415, %parallel_loop3A_483 : i32
      %parallel_loop3A_485 = arith.constant 2570 : i32
      %parallel_loop3A_486 = arith.addi %parallel_loop3A_485, %parallel_loop3A_484 : i32
      %parallel_loop3A_487 = arith.index_cast %parallel_loop3A_486 : i32 to index
      %parallel_loop3A_488 = tpu.vector_load %arg5[%parallel_loop3A_487] {strides = array<i32>} : memref<4224xi32, #tpu.memory_space<vmem>>, vector<16xi32>,
      %parallel_loop3A_489 = arith.addi %parallel_loop3A_482, %parallel_loop3A_488 : vector<16xi32>
      %parallel_loop3A_490 = arith.constant 16 : i32
      %parallel_loop3A_491 = arith.muli %parallel_loop3A_415, %parallel_loop3A_490 : i32
      %parallel_loop3A_492 = arith.constant 2827 : i32
      %parallel_loop3A_493 = arith.addi %parallel_loop3A_492, %parallel_loop3A_491 : i32
      %parallel_loop3A_494 = arith.index_cast %parallel_loop3A_493 : i32 to index
      %parallel_loop3A_495 = tpu.vector_load %arg5[%parallel_loop3A_494] {strides = array<i32>} : memref<4224xi32, #tpu.memory_space<vmem>>, vector<16xi32>,
      %parallel_loop3A_496 = arith.addi %parallel_loop3A_489, %parallel_loop3A_495 : vector<16xi32>
      %parallel_loop3A_497 = arith.constant 16 : i32
      %parallel_loop3A_498 = arith.muli %parallel_loop3A_415, %parallel_loop3A_497 : i32
      %parallel_loop3A_499 = arith.constant 3084 : i32
      %parallel_loop3A_500 = arith.addi %parallel_loop3A_499, %parallel_loop3A_498 : i32
      %parallel_loop3A_501 = arith.index_cast %parallel_loop3A_500 : i32 to index
      %parallel_loop3A_502 = tpu.vector_load %arg5[%parallel_loop3A_501] {strides = array<i32>} : memref<4224xi32, #tpu.memory_space<vmem>>, vector<16xi32>,
      %parallel_loop3A_503 = arith.addi %parallel_loop3A_496, %parallel_loop3A_502 : vector<16xi32>
      %parallel_loop3A_504 = arith.constant 16 : i32
      %parallel_loop3A_505 = arith.muli %parallel_loop3A_415, %parallel_loop3A_504 : i32
      %parallel_loop3A_506 = arith.constant 3341 : i32
      %parallel_loop3A_507 = arith.addi %parallel_loop3A_506, %parallel_loop3A_505 : i32
      %parallel_loop3A_508 = arith.index_cast %parallel_loop3A_507 : i32 to index
      %parallel_loop3A_509 = tpu.vector_load %arg5[%parallel_loop3A_508] {strides = array<i32>} : memref<4224xi32, #tpu.memory_space<vmem>>, vector<16xi32>,
      %parallel_loop3A_510 = arith.addi %parallel_loop3A_503, %parallel_loop3A_509 : vector<16xi32>
      %parallel_loop3A_511 = arith.constant 16 : i32
      %parallel_loop3A_512 = arith.muli %parallel_loop3A_415, %parallel_loop3A_511 : i32
      %parallel_loop3A_513 = arith.constant 3598 : i32
      %parallel_loop3A_514 = arith.addi %parallel_loop3A_513, %parallel_loop3A_512 : i32
      %parallel_loop3A_515 = arith.index_cast %parallel_loop3A_514 : i32 to index
      %parallel_loop3A_516 = tpu.vector_load %arg5[%parallel_loop3A_515] {strides = array<i32>} : memref<4224xi32, #tpu.memory_space<vmem>>, vector<16xi32>,
      %parallel_loop3A_517 = arith.addi %parallel_loop3A_510, %parallel_loop3A_516 : vector<16xi32>
      %parallel_loop3A_518 = arith.constant 16 : i32
      %parallel_loop3A_519 = arith.muli %parallel_loop3A_415, %parallel_loop3A_518 : i32
      %parallel_loop3A_520 = arith.constant 3855 : i32
      %parallel_loop3A_521 = arith.addi %parallel_loop3A_520, %parallel_loop3A_519 : i32
      %parallel_loop3A_522 = arith.index_cast %parallel_loop3A_521 : i32 to index
      %parallel_loop3A_523 = tpu.vector_load %arg5[%parallel_loop3A_522] {strides = array<i32>} : memref<4224xi32, #tpu.memory_space<vmem>>, vector<16xi32>,
      %parallel_loop3A_524 = arith.addi %parallel_loop3A_517, %parallel_loop3A_523 : vector<16xi32>
      %parallel_loop3A_525 = arith.constant 16 : i32
      %parallel_loop3A_526 = arith.muli %parallel_loop3A_415, %parallel_loop3A_525 : i32
      %parallel_loop3A_527 = arith.index_cast %parallel_loop3A_526 : i32 to index
      %parallel_loop3A_528 = tpu.vector_load %arg6[%parallel_loop3A_527] {strides = array<i32>} : memref<264xi32, #tpu.memory_space<vmem>>, vector<16xi32>,
      tpu.vector_store %arg6[%parallel_loop3A_527], %parallel_loop3A_524 {strides = array<i32>} : memref<264xi32, #tpu.memory_space<vmem>>, vector<16xi32>,
    } {sc.loop_unroll_factor = 2 : i64, sc.parallel_access}
    %swap3A_321 = arith.constant 128 : index
    %swap3A_322 = tpu.vector_load %arg6[%swap3A_321] {strides = array<i32>} : memref<264xi32, #tpu.memory_space<vmem>>, vector<16xi32>,
    tpu.vector_store %arg6[%swap3A_321], %broadcast_in_dim3A_4 {strides = array<i32>} : memref<264xi32, #tpu.memory_space<vmem>>, vector<16xi32>,
    %swap3A_323 = arith.constant 144 : index
    %swap3A_324 = tpu.vector_load %arg6[%swap3A_323] {strides = array<i32>} : memref<264xi32, #tpu.memory_space<vmem>>, vector<16xi32>,
    tpu.vector_store %arg6[%swap3A_323], %broadcast_in_dim3A_4 {strides = array<i32>} : memref<264xi32, #tpu.memory_space<vmem>>, vector<16xi32>,
    %swap3A_325 = arith.constant 160 : index
    %swap3A_326 = tpu.vector_load %arg6[%swap3A_325] {strides = array<i32>} : memref<264xi32, #tpu.memory_space<vmem>>, vector<16xi32>,
    tpu.vector_store %arg6[%swap3A_325], %broadcast_in_dim3A_4 {strides = array<i32>} : memref<264xi32, #tpu.memory_space<vmem>>, vector<16xi32>,
    %swap3A_327 = arith.constant 176 : index
    %swap3A_328 = tpu.vector_load %arg6[%swap3A_327] {strides = array<i32>} : memref<264xi32, #tpu.memory_space<vmem>>, vector<16xi32>,
    tpu.vector_store %arg6[%swap3A_327], %broadcast_in_dim3A_4 {strides = array<i32>} : memref<264xi32, #tpu.memory_space<vmem>>, vector<16xi32>,
    %swap3A_329 = arith.constant 192 : index
    %swap3A_330 = tpu.vector_load %arg6[%swap3A_329] {strides = array<i32>} : memref<264xi32, #tpu.memory_space<vmem>>, vector<16xi32>,
    tpu.vector_store %arg6[%swap3A_329], %broadcast_in_dim3A_4 {strides = array<i32>} : memref<264xi32, #tpu.memory_space<vmem>>, vector<16xi32>,
    %swap3A_331 = arith.constant 208 : index
    %swap3A_332 = tpu.vector_load %arg6[%swap3A_331] {strides = array<i32>} : memref<264xi32, #tpu.memory_space<vmem>>, vector<16xi32>,
    tpu.vector_store %arg6[%swap3A_331], %broadcast_in_dim3A_4 {strides = array<i32>} : memref<264xi32, #tpu.memory_space<vmem>>, vector<16xi32>,
    %swap3A_333 = arith.constant 224 : index
    %swap3A_334 = tpu.vector_load %arg6[%swap3A_333] {strides = array<i32>} : memref<264xi32, #tpu.memory_space<vmem>>, vector<16xi32>,
    tpu.vector_store %arg6[%swap3A_333], %broadcast_in_dim3A_4 {strides = array<i32>} : memref<264xi32, #tpu.memory_space<vmem>>, vector<16xi32>,
    %swap3A_335 = arith.constant 240 : index
    %swap3A_336 = tpu.vector_load %arg6[%swap3A_335] {strides = array<i32>} : memref<264xi32, #tpu.memory_space<vmem>>, vector<16xi32>,
    tpu.vector_store %arg6[%swap3A_335], %broadcast_in_dim3A_4 {strides = array<i32>} : memref<264xi32, #tpu.memory_space<vmem>>, vector<16xi32>,
    %barrier3A_337 = arith.constant 0 : index
    tpu.barrier barrier_id(%barrier3A_337)
    %mul3A_338 = arith.constant 256 : i32
    %mul3A_339 = arith.muli %arg1, %mul3A_338 : i32
    "tpu.region"() ({
      %run_scoped3A = tpu.sem_alloc : memref<!tpu.dma_semaphore, #tpu.memory_space<semaphore_mem>>
      %dma_start3A_415 = arith.constant 0 : i32
      %dma_start3A_416 = tpu.memref_slice %arg6[%dma_start3A_415] : memref<264xi32, #tpu.memory_space<vmem>> -> memref<256xi32, #tpu.memory_space<vmem>>
      %dma_start3A_417 = tpu.memref_slice %arg8[%mul3A_339] : memref<4096xi32, #tpu.memory_space<vmem_shared>> -> memref<256xi32, #tpu.memory_space<vmem_shared>>
      %dma_start3A_418 = tpu.memref_slice %arg8[%mul3A_339] : memref<4096xi32, #tpu.memory_space<vmem_shared>> -> memref<256xi32, #tpu.memory_space<vmem_shared>>
      %dma_start3A_419 = arith.constant 0 : i32
      %dma_start3A_420 = tpu.memref_slice %arg6[%dma_start3A_419] : memref<264xi32, #tpu.memory_space<vmem>> -> memref<256xi32, #tpu.memory_space<vmem>>
      tpu.enqueue_dma source(%dma_start3A_420 : memref<256xi32, #tpu.memory_space<vmem>>) target(%dma_start3A_418 : memref<256xi32, #tpu.memory_space<vmem_shared>>) target_semaphore(%run_scoped3A : memref<!tpu.dma_semaphore, #tpu.memory_space<semaphore_mem>>)
      %dma_wait3A_421 = arith.constant 0 : i32
      %dma_wait3A_422 = tpu.memref_slice %arg6[%dma_wait3A_421] : memref<264xi32, #tpu.memory_space<vmem>> -> memref<256xi32, #tpu.memory_space<vmem>>
      %dma_wait3A_423 = tpu.memref_slice %arg8[%mul3A_339] : memref<4096xi32, #tpu.memory_space<vmem_shared>> -> memref<256xi32, #tpu.memory_space<vmem_shared>>
      %dma_wait3A_424 = tpu.memref_slice %arg8[%mul3A_339] : memref<4096xi32, #tpu.memory_space<vmem_shared>> -> memref<256xi32, #tpu.memory_space<vmem_shared>>
      %dma_wait3A_425 = arith.constant 0 : i32
      %dma_wait3A_426 = tpu.memref_slice %arg6[%dma_wait3A_425] : memref<264xi32, #tpu.memory_space<vmem>> -> memref<256xi32, #tpu.memory_space<vmem>>
      tpu.wait_dma2 semaphore(%run_scoped3A : memref<!tpu.dma_semaphore, #tpu.memory_space<semaphore_mem>>) src(%dma_wait3A_426 : memref<256xi32, #tpu.memory_space<vmem>>) dst(%dma_wait3A_424 : memref<256xi32, #tpu.memory_space<vmem_shared>>)
      tpu.yield
    }) : () -> ()
    %barrier3A_340 = arith.constant 0 : index
    tpu.barrier barrier_id(%barrier3A_340)
    "tpu.region"() ({
      %run_scoped3A = tpu.sem_alloc : memref<!tpu.dma_semaphore, #tpu.memory_space<semaphore_mem>>
      %dma_start3A_415 = arith.constant 0 : i32
      %dma_start3A_416 = tpu.memref_slice %arg5[%dma_start3A_415] : memref<4224xi32, #tpu.memory_space<vmem>> -> memref<4096xi32, #tpu.memory_space<vmem>>
      %dma_start3A_417 = arith.constant 0 : i32
      %dma_start3A_418 = tpu.memref_slice %arg5[%dma_start3A_417] : memref<4224xi32, #tpu.memory_space<vmem>> -> memref<4096xi32, #tpu.memory_space<vmem>>
      tpu.enqueue_dma source(%arg8 : memref<4096xi32, #tpu.memory_space<vmem_shared>>) target(%dma_start3A_418 : memref<4096xi32, #tpu.memory_space<vmem>>) target_semaphore(%run_scoped3A : memref<!tpu.dma_semaphore, #tpu.memory_space<semaphore_mem>>)
      %dma_wait3A_419 = arith.constant 0 : i32
      %dma_wait3A_420 = tpu.memref_slice %arg5[%dma_wait3A_419] : memref<4224xi32, #tpu.memory_space<vmem>> -> memref<4096xi32, #tpu.memory_space<vmem>>
      %dma_wait3A_421 = arith.constant 0 : i32
      %dma_wait3A_422 = tpu.memref_slice %arg5[%dma_wait3A_421] : memref<4224xi32, #tpu.memory_space<vmem>> -> memref<4096xi32, #tpu.memory_space<vmem>>
      tpu.wait_dma2 semaphore(%run_scoped3A : memref<!tpu.dma_semaphore, #tpu.memory_space<semaphore_mem>>) src(%arg8 : memref<4096xi32, #tpu.memory_space<vmem_shared>>) dst(%dma_wait3A_422 : memref<4096xi32, #tpu.memory_space<vmem>>)
      tpu.yield
    }) : () -> ()
    %parallel_loop3A_341 = arith.constant 0 : i32
    %parallel_loop3A_342 = arith.constant 16 : i32
    %parallel_loop3A_343 = arith.constant 1 : i32
    scf.for %parallel_loop3A_415 = %parallel_loop3A_341 to %parallel_loop3A_342 step %parallel_loop3A_343  : i32 {
      %parallel_loop3A_416 = arith.constant 16 : i32
      %parallel_loop3A_417 = arith.muli %parallel_loop3A_415, %parallel_loop3A_416 : i32
      %parallel_loop3A_418 = arith.index_cast %parallel_loop3A_417 : i32 to index
      %parallel_loop3A_419 = tpu.vector_load %arg5[%parallel_loop3A_418] {strides = array<i32>} : memref<4224xi32, #tpu.memory_space<vmem>>, vector<16xi32>,
      %parallel_loop3A_420 = arith.constant 16 : i32
      %parallel_loop3A_421 = arith.muli %parallel_loop3A_415, %parallel_loop3A_420 : i32
      %parallel_loop3A_422 = arith.constant 256 : i32
      %parallel_loop3A_423 = arith.addi %parallel_loop3A_422, %parallel_loop3A_421 : i32
      %parallel_loop3A_424 = arith.index_cast %parallel_loop3A_423 : i32 to index
      %parallel_loop3A_425 = tpu.vector_load %arg5[%parallel_loop3A_424] {strides = array<i32>} : memref<4224xi32, #tpu.memory_space<vmem>>, vector<16xi32>,
      %parallel_loop3A_426 = arith.addi %parallel_loop3A_419, %parallel_loop3A_425 : vector<16xi32>
      %parallel_loop3A_427 = arith.constant 16 : i32
      %parallel_loop3A_428 = arith.muli %parallel_loop3A_415, %parallel_loop3A_427 : i32
      %parallel_loop3A_429 = arith.constant 512 : i32
      %parallel_loop3A_430 = arith.addi %parallel_loop3A_429, %parallel_loop3A_428 : i32
      %parallel_loop3A_431 = arith.index_cast %parallel_loop3A_430 : i32 to index
      %parallel_loop3A_432 = tpu.vector_load %arg5[%parallel_loop3A_431] {strides = array<i32>} : memref<4224xi32, #tpu.memory_space<vmem>>, vector<16xi32>,
      %parallel_loop3A_433 = arith.addi %parallel_loop3A_426, %parallel_loop3A_432 : vector<16xi32>
      %parallel_loop3A_434 = arith.constant 16 : i32
      %parallel_loop3A_435 = arith.muli %parallel_loop3A_415, %parallel_loop3A_434 : i32
      %parallel_loop3A_436 = arith.constant 768 : i32
      %parallel_loop3A_437 = arith.addi %parallel_loop3A_436, %parallel_loop3A_435 : i32
      %parallel_loop3A_438 = arith.index_cast %parallel_loop3A_437 : i32 to index
      %parallel_loop3A_439 = tpu.vector_load %arg5[%parallel_loop3A_438] {strides = array<i32>} : memref<4224xi32, #tpu.memory_space<vmem>>, vector<16xi32>,
      %parallel_loop3A_440 = arith.addi %parallel_loop3A_433, %parallel_loop3A_439 : vector<16xi32>
      %parallel_loop3A_441 = arith.constant 16 : i32
      %parallel_loop3A_442 = arith.muli %parallel_loop3A_415, %parallel_loop3A_441 : i32
      %parallel_loop3A_443 = arith.constant 1024 : i32
      %parallel_loop3A_444 = arith.addi %parallel_loop3A_443, %parallel_loop3A_442 : i32
      %parallel_loop3A_445 = arith.index_cast %parallel_loop3A_444 : i32 to index
      %parallel_loop3A_446 = tpu.vector_load %arg5[%parallel_loop3A_445] {strides = array<i32>} : memref<4224xi32, #tpu.memory_space<vmem>>, vector<16xi32>,
      %parallel_loop3A_447 = arith.addi %parallel_loop3A_440, %parallel_loop3A_446 : vector<16xi32>
      %parallel_loop3A_448 = arith.constant 16 : i32
      %parallel_loop3A_449 = arith.muli %parallel_loop3A_415, %parallel_loop3A_448 : i32
      %parallel_loop3A_450 = arith.constant 1280 : i32
      %parallel_loop3A_451 = arith.addi %parallel_loop3A_450, %parallel_loop3A_449 : i32
      %parallel_loop3A_452 = arith.index_cast %parallel_loop3A_451 : i32 to index
      %parallel_loop3A_453 = tpu.vector_load %arg5[%parallel_loop3A_452] {strides = array<i32>} : memref<4224xi32, #tpu.memory_space<vmem>>, vector<16xi32>,
      %parallel_loop3A_454 = arith.addi %parallel_loop3A_447, %parallel_loop3A_453 : vector<16xi32>
      %parallel_loop3A_455 = arith.constant 16 : i32
      %parallel_loop3A_456 = arith.muli %parallel_loop3A_415, %parallel_loop3A_455 : i32
      %parallel_loop3A_457 = arith.constant 1536 : i32
      %parallel_loop3A_458 = arith.addi %parallel_loop3A_457, %parallel_loop3A_456 : i32
      %parallel_loop3A_459 = arith.index_cast %parallel_loop3A_458 : i32 to index
      %parallel_loop3A_460 = tpu.vector_load %arg5[%parallel_loop3A_459] {strides = array<i32>} : memref<4224xi32, #tpu.memory_space<vmem>>, vector<16xi32>,
      %parallel_loop3A_461 = arith.addi %parallel_loop3A_454, %parallel_loop3A_460 : vector<16xi32>
      %parallel_loop3A_462 = arith.constant 16 : i32
      %parallel_loop3A_463 = arith.muli %parallel_loop3A_415, %parallel_loop3A_462 : i32
      %parallel_loop3A_464 = arith.constant 1792 : i32
      %parallel_loop3A_465 = arith.addi %parallel_loop3A_464, %parallel_loop3A_463 : i32
      %parallel_loop3A_466 = arith.index_cast %parallel_loop3A_465 : i32 to index
      %parallel_loop3A_467 = tpu.vector_load %arg5[%parallel_loop3A_466] {strides = array<i32>} : memref<4224xi32, #tpu.memory_space<vmem>>, vector<16xi32>,
      %parallel_loop3A_468 = arith.addi %parallel_loop3A_461, %parallel_loop3A_467 : vector<16xi32>
      %parallel_loop3A_469 = arith.constant 16 : i32
      %parallel_loop3A_470 = arith.muli %parallel_loop3A_415, %parallel_loop3A_469 : i32
      %parallel_loop3A_471 = arith.constant 2048 : i32
      %parallel_loop3A_472 = arith.addi %parallel_loop3A_471, %parallel_loop3A_470 : i32
      %parallel_loop3A_473 = arith.index_cast %parallel_loop3A_472 : i32 to index
      %parallel_loop3A_474 = tpu.vector_load %arg5[%parallel_loop3A_473] {strides = array<i32>} : memref<4224xi32, #tpu.memory_space<vmem>>, vector<16xi32>,
      %parallel_loop3A_475 = arith.addi %parallel_loop3A_468, %parallel_loop3A_474 : vector<16xi32>
      %parallel_loop3A_476 = arith.constant 16 : i32
      %parallel_loop3A_477 = arith.muli %parallel_loop3A_415, %parallel_loop3A_476 : i32
      %parallel_loop3A_478 = arith.constant 2304 : i32
      %parallel_loop3A_479 = arith.addi %parallel_loop3A_478, %parallel_loop3A_477 : i32
      %parallel_loop3A_480 = arith.index_cast %parallel_loop3A_479 : i32 to index
      %parallel_loop3A_481 = tpu.vector_load %arg5[%parallel_loop3A_480] {strides = array<i32>} : memref<4224xi32, #tpu.memory_space<vmem>>, vector<16xi32>,
      %parallel_loop3A_482 = arith.addi %parallel_loop3A_475, %parallel_loop3A_481 : vector<16xi32>
      %parallel_loop3A_483 = arith.constant 16 : i32
      %parallel_loop3A_484 = arith.muli %parallel_loop3A_415, %parallel_loop3A_483 : i32
      %parallel_loop3A_485 = arith.constant 2560 : i32
      %parallel_loop3A_486 = arith.addi %parallel_loop3A_485, %parallel_loop3A_484 : i32
      %parallel_loop3A_487 = arith.index_cast %parallel_loop3A_486 : i32 to index
      %parallel_loop3A_488 = tpu.vector_load %arg5[%parallel_loop3A_487] {strides = array<i32>} : memref<4224xi32, #tpu.memory_space<vmem>>, vector<16xi32>,
      %parallel_loop3A_489 = arith.addi %parallel_loop3A_482, %parallel_loop3A_488 : vector<16xi32>
      %parallel_loop3A_490 = arith.constant 16 : i32
      %parallel_loop3A_491 = arith.muli %parallel_loop3A_415, %parallel_loop3A_490 : i32
      %parallel_loop3A_492 = arith.constant 2816 : i32
      %parallel_loop3A_493 = arith.addi %parallel_loop3A_492, %parallel_loop3A_491 : i32
      %parallel_loop3A_494 = arith.index_cast %parallel_loop3A_493 : i32 to index
      %parallel_loop3A_495 = tpu.vector_load %arg5[%parallel_loop3A_494] {strides = array<i32>} : memref<4224xi32, #tpu.memory_space<vmem>>, vector<16xi32>,
      %parallel_loop3A_496 = arith.addi %parallel_loop3A_489, %parallel_loop3A_495 : vector<16xi32>
      %parallel_loop3A_497 = arith.constant 16 : i32
      %parallel_loop3A_498 = arith.muli %parallel_loop3A_415, %parallel_loop3A_497 : i32
      %parallel_loop3A_499 = arith.constant 3072 : i32
      %parallel_loop3A_500 = arith.addi %parallel_loop3A_499, %parallel_loop3A_498 : i32
      %parallel_loop3A_501 = arith.index_cast %parallel_loop3A_500 : i32 to index
      %parallel_loop3A_502 = tpu.vector_load %arg5[%parallel_loop3A_501] {strides = array<i32>} : memref<4224xi32, #tpu.memory_space<vmem>>, vector<16xi32>,
      %parallel_loop3A_503 = arith.addi %parallel_loop3A_496, %parallel_loop3A_502 : vector<16xi32>
      %parallel_loop3A_504 = arith.constant 16 : i32
      %parallel_loop3A_505 = arith.muli %parallel_loop3A_415, %parallel_loop3A_504 : i32
      %parallel_loop3A_506 = arith.constant 3328 : i32
      %parallel_loop3A_507 = arith.addi %parallel_loop3A_506, %parallel_loop3A_505 : i32
      %parallel_loop3A_508 = arith.index_cast %parallel_loop3A_507 : i32 to index
      %parallel_loop3A_509 = tpu.vector_load %arg5[%parallel_loop3A_508] {strides = array<i32>} : memref<4224xi32, #tpu.memory_space<vmem>>, vector<16xi32>,
      %parallel_loop3A_510 = arith.addi %parallel_loop3A_503, %parallel_loop3A_509 : vector<16xi32>
      %parallel_loop3A_511 = arith.constant 16 : i32
      %parallel_loop3A_512 = arith.muli %parallel_loop3A_415, %parallel_loop3A_511 : i32
      %parallel_loop3A_513 = arith.constant 3584 : i32
      %parallel_loop3A_514 = arith.addi %parallel_loop3A_513, %parallel_loop3A_512 : i32
      %parallel_loop3A_515 = arith.index_cast %parallel_loop3A_514 : i32 to index
      %parallel_loop3A_516 = tpu.vector_load %arg5[%parallel_loop3A_515] {strides = array<i32>} : memref<4224xi32, #tpu.memory_space<vmem>>, vector<16xi32>,
      %parallel_loop3A_517 = arith.addi %parallel_loop3A_510, %parallel_loop3A_516 : vector<16xi32>
      %parallel_loop3A_518 = arith.constant 16 : i32
      %parallel_loop3A_519 = arith.muli %parallel_loop3A_415, %parallel_loop3A_518 : i32
      %parallel_loop3A_520 = arith.constant 3840 : i32
      %parallel_loop3A_521 = arith.addi %parallel_loop3A_520, %parallel_loop3A_519 : i32
      %parallel_loop3A_522 = arith.index_cast %parallel_loop3A_521 : i32 to index
      %parallel_loop3A_523 = tpu.vector_load %arg5[%parallel_loop3A_522] {strides = array<i32>} : memref<4224xi32, #tpu.memory_space<vmem>>, vector<16xi32>,
      %parallel_loop3A_524 = arith.addi %parallel_loop3A_517, %parallel_loop3A_523 : vector<16xi32>
      %parallel_loop3A_525 = arith.constant 16 : i32
      %parallel_loop3A_526 = arith.muli %parallel_loop3A_415, %parallel_loop3A_525 : i32
      %parallel_loop3A_527 = arith.index_cast %parallel_loop3A_526 : i32 to index
      %parallel_loop3A_528 = tpu.vector_load %arg6[%parallel_loop3A_527] {strides = array<i32>} : memref<264xi32, #tpu.memory_space<vmem>>, vector<16xi32>,
      tpu.vector_store %arg6[%parallel_loop3A_527], %parallel_loop3A_524 {strides = array<i32>} : memref<264xi32, #tpu.memory_space<vmem>>, vector<16xi32>,
    } {sc.loop_unroll_factor = 2 : i64, sc.parallel_access}
    %scan3A_344 = arith.constant 0 : i32
    %scan3A_345 = arith.constant 0 : i32
    %scan3A_346 = arith.constant 0 : i32
    %scan3A_347 = arith.constant 0 : i32
    %scan3A_348 = arith.constant 0 : i32
    %scan3A_349 = arith.constant 16 : i32
    %scan3A_350 = arith.addi %scan3A_348, %scan3A_349 : i32
    %scan3A_351 = arith.constant 1 : i32
    %scan3A_352:4 = scf.for %scan3A_415 = %scan3A_348 to %scan3A_350 step %scan3A_351 iter_args(%scan3A_416 = %scan3A_344, %scan3A_417 = %scan3A_345, %scan3A_418 = %scan3A_346, %scan3A_419 = %scan3A_347) -> (i32, i32, i32, i32)  : i32 {
      %sub3A_420 = arith.constant 15 : i32
      %sub3A_421 = arith.subi %sub3A_420, %scan3A_415 : i32
      %mul3A_422 = arith.constant 16 : i32
      %mul3A_423 = arith.muli %sub3A_421, %mul3A_422 : i32
      %get3A_424 = arith.index_cast %mul3A_423 : i32 to index
      %get3A_425 = tpu.vector_load %arg6[%get3A_424] {strides = array<i32>} : memref<264xi32, #tpu.memory_space<vmem>>, vector<16xi32>,
      %reduce_sum3A_426 = arith.constant true
      %reduce_sum3A_427 = vector.broadcast %reduce_sum3A_426 : i1 to vector<16xi1>
      %reduce_sum3A_428 = tpu.scan <sum>, %get3A_425 masked %reduce_sum3A_427 : vector<16xi32>, vector<16xi1> -> vector<16xi32>
      %reduce_sum3A_429 = vector.extract %reduce_sum3A_428[15] : i32 from vector<16xi32>
      %eq3A_430 = arith.constant 0 : i32
      %eq3A_431 = arith.cmpi eq, %scan3A_419, %eq3A_430 : i32
      %add3A_432 = arith.addi %scan3A_416, %reduce_sum3A_429 : i32
      %ge3A_433 = arith.cmpi sge, %add3A_432, %sub3A_310 : i32
      %and3A_434 = arith.andi %eq3A_431, %ge3A_433 : i1
      %select_n3A_435 = arith.select %and3A_434, %sub3A_421, %scan3A_417 : i32
      %select_n3A_436 = arith.select %and3A_434, %scan3A_416, %scan3A_418 : i32
      %eq3A_437 = arith.constant 0 : i32
      %eq3A_438 = arith.cmpi eq, %scan3A_419, %eq3A_437 : i32
      %add3A_439 = arith.addi %scan3A_416, %reduce_sum3A_429 : i32
      %select_n3A_440 = arith.select %eq3A_438, %add3A_439, %scan3A_416 : i32
      %jit3A_441 = arith.constant 1 : i32
      %select_n3A_442 = arith.select %and3A_434, %jit3A_441, %scan3A_419 : i32
      scf.yield %select_n3A_440, %select_n3A_435, %select_n3A_436, %select_n3A_442 : i32, i32, i32, i32
    }
    %scan3A_353 = arith.constant 16 : i32
    %mul3A_354 = arith.constant 16 : i32
    %mul3A_355 = arith.muli %scan3A_352#1, %mul3A_354 : i32
    %get3A_356 = arith.index_cast %mul3A_355 : i32 to index
    %get3A_357 = tpu.vector_load %arg6[%get3A_356] {strides = array<i32>} : memref<264xi32, #tpu.memory_space<vmem>>, vector<16xi32>,
    %reduce_sum3A_358 = arith.constant true
    %reduce_sum3A_359 = vector.broadcast %reduce_sum3A_358 : i1 to vector<16xi1>
    %reduce_sum3A_360 = tpu.scan <sum>, %get3A_357 masked %reduce_sum3A_359 : vector<16xi32>, vector<16xi1> -> vector<16xi32>
    %reduce_sum3A_361 = vector.extract %reduce_sum3A_360[15] : i32 from vector<16xi32>
    %cumsum3A_362 = arith.constant true
    %cumsum3A_363 = vector.broadcast %cumsum3A_362 : i1 to vector<16xi1>
    %cumsum3A_364 = tpu.scan <sum>, %get3A_357 masked %cumsum3A_363 : vector<16xi32>, vector<16xi1> -> vector<16xi32>
    %sub3A_365 = vector.broadcast %reduce_sum3A_361 : i32 to vector<16xi32>
    %sub3A_366 = arith.subi %sub3A_365, %cumsum3A_364 : vector<16xi32>
    %add3A_367 = arith.addi %sub3A_366, %get3A_357 : vector<16xi32>
    %add3A_368 = vector.broadcast %scan3A_352#2 : i32 to vector<16xi32>
    %add3A_369 = arith.addi %add3A_368, %add3A_367 : vector<16xi32>
    %ge3A_370 = vector.broadcast %sub3A_310 : i32 to vector<16xi32>
    %ge3A_371 = arith.cmpi sge, %add3A_369, %ge3A_370 : vector<16xi32>
    %jit3A_372 = arith.constant -1 : i32
    %broadcast_in_dim3A_373 = vector.broadcast %jit3A_372 : i32 to vector<16xi32>
    %select_n3A_374 = arith.select %ge3A_371, %iota3A, %broadcast_in_dim3A_373 : vector<16xi1>, vector<16xi32>
    %reduce_max3A_375 = arith.constant true
    %reduce_max3A_376 = vector.broadcast %reduce_max3A_375 : i1 to vector<16xi1>
    %reduce_max3A_377 = arith.constant -2147483648 : i32
    %reduce_max3A_378 = vector.broadcast %reduce_max3A_377 : i32 to vector<16xi32>
    %reduce_max3A_379 = arith.xori %select_n3A_374, %reduce_max3A_378 : vector<16xi32>
    %reduce_max3A_380 = tpu.scan <max>, %reduce_max3A_379 masked %reduce_max3A_376 : vector<16xi32>, vector<16xi1> -> vector<16xi32>
    %reduce_max3A_381 = arith.xori %reduce_max3A_380, %reduce_max3A_378 : vector<16xi32>
    %reduce_max3A_382 = vector.extract %reduce_max3A_381[15] : i32 from vector<16xi32>
    %eq3A_383 = vector.broadcast %reduce_max3A_382 : i32 to vector<16xi32>
    %eq3A_384 = arith.cmpi eq, %iota3A, %eq3A_383 : vector<16xi32>
    %jit3A_385 = arith.constant 0 : i32
    %broadcast_in_dim3A_386 = vector.broadcast %jit3A_385 : i32 to vector<16xi32>
    %select_n3A_387 = arith.select %eq3A_384, %add3A_367, %broadcast_in_dim3A_386 : vector<16xi1>, vector<16xi32>
    %reduce_sum3A_388 = arith.constant true
    %reduce_sum3A_389 = vector.broadcast %reduce_sum3A_388 : i1 to vector<16xi1>
    %reduce_sum3A_390 = tpu.scan <sum>, %select_n3A_387 masked %reduce_sum3A_389 : vector<16xi32>, vector<16xi1> -> vector<16xi32>
    %reduce_sum3A_391 = vector.extract %reduce_sum3A_390[15] : i32 from vector<16xi32>
    %eq3A_392 = vector.broadcast %reduce_max3A_382 : i32 to vector<16xi32>
    %eq3A_393 = arith.cmpi eq, %iota3A, %eq3A_392 : vector<16xi32>
    %jit3A_394 = arith.constant 0 : i32
    %broadcast_in_dim3A_395 = vector.broadcast %jit3A_394 : i32 to vector<16xi32>
    %select_n3A_396 = arith.select %eq3A_393, %get3A_357, %broadcast_in_dim3A_395 : vector<16xi1>, vector<16xi32>
    %reduce_sum3A_397 = arith.constant true
    %reduce_sum3A_398 = vector.broadcast %reduce_sum3A_397 : i1 to vector<16xi1>
    %reduce_sum3A_399 = tpu.scan <sum>, %select_n3A_396 masked %reduce_sum3A_398 : vector<16xi32>, vector<16xi1> -> vector<16xi32>
    %reduce_sum3A_400 = vector.extract %reduce_sum3A_399[15] : i32 from vector<16xi32>
    %mul3A_401 = arith.constant 16 : i32
    %mul3A_402 = arith.muli %scan3A_352#1, %mul3A_401 : i32
    %add3A_403 = arith.addi %mul3A_402, %reduce_max3A_382 : i32
    %add3A_404 = arith.addi %scan3A_352#2, %reduce_sum3A_391 : i32
    %sub3A_405 = arith.subi %add3A_404, %reduce_sum3A_400 : i32
    %sub3A_406 = arith.subi %sub3A_310, %sub3A_405 : i32
    %shift_left3A_407 = arith.constant 7 : i32
    %shift_left3A_408 = arith.shli %or3A_313, %shift_left3A_407 : i32
    %or3A_409 = arith.ori %shift_left3A_408, %add3A_403 : i32
    %eq3A_410 = arith.constant 0 : i32
    %eq3A_411 = arith.cmpi eq, %arg0, %eq3A_410 : i32
    %eq3A_412 = arith.constant 0 : i32
    %eq3A_413 = arith.cmpi eq, %arg1, %eq3A_412 : i32
    %and3A = arith.andi %eq3A_411, %eq3A_413 : i1
    %convert_element_type3A = arith.extui %and3A : i1 to i32
    %cond3A = arith.constant 0 : i32
    %cond3A_414 = arith.cmpi ne, %convert_element_type3A, %cond3A : i32
    scf.if %cond3A_414 {
      %broadcast_in_dim3A_415 = vector.broadcast %or3A_409 : i32 to vector<16xi32>
      %swap3A_416 = arith.constant 0 : index
      %swap3A_417 = tpu.vector_load %arg7[%swap3A_416] {strides = array<i32>} : memref<32xi32, #tpu.memory_space<vmem>>, vector<16xi32>,
      tpu.vector_store %arg7[%swap3A_416], %broadcast_in_dim3A_415 {strides = array<i32>} : memref<32xi32, #tpu.memory_space<vmem>>, vector<16xi32>,
      "tpu.region"() ({
        %run_scoped3A = tpu.sem_alloc : memref<!tpu.dma_semaphore, #tpu.memory_space<semaphore_mem>>
        %dma_start3A_418 = arith.constant 0 : i32
        %dma_start3A_419 = tpu.memref_slice %arg7[%dma_start3A_418] : memref<32xi32, #tpu.memory_space<vmem>> -> memref<16xi32, #tpu.memory_space<vmem>>
        %dma_start3A_420 = arith.constant 0 : i32
        %dma_start3A_421 = tpu.memref_slice %arg7[%dma_start3A_420] : memref<32xi32, #tpu.memory_space<vmem>> -> memref<16xi32, #tpu.memory_space<vmem>>
        tpu.enqueue_dma source(%dma_start3A_421 : memref<16xi32, #tpu.memory_space<vmem>>) target(%arg3 : memref<16xi32, #tpu.memory_space<hbm>>) target_semaphore(%run_scoped3A : memref<!tpu.dma_semaphore, #tpu.memory_space<semaphore_mem>>)
        %dma_wait3A_422 = arith.constant 0 : i32
        %dma_wait3A_423 = tpu.memref_slice %arg7[%dma_wait3A_422] : memref<32xi32, #tpu.memory_space<vmem>> -> memref<16xi32, #tpu.memory_space<vmem>>
        %dma_wait3A_424 = arith.constant 0 : i32
        %dma_wait3A_425 = tpu.memref_slice %arg7[%dma_wait3A_424] : memref<32xi32, #tpu.memory_space<vmem>> -> memref<16xi32, #tpu.memory_space<vmem>>
        tpu.wait_dma2 semaphore(%run_scoped3A : memref<!tpu.dma_semaphore, #tpu.memory_space<semaphore_mem>>) src(%dma_wait3A_425 : memref<16xi32, #tpu.memory_space<vmem>>) dst(%arg3 : memref<16xi32, #tpu.memory_space<hbm>>)
        tpu.yield
      }) : () -> ()
    } else {
    }
    return
  }
}

module attributes {stable_mosaic.version = 14 : i64} {
  func.func @_tc_mask_body(%arg0: memref<16xi32, #tpu.memory_space<smem>>, %arg1: memref<32x32768xf32, #tpu.memory_space<vmem>>, %arg2: memref<32x32768xf32, #tpu.memory_space<vmem>>) attributes {dimension_semantics = [], scalar_prefetch = 0 : i64, scratch_operands = 0 : i64, tpu.core_type = #tpu.core_type<tc>} {
    %get3A = arith.constant 0 : index
    %get3A_0 = memref.load %arg0[%get3A] : memref<16xi32, #tpu.memory_space<smem>>
    %get3A_1 = arith.constant 0 : index
    %get3A_2 = arith.constant 0 : index
    %get3A_3 = vector.load %arg1[%get3A_1, %get3A_2] : memref<32x32768xf32, #tpu.memory_space<vmem>>, vector<32x32768xf32>
    %abs3A = math.absf %get3A_3 : vector<32x32768xf32>
    %bitcast_convert_type3A = tpu.bitcast %abs3A : vector<32x32768xf32> -> vector<32x32768xi32>
    %gt3A = vector.broadcast %get3A_0 : i32 to vector<32x32768xi32>
    %gt3A_4 = arith.cmpi sgt, %bitcast_convert_type3A, %gt3A : vector<32x32768xi32>
    %jit3A = arith.constant 0.993307173 : f32
    %jit3A_5 = arith.constant 0.00669285096 : f32
    %broadcast_in_dim3A = vector.broadcast %jit3A : f32 to vector<32x32768xf32>
    %broadcast_in_dim3A_6 = vector.broadcast %jit3A_5 : f32 to vector<32x32768xf32>
    %select_n3A = arith.select %gt3A_4, %broadcast_in_dim3A, %broadcast_in_dim3A_6 : vector<32x32768xi1>, vector<32x32768xf32>
    %mul3A = arith.mulf %select_n3A, %get3A_3 : vector<32x32768xf32>
    %swap3A = arith.constant 0 : index
    %swap3A_7 = arith.constant 0 : index
    %swap3A_8 = vector.load %arg2[%swap3A, %swap3A_7] : memref<32x32768xf32, #tpu.memory_space<vmem>>, vector<32x32768xf32>
    tpu.vector_store %arg2[%swap3A, %swap3A_7], %mul3A {strides = array<i32>} : memref<32x32768xf32, #tpu.memory_space<vmem>>, vector<32x32768xf32>,
    return
  }
}

</mosaic_0001>

<sc_bundles>
// kernel: kernel.4.cloned.1.call-start
scs
__scs_entry_jumppad:
0x0: {  	(pc) =	sbr.rel $0x88, $3  }
0x1: {  	(tag) =	ssettag $0x0;
	lr =	simm.s32 $0x1  }
0x2: {  	[smem:$0x3FA0] =	sst lr;
	_ =	strace $0xD0000000  }
0x3: {  	_ = 	snop  }
0x4: {  	_ = 	snop  }
0x5: {  	_ = 	snop  }
0x6: {  	_ = 	snop  }
0x7: {  	_ = 	snop  }
__scs_overlays_trampoline_lowered:
0x8: {  	[smem:$0x3FAF] =	sst s0  }
0x9: {  	[smem:$0x3FB0] =	sst s1  }
0xa: {  	[smem:$0x3FB1] =	sst s2  }
0xb: {  	[smem:$0x3FB2] =	sst s3  }
0xc: {  	[smem:$0x3FB3] =	sst s4  }
0xd: {  	[smem:$0x3FB4] =	sst s5  }
0xe: {  	[smem:$0x3FB5] =	sst s6  }
0xf: {  	[smem:$0x3FB6] =	sst s7  }
0x10: {  	[smem:$0x3FB7] =	sst s8  }
0x11: {  	[smem:$0x3FB8] =	sst s9;
	s0 =	simm.s32 @!p0 $0x0  }
0x12: {  	s1 =	sld [smem:$0x3F9E];
	s0 =	simm.s32 @p0 $0x1  }
0x13: {  	[smem:$0x3FB9] =	sst s0;
	s0 =	simm.s32 @!p1 $0x0  }
0x14: {  	s2 =	sld [smem:$0x3F9D];
	s0 =	simm.s32 @p1 $0x1  }
0x15: {  	[smem:$0x3FBA] =	sst s0;
	s0 =	simm.s32 @!p2 $0x0  }
0x16: {  	s3 =	sld [smem:$0x3FDB];
	s0 =	simm.s32 @p2 $0x1  }
0x17: {  	s4 =	simm.s32 $0x1BF5;
	[smem:$0x3FBC] =	sst s0  }
0x18: {  	s0 =	sld [smem:$0x3F9F];
	_ =	swait.ge [sflag:s4], $0x0  }
0x19: {  	s7 =	sld [smem:$0x3FA0]  }
0x1a: {  	s8 =	sadd.s32 $0xFFFFE003, lr  }
0x1b: {  	s9 =	sadd.s32 $0xFFFFFEF7, lr;
	s5 =	simm.s32 $0xFFFFFFFF;
	p2 =	slt.u32 s8, $0xFFFFF086  }
0x1c: {  	p1 =	slt.u32 s9, $0xF7A;
	s5 =	simm.s32 @!p2 $0x0  }
0x1d: {  	s5 =	simm.s32 @p1 $0x1;
	p0 =	seq.s32 s7, s2  }
0x1e: {  	s7 =	smul.u32 @!p0 $0xF7A, s2;
	p2 =	seq.s32 @!p0 s5, $0x0  }
0x1f: {  	s9 =	smul.u32 $0xF7A, s1;
	s8 =	simm.s32 @!p0 $0x1BF5;
	p2 =	por !p2, p0  }
0x20: {  	[sflag:s8] =	ssyncset.s32 @!p0 $0xFFFFF086;
	s6 =	sadd.s32 @!p0 s3, s7;
	s7 =	simm.s32 @!p0 $0x108  }
0x21: {  	s3 =	sadd.s32 s3, s9;
	s6 =	sadd.s32 @!p0 $0x88, s6;
	s7 =	simm.s32 @p2 $0x1082  }
0x22: {  	[simem:s7], [sflag:s8] =	dma.local @!p0 [hbm:s6], $0xF7A  }
0x23: {  	s9 =	sor.u32 $0xD0000000, s2;
	s6 =	simm.s32 $0x108;
	_ =	swait.ge @!p0 [sflag:s8], $0x0  }
0x24: {  	s3 =	sadd.s32 $0x88, s3;
	s6 =	simm.s32 @!p1 $0x1082;
	[sflag:s4] =	ssyncset.s32 $0xFFFFF086  }
0x25: {  	[simem:s6], [sflag:s4] =	dma.local [hbm:s3], $0xF7A  }
0x26: {  	[smem:$0x3FA0] =	sst s1;
	(tag) =	ssettag s2;
	_ =	strace s9  }
0x27: {  	s1 =	sld [smem:$0x3FB0]  }
0x28: {  	s2 =	sld [smem:$0x3FB1]  }
0x29: {  	s4 =	sld [smem:$0x3FB3]  }
0x2a: {  	p0 =	seq.s32 s5, $0x0;
	s5 =	sld [smem:$0x3FB4]  }
0x2b: {  	s6 =	sld [smem:$0x3FB5]  }
0x2c: {  	s7 =	sld [smem:$0x3FB6]  }
0x2d: {  	s3 =	simm.s32 $0x108;
	s8 =	sld [smem:$0x3FB7]  }
0x2e: {  	s3 =	simm.s32 @!p0 $0x1082;
	s9 =	sld [smem:$0x3FB8]  }
0x2f: {  	lr =	sadd.s32 s0, s3;
	s0 =	sld [smem:$0x3FAF]  }
0x30: {  	s3 =	sld [smem:$0x3FB2]  }
0x31: {  	[smem:$0x3FBB] =	sst s10  }
0x32: {  	s10 =	sld [smem:$0x3FB9];
	_ =	sdelay $0x3  }
0x33: {  	p0 =	seq.s32 s10, $0x1;
	s10 =	sld [smem:$0x3FBB];
	_ =	sdelay $0x3  }
0x34: {  	[smem:$0x3FBB] =	sst s10  }
0x35: {  	s10 =	sld [smem:$0x3FBA];
	_ =	sdelay $0x3  }
0x36: {  	p1 =	seq.s32 s10, $0x1;
	s10 =	sld [smem:$0x3FBB];
	_ =	sdelay $0x3  }
0x37: {  	[smem:$0x3FBB] =	sst s10  }
0x38: {  	s10 =	sld [smem:$0x3FBC]  }
0x39: {  	_ = 	snop;
	(pc) =	sbr.ind lr, $3  }
0x3a: {  	_ = 	snop  }
0x3b: {  	_ = 	snop  }
0x3c: {  	p2 =	seq.s32 s10, $0x1;
	s10 =	sld [smem:$0x3FBB]  }
0x3d: {  	_ =	shalt  }
0x3e: {  	_ =	shalt  }
0x3f: {  	_ =	shalt  }
0x40: {  	_ =	shalt  }
0x41: {  	_ =	shalt  }
0x42: {  	_ =	shalt  }
0x43: {  	_ =	shalt  }
0x44: {  	_ =	shalt  }
0x45: {  	_ =	shalt  }
0x46: {  	_ =	shalt  }
0x47: {  	_ =	shalt  }
0x48: {  	_ =	shalt  }
0x49: {  	_ =	shalt  }
0x4a: {  	_ =	shalt  }
0x4b: {  	_ =	shalt  }
0x4c: {  	_ =	shalt  }
0x4d: {  	_ =	shalt  }
0x4e: {  	_ =	shalt  }
0x4f: {  	_ =	shalt  }
0x50: {  	_ =	shalt  }
0x51: {  	_ =	shalt  }
0x52: {  	_ =	shalt  }
0x53: {  	_ =	shalt  }
0x54: {  	_ =	shalt  }
0x55: {  	_ =	shalt  }
0x56: {  	_ =	shalt  }
0x57: {  	_ =	shalt  }
0x58: {  	_ =	shalt  }
0x59: {  	_ =	shalt  }
0x5a: {  	_ =	shalt  }
0x5b: {  	_ =	shalt  }
0x5c: {  	_ =	shalt  }
0x5d: {  	_ =	shalt  }
0x5e: {  	_ =	shalt  }
0x5f: {  	_ =	shalt  }
0x60: {  	_ =	shalt  }
0x61: {  	_ =	shalt  }
0x62: {  	_ =	shalt  }
0x63: {  	_ =	shalt  }
0x64: {  	_ =	shalt  }
0x65: {  	_ =	shalt  }
0x66: {  	_ =	shalt  }
0x67: {  	_ =	shalt  }
0x68: {  	_ =	shalt  }
0x69: {  	_ =	shalt  }
0x6a: {  	_ =	shalt  }
0x6b: {  	_ =	shalt  }
0x6c: {  	_ =	shalt  }
0x6d: {  	_ =	shalt  }
0x6e: {  	_ =	shalt  }
0x6f: {  	_ =	shalt  }
0x70: {  	_ =	shalt  }
0x71: {  	_ =	shalt  }
0x72: {  	_ =	shalt  }
0x73: {  	_ =	shalt  }
0x74: {  	_ =	shalt  }
0x75: {  	_ =	shalt  }
0x76: {  	_ =	shalt  }
0x77: {  	_ =	shalt  }
0x78: {  	_ =	shalt  }
0x79: {  	_ =	shalt  }
0x7a: {  	_ =	shalt  }
0x7b: {  	_ =	shalt  }
0x7c: {  	_ =	shalt  }
0x7d: {  	_ =	shalt  }
0x7e: {  	_ =	shalt  }
0x7f: {  	_ =	shalt  }
0x80: {  	_ =	shalt  }
0x81: {  	_ =	shalt  }
0x82: {  	_ =	shalt  }
0x83: {  	_ =	shalt  }
0x84: {  	_ =	shalt  }
0x85: {  	_ =	shalt  }
0x86: {  	_ =	shalt  }
0x87: {  	_ =	shalt  }
.Lfunc_end0:
.L_simem_size_0:
called_computation_lowered:
.L_overlay_start_0:
0x88: {  	s2 =	sld [smem:$0x3FD9]  }
0x89: {  	s3 =	sld [smem:$0x3FFE];
	_ =	sdelay $0x1  }
0x8a: {  	s1 =	srdreg.scid  }
0x8b: {  	s0 =	sand.u32 $0x1, s1  }
0x8c: {  	s18 =	sshll.u32 s0, $0xA;
	s2 =	sadd.s32 s3, s2  }
0x8d: {  	s2 =	sadd.s32 s2, s18  }
0x8e: {  	[smem:$0x3FC7] =	sst s2  }
0x8f: {  	_ = 	snop  }
0x90: {  	s2 =	sld [smem:$0x3FC9]  }
0x91: {  	s19 =	sld [smem:$0x3FD0];
	(tm) =	ssettm $0x1  }
0x92: {  	s4 =	sld [smem:$0x3FFB];
	_ =	sdelay $0x3  }
0x93: {  	_ =	strace s4  }
0x94: {  	s4 =	sld [smem:$0x3FFC];
	_ =	sdelay $0x3  }
0x95: {  	_ =	strace s4  }
0x96: {  	s4 =	sld [smem:$0x3FFD];
	_ =	sdelay $0x3  }
0x97: {  	_ =	strace s4  }
0x98: {  	_ =	strace $0x8FFFFFFF  }
0x99: {  	s20 =	sld [smem:$0x3FDB];
	_ =	sdelay $0x1  }
0x9a: {  	s5 =	simm.s32 $_scs_section_size  }
0x9b: {  	s6 =	simm.s32 $_size__tile_overlayer_lowered;
	s7 =	simm.s32 $_tile_overlayer_lowered  }
0x9c: {  	s23 =	simm.s32 $0x1BFF;
	s22 =	sshll.u32 s7, $0x1;
	s4 =	sadd.s32 s5, s20  }
0x9d: {  	s8 =	simm.s32 $0x0;
	s21 =	sshll.u32 s6, $0x1;
	s6 =	sadd.s32 s22, s4  }
0x9e: {  	[timem:s8], [sflag:s23] =	dma.local [hbm:s6], s21  }
0x9f: {  	_ =	swait.ge [sflag:s23], s21  }
0xa0: {  	s5 =	ssub.s32 $0x0, s21;
	[sflag:s23] =	ssyncset.done $0x0  }
0xa1: {  	[sflag:s23] =	ssyncadd.s32 s5;
	_ =	sdelay $0x1  }
0xa2: {  	s24 =	simm.s32 $0x1B8B  }
0xa3: {  	_ =	swait.ge [sflag:s24], $0x1  }
0xa4: {  	[sflag:s24] =	ssyncset.done $0x0  }
0xa5: {  	s25 =	simm.s32 $0x1B8E;
	[sflag:s24] =	ssyncadd.s32 $0xFFFFFFFF  }
0xa6: {  	s26 =	simm.s32 $execute0_lowered;
	[smem:$0x3FD2] =	sst s25  }
0xa7: {  	s5 =	sshll.u32 s26, $0x1;
	_ =	strace $0x80000046;
	[dreg:$0x1] =	wrdreg $0xFFFFFFFF  }
0xa8: {  	s28 =	simm.s32 $_size_execute0_lowered;
	s4 =	sadd.s32 s4, s5;
	[dreg:$0x0] =	wrdreg $0x0  }
0xa9: {  	s5 =	sshll.u32 s28, $0x1;
	[dreg:$0x2] =	wrdreg s4  }
0xaa: {  	[dreg:$0x3] =	wrdreg s5  }
0xab: {  	[dreg:$0x4] =	wrdreg $0xC0  }
0xac: {  	_ =	task [dreg:s8], $0x5FFFF  }
0xad: {  	[dreg:$0x1] =	wrdreg $0xFFFFFFFF  }
0xae: {  	[dreg:$0x0] =	wrdreg $0x60  }
0xaf: {  	[dreg:$0x2] =	wrdreg s2  }
0xb0: {  	[dreg:$0x3] =	wrdreg s19  }
0xb1: {  	[dreg:$0x4] =	wrdreg $0x113800  }
0xb2: {  	[dreg:$0x5] =	wrdreg $0x112800  }
0xb3: {  	[dreg:$0x6] =	wrdreg $0x9  }
0xb4: {  	_ =	task.clear_ibuf [dreg:s8], $0x7FFFF;
	_ =	strace $0x90000046  }
0xb5: {  	s29 =	simm.s32 $0x9;
	_ =	strace $0x80000048  }
0xb6: {  	_ =	swait.ge [sflag:s29], $0x1  }
0xb7: {  	[sflag:s29] =	ssyncadd.s32 $0xFFFFFFFF  }
0xb8: {  	_ =	strace $0x90000048  }
0xb9: {  	_ =	sfence  }
0xba: {  	s30 =	sld [smem:$0x0];
	_ =	sdelay $0x2  }
0xbb: {  	s31 =	sshll.u32 s1, $0xD;
	s1 =	sshrl.u32 s1, $0x2  }
0xbc: {  	s3 =	sand.u32 $0x4000, s31;
	s1 =	sadd.s32 s1, s30  }
0xbd: {  	s0 =	sor.u32 s3, s0;
	s1 =	sshll.u32 s1, $0x11  }
0xbe: {  	s0 =	sor.u32 s1, s0  }
0xbf: {  	s0 =	sadd.s32 $0x8F2B, s0  }
0xc0: {  	[sflag:s0] =	ssyncadd.remote.s32 $0x1  }
0xc1: {  	_ =	sfence.sel $0xFFFF  }
0xc2: {  	[dreg:$0x0] =	wrdreg $0xFFFFFFFF;
	(pc) =	sbr.abs _section_cstart, $3  }
0xc3: {  	[dreg:$0x1] =	wrdreg $0xFFFFFFFF  }
0xc4: {  	_ =	task.clear_ibuf [dreg:s8], $0x2FFFF;
	_ =	strace $0x9FFFFFFF  }
0xc5: {  	(tm) =	ssettm $0x7FFFFFFF  }
tec
execute0_lowered:
.L_overlay_start_1:
0x0: {  	(tag) =	ssettag $0x1  }
0x1: {  	s0 =	rddreg [dreg:$0x0]  }
0x2: {  	s2 =	rddreg [dreg:$0x2]  }
0x3: {  	s3 =	rddreg [dreg:$0x3];
	s4 =	simm.s32 $0x0  }
0x4: {  	s1 =	srdreg.scid;
	s5 =	stileid.u32;
	s11 =	simm.s32 $0x80  }
0x5: {  	s12 =	simm.s32 $0x400;
	s14 =	simm.s32 $0x11080;
	s15 =	simm.s32 $0x3  }
0x6: {  	s16 =	simm.s32 $0x10000;
	s17 =	simm.s32 $0x1;
	s18 =	simm.s32 $0x2  }
0x7: {  	s19 =	simm.s32 $0x0;
	[smem:$0x7FF] =	sst s4;
	s1 =	sand.u32 $0x1, s1  }
0x8: {  	s6 =	sshll.u32 s5, $0xC;
	s7 =	sshll.u32 s5, $0x4;
	s29 =	smul.u32 $0x420, s5  }
0x9: {  	s9 =	sshll.u32 s5, $0x8;
	s28 =	ssub.s32 $0x2, s1;
	s6 =	sor.u32 s7, s6  }
0xa: {  	_ =	strace $0x80000047;
	s9 =	sadd.s32 s9, s3;
	s31 =	sor.u32 s5, s1  }
0xb: {  	s8 =	sshrl.u32 s28, $0x1;
	s6 =	sand.u32 $0x8070, s6;
	s30 =	sshrl.u32 s29, $0x2  }
0xc: {  	v0 =	vimm.s32 $0x0;
	v1 =	vlaneseq.u32;
	p0 =	sne.s32 s31, $0x0;
	s4 =	ssub.s32 s28, s8;
	s6 =	sadd.s32 s0, s6  }
0xd: {  	v3 =	vimm.s32 $0x1;
	v2 =	vmul.u32 $0x101, v1;
	v4 =	vor.u32 $0x80000000, v1;
	s8 =	sadd.s32 s30, s2;
	s7 =	sadd.s32 $0x10000, s6;
	s10 =	smax.u32 s4, $0x1  }
.LBB2_1:
0xe: {  	s0 =	simm.s32 $0x0  }
0xf: {  	[tilespmem:s0], [sflag:$0x1] =	stream.strided.gather [hbm4b:s6+s11], $0x8000, s12, s11, $0x38;
	[tilespmem:$0x11488] =	vst v63  }
0x10: {  	s30 =	simm.s32 $0x8000  }
0x11: {  	[tilespmem:s30], [sflag:$0x2] =	stream.strided.gather [hbm4b:s7+s11], $0x8000, s12, s11, $0x38;
	[tilespmem:$0x11488] =	vst v63  }
0x12: {  	[tilespmem:$0x11080] =	vst v0  }
0x13: {  	[tilespmem:$0x11090] =	vst v0  }
0x14: {  	[tilespmem:$0x110A0] =	vst v0  }
0x15: {  	[tilespmem:$0x110B0] =	vst v0  }
0x16: {  	[tilespmem:$0x110C0] =	vst v0  }
0x17: {  	[tilespmem:$0x110D0] =	vst v0  }
0x18: {  	[tilespmem:$0x110E0] =	vst v0  }
0x19: {  	[tilespmem:$0x110F0] =	vst v0  }
0x1a: {  	[tilespmem:$0x11100] =	vst v0  }
0x1b: {  	[tilespmem:$0x11110] =	vst v0  }
0x1c: {  	[tilespmem:$0x11120] =	vst v0  }
0x1d: {  	[tilespmem:$0x11130] =	vst v0  }
0x1e: {  	[tilespmem:$0x11140] =	vst v0  }
0x1f: {  	[tilespmem:$0x11150] =	vst v0  }
0x20: {  	[tilespmem:$0x11160] =	vst v0  }
0x21: {  	[tilespmem:$0x11170] =	vst v0  }
0x22: {  	[tilespmem:$0x11178] =	vst v0  }
0x23: {  	[spmem:s8] =	stream.linear.scatter [tilespmem:s14], [sflag:$0x3], $0x108, $0x38;
	[tilespmem:$0x11488] =	vst v63  }
0x24: {  	_ =	swait.ge [sflag:s15], $0x108  }
0x25: {  	[sflag:s15] =	ssyncset.done $0x0  }
0x26: {  	[sflag:s15] =	ssyncadd.s32 $0xFFFFFEF8  }
0x27: {  	[bflag:$0x0] =	sbarrier.arrive $0xFFFF  }
0x28: {  	[tilespmem:s16], [sflag:$0x3] =	stream.linear.gather [spmem:s2], $0x1080, $0x38;
	[tilespmem:$0x11488] =	vst v63  }
0x29: {  	_ =	swait.ge [sflag:s15], $0x1080  }
0x2a: {  	[sflag:s15] =	ssyncset.done $0x0  }
0x2b: {  	[sflag:s15] =	ssyncadd.s32 $0xFFFFEF80  }
0x2c: {  	_ =	swait.ge [sflag:s17], $0x8000  }
0x2d: {  	[sflag:s17] =	ssyncset.done $0x0  }
0x2e: {  	s31 =	simm.s32 $0x40;
	[sflag:s17] =	ssyncadd.s32 $0xFFFF8000  }
0x2f: {  	v5 =	vld [tilespmem:s31+$0x30]  }
0x30: {  	v6 =	vld [tilespmem:s31+$0xFFFFFFD0]  }
0x31: {  	v7 =	vld [tilespmem:s31+$0xFFFFFFE0]  }
0x32: {  	v8 =	vld [tilespmem:s31+$0xFFFFFFF0];
	_ =	sdelay $0x1  }
0x33: {  	v9 =	vld [tilespmem:s31+$0x0];
	v5 =	vshrl.u32 v5, $0x17  }
0x34: {  	v10 =	vld [tilespmem:s31+$0x10];
	v6 =	vshrl.u32 v6, $0x17;
	v5 =	vand.u32 $0xFF, v5  }
0x35: {  	v11 =	vld [tilespmem:s31+$0x20];
	v7 =	vshrl.u32 v7, $0x17;
	v6 =	vand.u32 $0xFF, v6;
	v12 =	vadd.s32 v2, v5  }
0x36: {  	v13 =	vld [tilespmem:s31+$0xFFFFFFC0];
	v6 =	vadd.s32 v2, v6;
	v5 =	vand.u32 $0xFF, v7;
	v7 =	vshrl.u32 v8, $0x17  }
0x37: {  	v8 =	vadd.s32 v2, v5;
	v5 =	vand.u32 $0xFF, v7  }
0x38: {  	v7 =	vshrl.u32 v9, $0x17;
	v9 =	vadd.s32 v2, v5;
	_ =	sdelay $0x1  }
0x39: {  	v5 =	vand.u32 $0xFF, v7;
	v7 =	vshrl.u32 v10, $0x17;
	v10 =	vshrl.u32 v11, $0x17;
	[tilespmem:v12+s16+$0x0] =	vst.idx.add.s32.msk $0xffff, v3  }
0x3a: {  	v11 =	vshrl.u32 v13, $0x17;
	v5 =	vadd.s32 v2, v5;
	v7 =	vand.u32 $0xFF, v7;
	[tilespmem:v6+s16+$0x0] =	vst.idx.add.s32.msk $0xffff, v3  }
0x3b: {  	v6 =	vadd.s32 v2, v7;
	v7 =	vand.u32 $0xFF, v10;
	v10 =	vand.u32 $0xFF, v11;
	[tilespmem:v8+s16+$0x0] =	vst.idx.add.s32.msk $0xffff, v3  }
0x3c: {  	s20 =	simm.s32 $0x0;
	s21 =	simm.s32 $0xC0;
	v7 =	vadd.s32 v2, v7;
	v8 =	vadd.s32 v2, v10;
	[tilespmem:v9+s16+$0x0] =	vst.idx.add.s32.msk $0xffff, v3  }
.LBB2_2:
0x3d: {  	v9 =	vld [tilespmem:s21+$0x30];
	s20 =	sadd.s32 $0x80, s20  }
0x3e: {  	v10 =	vld [tilespmem:s21+$0xFFFFFFD0];
	p1 =	slt.u32 s20, $0x7F80  }
0x3f: {  	v11 =	vld [tilespmem:s21+$0xFFFFFFE0]  }
0x40: {  	v12 =	vld [tilespmem:s21+$0xFFFFFFF0]  }
0x41: {  	v13 =	vld [tilespmem:s21+$0x0]  }
0x42: {  	v14 =	vld [tilespmem:s21+$0x10];
	v9 =	vshrl.u32 v9, $0x17  }
0x43: {  	v10 =	vshrl.u32 v10, $0x17;
	v15 =	vld [tilespmem:s21+$0x20];
	v9 =	vand.u32 $0xFF, v9  }
0x44: {  	v16 =	vld [tilespmem:s21+$0xFFFFFFC0];
	v10 =	vand.u32 $0xFF, v10;
	v11 =	vshrl.u32 v11, $0x17;
	v9 =	vadd.s32 v2, v9  }
0x45: {  	v10 =	vadd.s32 v2, v10;
	v11 =	vand.u32 $0xFF, v11;
	v12 =	vshrl.u32 v12, $0x17;
	[tilespmem:v8+s16+$0x0] =	vst.idx.add.s32.msk $0xffff, v3  }
0x46: {  	v11 =	vadd.s32 v2, v11;
	v8 =	vand.u32 $0xFF, v12;
	v12 =	vshrl.u32 v13, $0x17;
	[tilespmem:v5+s16+$0x0] =	vst.idx.add.s32.msk $0xffff, v3  }
0x47: {  	v13 =	vadd.s32 v2, v8;
	v5 =	vand.u32 $0xFF, v12;
	v8 =	vshrl.u32 v14, $0x17;
	[tilespmem:v6+s16+$0x0] =	vst.idx.add.s32.msk $0xffff, v3  }
.Ltmp0:
0x48: {  	v5 =	vadd.s32 v2, v5;
	v6 =	vand.u32 $0xFF, v8;
	v8 =	vshrl.u32 v15, $0x17;
	[tilespmem:v7+s16+$0x0] =	vst.idx.add.s32.msk $0xffff, v3;
	(pc) =	sbr.rel @p1 .LBB2_2-.Ltmp0, $4  }
0x49: {  	v7 =	vshrl.u32 v16, $0x17;
	v6 =	vadd.s32 v2, v6;
	v8 =	vand.u32 $0xFF, v8;
	[tilespmem:v9+s16+$0x0] =	vst.idx.add.s32.msk $0xffff, v3  }
0x4a: {  	v9 =	vand.u32 $0xFF, v7;
	[tilespmem:v10+s16+$0x0] =	vst.idx.add.s32.msk $0xffff, v3;
	v7 =	vadd.s32 v2, v8  }
0x4b: {  	v8 =	vadd.s32 v2, v9;
	[tilespmem:v11+s16+$0x0] =	vst.idx.add.s32.msk $0xffff, v3  }
0x4c: {  	s21 =	sadd.s32 $0x80, s21;
	[tilespmem:v13+s16+$0x0] =	vst.idx.add.s32.msk $0xffff, v3  }
0x4d: {  	_ =	sdelay $0x3  }
0x4e: {  	[tilespmem:v8+s16+$0x0] =	vst.idx.add.s32.msk $0xffff, v3  }
0x4f: {  	[tilespmem:v5+s16+$0x0] =	vst.idx.add.s32.msk $0xffff, v3  }
0x50: {  	[tilespmem:v6+s16+$0x0] =	vst.idx.add.s32.msk $0xffff, v3  }
0x51: {  	[tilespmem:v7+s16+$0x0] =	vst.idx.add.s32.msk $0xffff, v3  }
0x52: {  	_ =	swait.ge [sflag:s18], $0x8000  }
0x53: {  	[sflag:s18] =	ssyncset.done $0x0  }
0x54: {  	s0 =	simm.s32 $0x8070;
	[sflag:s18] =	ssyncadd.s32 $0xFFFF8000  }
0x55: {  	v5 =	vld [tilespmem:s0+$0x0]  }
0x56: {  	v6 =	vld [tilespmem:s0+$0xFFFFFFA0]  }
0x57: {  	v7 =	vld [tilespmem:s0+$0xFFFFFFB0]  }
0x58: {  	v8 =	vld [tilespmem:s0+$0xFFFFFFC0];
	_ =	sdelay $0x1  }
0x59: {  	v9 =	vld [tilespmem:s0+$0xFFFFFFD0];
	v5 =	vshrl.u32 v5, $0x17  }
0x5a: {  	v10 =	vld [tilespmem:s0+$0xFFFFFFE0];
	v6 =	vshrl.u32 v6, $0x17;
	v5 =	vand.u32 $0xFF, v5  }
0x5b: {  	v11 =	vld [tilespmem:s0+$0xFFFFFFF0];
	v7 =	vshrl.u32 v7, $0x17;
	v6 =	vand.u32 $0xFF, v6;
	v12 =	vadd.s32 v2, v5  }
0x5c: {  	v13 =	vld [tilespmem:s0+$0xFFFFFF90];
	v6 =	vadd.s32 v2, v6;
	v5 =	vand.u32 $0xFF, v7;
	v7 =	vshrl.u32 v8, $0x17  }
0x5d: {  	v8 =	vadd.s32 v2, v5;
	v5 =	vand.u32 $0xFF, v7  }
0x5e: {  	v7 =	vshrl.u32 v9, $0x17;
	v9 =	vadd.s32 v2, v5;
	_ =	sdelay $0x1  }
0x5f: {  	v5 =	vand.u32 $0xFF, v7;
	v7 =	vshrl.u32 v10, $0x17;
	v10 =	vshrl.u32 v11, $0x17;
	[tilespmem:v12+s16+$0x0] =	vst.idx.add.s32.msk $0xffff, v3  }
0x60: {  	v11 =	vshrl.u32 v13, $0x17;
	v5 =	vadd.s32 v2, v5;
	v7 =	vand.u32 $0xFF, v7;
	[tilespmem:v6+s16+$0x0] =	vst.idx.add.s32.msk $0xffff, v3  }
0x61: {  	s22 =	simm.s32 $0x8000;
	v6 =	vadd.s32 v2, v7;
	v7 =	vand.u32 $0xFF, v10;
	v10 =	vand.u32 $0xFF, v11;
	[tilespmem:v8+s16+$0x0] =	vst.idx.add.s32.msk $0xffff, v3  }
0x62: {  	s21 =	simm.s32 $0x10808;
	s20 =	simm.s32 $0x11090;
	s23 =	simm.s32 $0x80F0;
	v7 =	vadd.s32 v2, v7;
	v8 =	vadd.s32 v2, v10;
	[tilespmem:v9+s16+$0x0] =	vst.idx.add.s32.msk $0xffff, v3  }
.LBB2_4:
0x63: {  	v9 =	vld [tilespmem:s23+$0x0];
	s22 =	sadd.s32 $0x80, s22  }
0x64: {  	v10 =	vld [tilespmem:s23+$0xFFFFFFA0];
	p1 =	slt.u32 s22, $0xFF80  }
0x65: {  	v11 =	vld [tilespmem:s23+$0xFFFFFFB0]  }
0x66: {  	v12 =	vld [tilespmem:s23+$0xFFFFFFC0]  }
0x67: {  	v13 =	vld [tilespmem:s23+$0xFFFFFFD0]  }
0x68: {  	v14 =	vld [tilespmem:s23+$0xFFFFFFE0];
	v9 =	vshrl.u32 v9, $0x17  }
0x69: {  	v10 =	vshrl.u32 v10, $0x17;
	v15 =	vld [tilespmem:s23+$0xFFFFFFF0];
	v9 =	vand.u32 $0xFF, v9  }
0x6a: {  	v16 =	vld [tilespmem:s23+$0xFFFFFF90];
	v10 =	vand.u32 $0xFF, v10;
	v11 =	vshrl.u32 v11, $0x17;
	v9 =	vadd.s32 v2, v9  }
0x6b: {  	v10 =	vadd.s32 v2, v10;
	v11 =	vand.u32 $0xFF, v11;
	v12 =	vshrl.u32 v12, $0x17;
	[tilespmem:v8+s16+$0x0] =	vst.idx.add.s32.msk $0xffff, v3  }
0x6c: {  	v11 =	vadd.s32 v2, v11;
	v8 =	vand.u32 $0xFF, v12;
	v12 =	vshrl.u32 v13, $0x17;
	[tilespmem:v5+s16+$0x0] =	vst.idx.add.s32.msk $0xffff, v3  }
0x6d: {  	v13 =	vadd.s32 v2, v8;
	v5 =	vand.u32 $0xFF, v12;
	v8 =	vshrl.u32 v14, $0x17;
	[tilespmem:v6+s16+$0x0] =	vst.idx.add.s32.msk $0xffff, v3  }
.Ltmp1:
0x6e: {  	v5 =	vadd.s32 v2, v5;
	v6 =	vand.u32 $0xFF, v8;
	v8 =	vshrl.u32 v15, $0x17;
	[tilespmem:v7+s16+$0x0] =	vst.idx.add.s32.msk $0xffff, v3;
	(pc) =	sbr.rel @p1 .LBB2_4-.Ltmp1, $4  }
0x6f: {  	v7 =	vshrl.u32 v16, $0x17;
	v6 =	vadd.s32 v2, v6;
	v8 =	vand.u32 $0xFF, v8;
	[tilespmem:v9+s16+$0x0] =	vst.idx.add.s32.msk $0xffff, v3  }
0x70: {  	v9 =	vand.u32 $0xFF, v7;
	[tilespmem:v10+s16+$0x0] =	vst.idx.add.s32.msk $0xffff, v3;
	v7 =	vadd.s32 v2, v8  }
0x71: {  	v8 =	vadd.s32 v2, v9;
	[tilespmem:v11+s16+$0x0] =	vst.idx.add.s32.msk $0xffff, v3  }
0x72: {  	s23 =	sadd.s32 $0x80, s23;
	[tilespmem:v13+s16+$0x0] =	vst.idx.add.s32.msk $0xffff, v3  }
0x73: {  	_ =	sdelay $0x3  }
0x74: {  	[tilespmem:v8+s16+$0x0] =	vst.idx.add.s32.msk $0xffff, v3  }
0x75: {  	[tilespmem:v5+s16+$0x0] =	vst.idx.add.s32.msk $0xffff, v3  }
0x76: {  	[tilespmem:v6+s16+$0x0] =	vst.idx.add.s32.msk $0xffff, v3  }
0x77: {  	[tilespmem:v7+s16+$0x0] =	vst.idx.add.s32.msk $0xffff, v3  }
0x78: {  	v5 =	vld [tilespmem:s21+$0xFFFFF808]  }
0x79: {  	v6 =	vld [tilespmem:s21+$0xFFFFF909]  }
0x7a: {  	v7 =	vld [tilespmem:s21+$0xFFFFFA0A]  }
0x7b: {  	v8 =	vld [tilespmem:s21+$0xFFFFFB0B]  }
0x7c: {  	v9 =	vld [tilespmem:s21+$0xFFFFFC0C]  }
0x7d: {  	v10 =	vld [tilespmem:s21+$0xFFFFFD0D]  }
0x7e: {  	v11 =	vld [tilespmem:s21+$0xFFFFFE0E]  }
0x7f: {  	v12 =	vld [tilespmem:s21+$0xFFFFFF0F]  }
0x80: {  	v13 =	vld [tilespmem:s21+$0x10]  }
0x81: {  	v14 =	vld [tilespmem:s21+$0x111]  }
0x82: {  	v15 =	vld [tilespmem:s21+$0x212]  }
0x83: {  	v16 =	vld [tilespmem:s21+$0x313]  }
0x84: {  	v17 =	vld [tilespmem:s21+$0x414]  }
0x85: {  	v18 =	vld [tilespmem:s21+$0x515]  }
0x86: {  	v19 =	vld [tilespmem:s21+$0x616]  }
0x87: {  	v20 =	vld [tilespmem:s21+$0x717]  }
0x88: {  	v5 =	vadd.s32 v5, v6;
	v6 =	vld [tilespmem:s21+$0xFFFFF8F9]  }
0x89: {  	v5 =	vadd.s32 v7, v5;
	v7 =	vld [tilespmem:s21+$0xFFFFF7F8]  }
0x8a: {  	v5 =	vadd.s32 v8, v5;
	v8 =	vld [tilespmem:s21+$0xFFFFF9FA]  }
0x8b: {  	v5 =	vadd.s32 v9, v5;
	v9 =	vld [tilespmem:s21+$0xFFFFFAFB]  }
0x8c: {  	v5 =	vadd.s32 v10, v5;
	v10 =	vld [tilespmem:s21+$0xFFFFFBFC]  }
0x8d: {  	v5 =	vadd.s32 v11, v5;
	v11 =	vld [tilespmem:s21+$0xFFFFFCFD]  }
0x8e: {  	v5 =	vadd.s32 v12, v5;
	v6 =	vadd.s32 v7, v6;
	v7 =	vld [tilespmem:s21+$0xFFFFFDFE]  }
0x8f: {  	v5 =	vadd.s32 v13, v5;
	v6 =	vadd.s32 v8, v6;
	v8 =	vld [tilespmem:s21+$0xFFFFFEFF]  }
0x90: {  	v5 =	vadd.s32 v14, v5;
	v6 =	vadd.s32 v9, v6;
	v9 =	vld [tilespmem:s21+$0x0]  }
0x91: {  	v5 =	vadd.s32 v15, v5;
	v6 =	vadd.s32 v10, v6;
	v10 =	vld [tilespmem:s21+$0x101]  }
0x92: {  	v5 =	vadd.s32 v16, v5;
	v6 =	vadd.s32 v11, v6;
	v11 =	vld [tilespmem:s21+$0x202]  }
0x93: {  	v63 =	vadd.s32 v17, v5;
	v6 =	vadd.s32 v7, v6;
	v5 =	vld [tilespmem:s21+$0x303]  }
0x94: {  	v7 =	vadd.s32 v18, v63;
	v8 =	vadd.s32 v8, v6;
	v6 =	vld [tilespmem:s21+$0x404]  }
0x95: {  	v12 =	vadd.s32 v19, v7;
	v8 =	vadd.s32 v9, v8;
	v7 =	vld [tilespmem:s21+$0x505]  }
0x96: {  	v9 =	vadd.s32 v20, v12;
	v10 =	vadd.s32 v10, v8;
	v8 =	vld [tilespmem:s21+$0x606]  }
0x97: {  	s22 =	simm.s32 $0x0;
	[tilespmem:s20+$0x0] =	vst v9;
	v10 =	vadd.s32 v11, v10;
	v9 =	vld [tilespmem:s21+$0x707];
	s21 =	simm.s32 $0x10828  }
.LBB2_6:
0x98: {  	v11 =	vld [tilespmem:s21+$0xFFFFF808];
	v5 =	vadd.s32 v5, v10  }
0x99: {  	s22 =	sadd.s32 $0x2, s22;
	v10 =	vld [tilespmem:s21+$0xFFFFF909];
	v5 =	vadd.s32 v6, v5  }
0x9a: {  	p1 =	slt.u32 s22, $0xE;
	v6 =	vld [tilespmem:s21+$0xFFFFFA0A];
	v5 =	vadd.s32 v7, v5  }
0x9b: {  	v7 =	vld [tilespmem:s21+$0xFFFFFB0B];
	v5 =	vadd.s32 v8, v5  }
0x9c: {  	v8 =	vld [tilespmem:s21+$0xFFFFFC0C];
	v5 =	vadd.s32 v9, v5  }
0x9d: {  	v9 =	vld [tilespmem:s21+$0xFFFFFD0D];
	[tilespmem:s20+$0xFFFFFFF0] =	vst v5  }
0x9e: {  	v5 =	vadd.s32 v11, v10;
	v10 =	vld [tilespmem:s21+$0xFFFFFE0E]  }
0x9f: {  	v5 =	vadd.s32 v6, v5;
	v6 =	vld [tilespmem:s21+$0xFFFFFF0F]  }
0xa0: {  	v5 =	vadd.s32 v7, v5;
	v7 =	vld [tilespmem:s21+$0x10]  }
0xa1: {  	v5 =	vadd.s32 v8, v5;
	v8 =	vld [tilespmem:s21+$0x111]  }
0xa2: {  	v5 =	vadd.s32 v9, v5;
	v9 =	vld [tilespmem:s21+$0x212]  }
0xa3: {  	v5 =	vadd.s32 v10, v5;
	v10 =	vld [tilespmem:s21+$0x313]  }
0xa4: {  	v5 =	vadd.s32 v6, v5;
	v6 =	vld [tilespmem:s21+$0x414]  }
0xa5: {  	v5 =	vadd.s32 v7, v5;
	v7 =	vld [tilespmem:s21+$0x515]  }
0xa6: {  	v5 =	vadd.s32 v8, v5;
	v8 =	vld [tilespmem:s21+$0x616]  }
0xa7: {  	v5 =	vadd.s32 v9, v5;
	v9 =	vld [tilespmem:s21+$0x717]  }
0xa8: {  	v11 =	vld [tilespmem:s21+$0xFFFFF8F9];
	v5 =	vadd.s32 v10, v5  }
0xa9: {  	v10 =	vld [tilespmem:s21+$0xFFFFF7F8];
	v5 =	vadd.s32 v6, v5  }
0xaa: {  	v6 =	vld [tilespmem:s21+$0xFFFFF9FA];
	v5 =	vadd.s32 v7, v5  }
0xab: {  	v7 =	vld [tilespmem:s21+$0xFFFFFAFB];
	v5 =	vadd.s32 v8, v5  }
0xac: {  	s20 =	sadd.s32 $0x20, s20;
	v8 =	vld [tilespmem:s21+$0xFFFFFBFC];
	v5 =	vadd.s32 v9, v5  }
0xad: {  	v9 =	vld [tilespmem:s21+$0xFFFFFCFD];
	[tilespmem:s20+$0x0] =	vst v5  }
0xae: {  	v5 =	vadd.s32 v10, v11;
	v10 =	vld [tilespmem:s21+$0xFFFFFDFE]  }
0xaf: {  	v5 =	vadd.s32 v6, v5;
	v6 =	vld [tilespmem:s21+$0xFFFFFEFF]  }
0xb0: {  	v5 =	vadd.s32 v7, v5;
	v7 =	vld [tilespmem:s21+$0x0]  }
0xb1: {  	v5 =	vadd.s32 v8, v5;
	v8 =	vld [tilespmem:s21+$0x101]  }
0xb2: {  	v5 =	vadd.s32 v9, v5;
	v9 =	vld [tilespmem:s21+$0x202]  }
.Ltmp2:
0xb3: {  	v10 =	vadd.s32 v10, v5;
	v5 =	vld [tilespmem:s21+$0x303];
	(pc) =	sbr.rel @p1 .LBB2_6-.Ltmp2, $4  }
0xb4: {  	v10 =	vadd.s32 v6, v10;
	v6 =	vld [tilespmem:s21+$0x404]  }
0xb5: {  	v10 =	vadd.s32 v7, v10;
	v7 =	vld [tilespmem:s21+$0x505]  }
0xb6: {  	v10 =	vadd.s32 v8, v10;
	v8 =	vld [tilespmem:s21+$0x606]  }
0xb7: {  	v10 =	vadd.s32 v9, v10;
	v9 =	vld [tilespmem:s21+$0x707];
	s21 =	sadd.s32 $0x20, s21  }
0xb8: {  	v5 =	vadd.s32 v5, v10  }
0xb9: {  	v5 =	vadd.s32 v6, v5  }
0xba: {  	v5 =	vadd.s32 v7, v5  }
0xbb: {  	v5 =	vadd.s32 v8, v5  }
0xbc: {  	v5 =	vadd.s32 v9, v5  }
0xbd: {  	[tilespmem:s20+$0xFFFFFFF0] =	vst v5  }
0xbe: {  	[bflag:$0x0] =	sbarrier.arrive $0xFFFF  }
0xbf: {  	[spmem:s9] =	stream.linear.scatter [tilespmem:s14], [sflag:$0x3], $0x100, $0x38;
	[tilespmem:$0x11488] =	vst v63  }
0xc0: {  	_ =	swait.ge [sflag:s15], $0x100  }
0xc1: {  	[sflag:s15] =	ssyncset.done $0x0  }
0xc2: {  	[sflag:s15] =	ssyncadd.s32 $0xFFFFFF00  }
0xc3: {  	[bflag:$0x0] =	sbarrier.arrive $0xFFFF  }
0xc4: {  	[tilespmem:s16], [sflag:$0x3] =	stream.linear.gather [spmem:s3], $0x1000, $0x38;
	[tilespmem:$0x11488] =	vst v63  }
0xc5: {  	_ =	swait.ge [sflag:s15], $0x1000  }
0xc6: {  	[sflag:s15] =	ssyncset.done $0x0  }
0xc7: {  	s25 =	simm.s32 $0x10810;
	s20 =	simm.s32 $0x0;
	[sflag:s15] =	ssyncadd.s32 $0xFFFFF000  }
0xc8: {  	s0 =	sand.u32 $0xE0, s20;
	v5 =	vld [tilespmem:s25+$0xFFFFF7F0]  }
0xc9: {  	v6 =	vld [tilespmem:s0+$0x10100]  }
0xca: {  	v7 =	vld [tilespmem:s0+$0x10200]  }
0xcb: {  	v8 =	vld [tilespmem:s0+$0x10300]  }
0xcc: {  	v9 =	vld [tilespmem:s0+$0x10400]  }
0xcd: {  	v10 =	vld [tilespmem:s0+$0x10500]  }
0xce: {  	v11 =	vld [tilespmem:s0+$0x10600]  }
0xcf: {  	v12 =	vld [tilespmem:s0+$0x10700]  }
0xd0: {  	v13 =	vld [tilespmem:s0+$0x10800]  }
0xd1: {  	v14 =	vld [tilespmem:s0+$0x10900]  }
0xd2: {  	v15 =	vld [tilespmem:s0+$0x10A00]  }
0xd3: {  	v16 =	vld [tilespmem:s0+$0x10B00]  }
0xd4: {  	v17 =	vld [tilespmem:s0+$0x10C00]  }
0xd5: {  	v18 =	vld [tilespmem:s0+$0x10D00]  }
0xd6: {  	v19 =	vld [tilespmem:s0+$0x10E00]  }
0xd7: {  	v20 =	vld [tilespmem:s0+$0x10F00]  }
0xd8: {  	v5 =	vadd.s32 v5, v6;
	v6 =	vld [tilespmem:s25+$0xFFFFF800]  }
0xd9: {  	v5 =	vadd.s32 v7, v5;
	v7 =	vld [tilespmem:s25+$0xFFFFF900]  }
0xda: {  	v5 =	vadd.s32 v8, v5;
	v8 =	vld [tilespmem:s25+$0xFFFFFA00]  }
0xdb: {  	v5 =	vadd.s32 v9, v5;
	v9 =	vld [tilespmem:s25+$0xFFFFFB00]  }
0xdc: {  	v5 =	vadd.s32 v10, v5;
	v10 =	vld [tilespmem:s25+$0xFFFFFC00]  }
0xdd: {  	v5 =	vadd.s32 v11, v5;
	v11 =	vld [tilespmem:s25+$0xFFFFFD00]  }
0xde: {  	v5 =	vadd.s32 v12, v5;
	v6 =	vadd.s32 v6, v7;
	v7 =	vld [tilespmem:s25+$0xFFFFFE00]  }
0xdf: {  	v5 =	vadd.s32 v13, v5;
	v6 =	vadd.s32 v8, v6;
	v8 =	vld [tilespmem:s25+$0xFFFFFF00]  }
0xe0: {  	v5 =	vadd.s32 v14, v5;
	v6 =	vadd.s32 v9, v6;
	v9 =	vld [tilespmem:s25+$0x0]  }
0xe1: {  	v5 =	vadd.s32 v15, v5;
	v6 =	vadd.s32 v10, v6;
	v10 =	vld [tilespmem:s25+$0x100]  }
0xe2: {  	v5 =	vadd.s32 v16, v5;
	v6 =	vadd.s32 v11, v6;
	v11 =	vld [tilespmem:s25+$0x200]  }
0xe3: {  	v63 =	vadd.s32 v17, v5;
	v6 =	vadd.s32 v7, v6;
	v5 =	vld [tilespmem:s25+$0x300]  }
0xe4: {  	v7 =	vadd.s32 v18, v63;
	v8 =	vadd.s32 v8, v6;
	v6 =	vld [tilespmem:s25+$0x400]  }
0xe5: {  	v12 =	vadd.s32 v19, v7;
	v8 =	vadd.s32 v9, v8;
	v7 =	vld [tilespmem:s25+$0x500]  }
0xe6: {  	s21 =	simm.s32 $0x11090;
	s24 =	simm.s32 $0x0;
	s22 =	simm.s32 $0xF;
	v9 =	vadd.s32 v20, v12;
	v10 =	vadd.s32 v10, v8;
	v8 =	vld [tilespmem:s25+$0x600]  }
0xe7: {  	s23 =	simm.s32 $0x11170;
	s26 =	simm.s32 $0x20;
	[tilespmem:s21+$0xFFFFFFF0] =	vst v9;
	v10 =	vadd.s32 v11, v10;
	v9 =	vld [tilespmem:s25+$0x700];
	s25 =	simm.s32 $0x10830  }
.LBB2_8:
0xe8: {  	v11 =	vld [tilespmem:s25+$0xFFFFF7F0];
	s0 =	sand.u32 $0xE0, s26;
	s24 =	sadd.s32 $0x2, s24;
	v5 =	vadd.s32 v5, v10  }
0xe9: {  	v10 =	vld [tilespmem:s0+$0x10100];
	p1 =	slt.u32 s24, $0xE;
	v5 =	vadd.s32 v6, v5  }
0xea: {  	v6 =	vld [tilespmem:s0+$0x10200];
	v5 =	vadd.s32 v7, v5  }
0xeb: {  	v7 =	vld [tilespmem:s0+$0x10300];
	v5 =	vadd.s32 v8, v5  }
0xec: {  	v8 =	vld [tilespmem:s0+$0x10400];
	v5 =	vadd.s32 v9, v5  }
0xed: {  	v9 =	vld [tilespmem:s0+$0x10500];
	[tilespmem:s21+$0x0] =	vst v5  }
0xee: {  	v5 =	vadd.s32 v11, v10;
	v10 =	vld [tilespmem:s0+$0x10600]  }
0xef: {  	v5 =	vadd.s32 v6, v5;
	v6 =	vld [tilespmem:s0+$0x10700]  }
0xf0: {  	v5 =	vadd.s32 v7, v5;
	v7 =	vld [tilespmem:s0+$0x10800]  }
0xf1: {  	v5 =	vadd.s32 v8, v5;
	v8 =	vld [tilespmem:s0+$0x10900]  }
0xf2: {  	v5 =	vadd.s32 v9, v5;
	v9 =	vld [tilespmem:s0+$0x10A00]  }
0xf3: {  	v5 =	vadd.s32 v10, v5;
	v10 =	vld [tilespmem:s0+$0x10B00]  }
0xf4: {  	v5 =	vadd.s32 v6, v5;
	v6 =	vld [tilespmem:s0+$0x10C00]  }
0xf5: {  	v5 =	vadd.s32 v7, v5;
	v7 =	vld [tilespmem:s0+$0x10D00]  }
0xf6: {  	v5 =	vadd.s32 v8, v5;
	v8 =	vld [tilespmem:s0+$0x10E00]  }
0xf7: {  	v5 =	vadd.s32 v9, v5;
	v9 =	vld [tilespmem:s0+$0x10F00]  }
0xf8: {  	v5 =	vadd.s32 v10, v5;
	v10 =	vld [tilespmem:s25+$0xFFFFF800]  }
0xf9: {  	v5 =	vadd.s32 v6, v5;
	v6 =	vld [tilespmem:s25+$0xFFFFF900]  }
0xfa: {  	v5 =	vadd.s32 v7, v5;
	v7 =	vld [tilespmem:s25+$0xFFFFFA00]  }
0xfb: {  	v5 =	vadd.s32 v8, v5;
	v8 =	vld [tilespmem:s25+$0xFFFFFB00]  }
0xfc: {  	s21 =	sadd.s32 $0x20, s21;
	v5 =	vadd.s32 v9, v5;
	v9 =	vld [tilespmem:s25+$0xFFFFFC00]  }
0xfd: {  	[tilespmem:s21+$0xFFFFFFF0] =	vst v5;
	v5 =	vld [tilespmem:s25+$0xFFFFFD00]  }
0xfe: {  	v6 =	vadd.s32 v10, v6;
	v10 =	vld [tilespmem:s25+$0xFFFFFE00]  }
0xff: {  	v6 =	vadd.s32 v7, v6;
	v7 =	vld [tilespmem:s25+$0xFFFFFF00]  }
0x100: {  	v6 =	vadd.s32 v8, v6;
	v8 =	vld [tilespmem:s25+$0x0]  }
0x101: {  	v6 =	vadd.s32 v9, v6;
	v9 =	vld [tilespmem:s25+$0x100]  }
0x102: {  	v5 =	vadd.s32 v5, v6;
	v11 =	vld [tilespmem:s25+$0x200]  }
.Ltmp3:
0x103: {  	v6 =	vadd.s32 v10, v5;
	v5 =	vld [tilespmem:s25+$0x300];
	(pc) =	sbr.rel @p1 .LBB2_8-.Ltmp3, $4  }
0x104: {  	v7 =	vadd.s32 v7, v6;
	v6 =	vld [tilespmem:s25+$0x400]  }
0x105: {  	v8 =	vadd.s32 v8, v7;
	v7 =	vld [tilespmem:s25+$0x500]  }
0x106: {  	v9 =	vadd.s32 v9, v8;
	v8 =	vld [tilespmem:s25+$0x600]  }
0x107: {  	s26 =	sadd.s32 $0x20, s26;
	v10 =	vadd.s32 v11, v9;
	v9 =	vld [tilespmem:s25+$0x700];
	s25 =	sadd.s32 $0x20, s25  }
0x108: {  	v5 =	vadd.s32 v5, v10  }
0x109: {  	v5 =	vadd.s32 v6, v5  }
0x10a: {  	v5 =	vadd.s32 v7, v5  }
0x10b: {  	v5 =	vadd.s32 v8, v5  }
0x10c: {  	v5 =	vadd.s32 v9, v5  }
0x10d: {  	[tilespmem:s21+$0x0] =	vst v5  }
0x10e: {  	v5 =	vld [tilespmem:s23+$0x0];
	_ =	sdelay $0x4  }
0x10f: {  	(xrf0) =	vadd.scan.msk.s32 $0xffff, v5;
	_ =	sdelay $0x5  }
0x110: {  	v5, _, _ =	vpop (xrf0)  }
0x111: {  	s0 =	simm.s32 $0x11160;
	(v2sf) =	vpush v5, $0xF  }
0x112: {  	v5 =	vld [tilespmem:s0+$0x0]  }
0x113: {  	s24 =	simm.s32 $0x11150  }
0x114: {  	v6 =	vld [tilespmem:s24+$0x0];
	_ =	sdelay $0x2  }
0x115: {  	(xrf0) =	vadd.scan.msk.s32 $0xffff, v5;
	_ =	sdelay $0x1  }
0x116: {  	(xrf0) =	vadd.scan.msk.s32 $0xffff, v6;
	_ =	sdelay $0x2  }
0x117: {  	s25 =	simm.s32 $0x11140  }
0x118: {  	v7 =	vld [tilespmem:s25+$0x0];
	v6, _, _ =	vpop (xrf0)  }
0x119: {  	(v2sf) =	vpush v6, $0xF  }
0x11a: {  	v6, _, _ =	vpop (xrf0)  }
0x11b: {  	s31 =	spop (v2sf);
	(v2sf) =	vpush v6, $0xF;
	_ =	sdelay $0x1  }
0x11c: {  	s26 =	simm.s32 $0x11130;
	(xrf0) =	vadd.scan.msk.s32 $0xffff, v7  }
0x11d: {  	v5 =	vld [tilespmem:s26+$0x0];
	_ =	sdelay $0x1  }
0x11e: {  	s30 =	simm.s32 $0xA;
	p2 =	por $0x1, $0x1;
	s28 =	simm.s32 $0x0  }
0x11f: {  	s29 =	simm.s32 $0x0;
	s21 =	simm.s32 $0x0;
	s25 =	simm.s32 $0xD  }
0x120: {  	s23 =	simm.s32 $0xC;
	s24 =	simm.s32 $0xB;
	s4 =	sadd.s32 $0x0, s31  }
0x121: {  	s0 =	simm.s32 $0x11120;
	s26 =	simm.s32 $0xE;
	(xrf0) =	vadd.scan.msk.s32 $0xffff, v5;
	v5, _, _ =	vpop (xrf0);
	p3 =	sgt.s32 s4, $0x28F4  }
.LBB2_10:
0x122: {  	p1 =	sne.s32 s30, $0x0;
	p3 =	por !p2, !p3;
	s1 =	smov.u32 s24  }
0x123: {  	v6 =	vld [tilespmem:s0+$0x0];
	(v2sf) =	vpush v5, $0xF;
	s24 =	smov.u32 s30;
	s30 =	sadd.s32 $0xFFFFFFFF, s30;
	s31 =	smov.u32 s20  }
.Ltmp4:
0x124: {  	s20 =	smov.u32 @p2 s4;
	p3 =	por !p3, !p3;
	(pc) =	sbr.rel @p1 .LBB2_10-.Ltmp4, $4  }
0x125: {  	s28 =	smov.u32 @p3 s22;
	s29 =	simm.s32 @p3 $0x1;
	s22 =	smov.u32 s26  }
0x126: {  	s21 =	smov.u32 @p3 s31;
	s26 =	smov.u32 s25;
	s4 =	spop (v2sf)  }
0x127: {  	s25 =	smov.u32 s23;
	s23 =	smov.u32 s1;
	s4 =	sadd.s32 s20, s4  }
0x128: {  	s0 =	sadd.s32 $0xFFFFFFF0, s0;
	p2 =	seq.s32 s29, $0x0;
	(xrf0) =	vadd.scan.msk.s32 $0xffff, v6;
	v5, _, _ =	vpop (xrf0);
	p3 =	sgt.s32 s4, $0x28F4  }
0x129: {  	_ = 	snop  }
0x12a: {  	(v2sf) =	vpush v5, $0xF;
	_ =	sdelay $0x2  }
0x12b: {  	p1 =	por !p2, !p3  }
0x12c: {  	p1 =	por !p1, !p1;
	v5, _, _ =	vpop (xrf0)  }
0x12d: {  	s0 =	spop (v2sf);
	s21 =	smov.u32 @p1 s20;
	s20 =	smov.u32 @p2 s4;
	(v2sf) =	vpush v5, $0xF  }
0x12e: {  	s29 =	simm.s32 @p1 $0x1;
	s0 =	sadd.s32 s20, s0  }
0x12f: {  	p3 =	seq.s32 s29, $0x0;
	p5 =	sgt.s32 s0, $0x28F4  }
0x130: {  	p2 =	por !p3, !p5  }
0x131: {  	p2 =	por !p2, !p2  }
0x132: {  	s21 =	smov.u32 @p2 s20;
	s20 =	smov.u32 @p3 s0;
	s4 =	spop (v2sf)  }
0x133: {  	s29 =	simm.s32 @p2 $0x1;
	s0 =	sadd.s32 s20, s4  }
0x134: {  	p4 =	seq.s32 s29, $0x0;
	p6 =	sgt.s32 s0, $0x28F4  }
0x135: {  	p3 =	por !p4, !p6  }
0x136: {  	p3 =	por !p3, !p3  }
0x137: {  	s21 =	smov.u32 @p3 s20;
	s20 =	smov.u32 @p4 s0;
	s5 =	spop (v2sf)  }
0x138: {  	s29 =	simm.s32 @p3 $0x1;
	s0 =	sadd.s32 s20, s5  }
0x139: {  	p4 =	seq.s32 s29, $0x0;
	p5 =	sgt.s32 s0, $0x28F4  }
0x13a: {  	p5 =	por !p4, !p5  }
0x13b: {  	p5 =	por !p5, !p5  }
0x13c: {  	s21 =	smov.u32 @p5 s20;
	s20 =	smov.u32 @p4 s0;
	s13 =	spop (v2sf)  }
0x13d: {  	s28 =	smov.u32 @p1 s22;
	s29 =	simm.s32 @p5 $0x1;
	s0 =	sadd.s32 s20, s13  }
0x13e: {  	s28 =	smov.u32 @p2 s26;
	p4 =	seq.s32 s29, $0x0;
	p6 =	sgt.s32 s0, $0x28F4  }
0x13f: {  	s28 =	smov.u32 @p3 s25;
	p1 =	por !p4, !p6  }
0x140: {  	s28 =	smov.u32 @p5 s23;
	p1 =	por !p1, !p1  }
0x141: {  	s28 =	smov.u32 @p1 s24  }
0x142: {  	s30 =	sshll.u32 s28, $0x4  }
0x143: {  	v5 =	vld [tilespmem:s30+$0x11080];
	_ =	sdelay $0x4  }
0x144: {  	(xrf0) =	vadd.scan.msk.s32 $0xffff, v5;
	_ =	sdelay $0x5  }
0x145: {  	v6, _, _ =	vpop (xrf0)  }
0x146: {  	v7 =	vbroadcast v6, $0xF;
	_ =	sdelay $0x1  }
0x147: {  	v6 =	vsub.s32 v7, v6  }
0x148: {  	s21 =	smov.u32 @p1 s20;
	v6 =	vadd.s32 v5, v6  }
0x149: {  	v7 =	vadd.s32 s21, v6  }
0x14a: {  	vm0 =	vgt.s32 v7, $0x28F4  }
0x14b: {  	v7 =	vnsel vm0, $0x7FFFFFFF, v4  }
0x14c: {  	(xrf0) =	vmax.scan.msk.u32 $0xffff, v7;
	_ =	sdelay $0x5  }
0x14d: {  	v7, _, _ =	vpop (xrf0)  }
0x14e: {  	(v2sf) =	vpush v7, $0xF;
	_ =	sdelay $0xd  }
0x14f: {  	[tilespmem:s16], [sflag:$0x3] =	stream.linear.gather [spmem:s2], $0x1080, $0x38;
	[tilespmem:$0x11488] =	vst v63  }
0x150: {  	s1 =	spop (v2sf)  }
0x151: {  	_ =	swait.ge [sflag:s15], $0x1080  }
0x152: {  	[sflag:s15] =	ssyncset.done $0x0  }
0x153: {  	s31 =	simm.s32 $0x40;
	[sflag:s15] =	ssyncadd.s32 $0xFFFFEF80  }
0x154: {  	v8 =	vld [tilespmem:s31+$0x30]  }
0x155: {  	v9 =	vld [tilespmem:s31+$0xFFFFFFD0]  }
0x156: {  	v10 =	vld [tilespmem:s31+$0xFFFFFFE0]  }
0x157: {  	v11 =	vld [tilespmem:s31+$0xFFFFFFF0]  }
0x158: {  	s22 =	sxor.u32 $0x80000000, s1;
	v12 =	vld [tilespmem:s31+$0x0]  }
0x159: {  	s20 =	sadd.s32 s30, s22;
	v13 =	vld [tilespmem:s31+$0x10]  }
0x15a: {  	v7 =	vmov s20;
	v16 =	vld [tilespmem:s31+$0x20];
	v14 =	vshrl.u32 v8, $0x17  }
0x15b: {  	v17 =	vld [tilespmem:s31+$0xFFFFFFC0];
	v15 =	vshrl.u32 v9, $0x17;
	v8 =	vshrl.u32 v8, $0xF;
	v18 =	vshrl.u32 v10, $0x17  }
0x15c: {  	v20 =	vshrl.u32 v9, $0xF;
	v21 =	vshrl.u32 v11, $0x17;
	v23 =	vshrl.u32 v10, $0xF  }
0x15d: {  	v24 =	vshrl.u32 v11, $0xF;
	v25 =	vshrl.u32 v12, $0x17;
	v14 =	vand.u32 $0xFF, v14  }
0x15e: {  	v9 =	vshrl.u32 v12, $0xF;
	v8 =	vand.u32 $0xFF, v8;
	vm15 =	veq.s32 v14, v7  }
0x15f: {  	v12 =	vshrl.u32 v13, $0x17;
	v10 =	vshrl.u32 v16, $0xF;
	v22 =	vadd.s32 v2, v8  }
0x160: {  	v26 =	vshrl.u32 v16, $0x17;
	v16 =	vshrl.u32 v17, $0xF;
	v11 =	vand.u32 $0xFF, v15  }
0x161: {  	v15 =	vand.u32 $0xFF, v21;
	v21 =	vand.u32 $0xFF, v20;
	v20 =	vand.u32 $0xFF, v23  }
0x162: {  	v8 =	vshrl.u32 v13, $0xF;
	v13 =	vshrl.u32 v17, $0x17;
	v14 =	vand.u32 $0xFF, v18  }
0x163: {  	v17 =	vand.u32 $0xFF, v16;
	v16 =	vand.u32 $0xFF, v12;
	v12 =	vand.u32 $0xFF, v26  }
0x164: {  	s26 =	simm.s32 $0xC0;
	s24 =	simm.s32 $0x0;
	v18 =	vand.u32 $0xFF, v24;
	v19 =	vand.u32 $0xFF, v13;
	v13 =	vand.u32 $0xFF, v25;
	[tilespmem:v22+s16+$0x0] =	vst.idx.add.s32.msk vm15, v3  }
.LBB2_12:
0x165: {  	v22 =	vld [tilespmem:s26+$0x30];
	s24 =	sadd.s32 $0x80, s24;
	v9 =	vand.u32 $0xFF, v9;
	v8 =	vand.u32 $0xFF, v8;
	v10 =	vand.u32 $0xFF, v10  }
0x166: {  	vm6 =	veq.s32 v19, v7;
	vm5 =	veq.s32 v11, v7;
	vm4 =	veq.s32 v14, v7;
	v23 =	vld [tilespmem:s26+$0xFFFFFFD0];
	p1 =	slt.u32 s24, $0xFF80  }
0x167: {  	vm3 =	veq.s32 v15, v7;
	vm2 =	veq.s32 v13, v7;
	vm1 =	veq.s32 v16, v7;
	v11 =	vld [tilespmem:s26+$0xFFFFFFE0]  }
0x168: {  	v14 =	vadd.s32 v2, v17;
	v15 =	vadd.s32 v2, v21;
	vm0 =	veq.s32 v12, v7;
	v13 =	vld [tilespmem:s26+$0xFFFFFFF0]  }
0x169: {  	v16 =	vadd.s32 v2, v20;
	v17 =	vadd.s32 v2, v18;
	v18 =	vadd.s32 v2, v9;
	v12 =	vld [tilespmem:s26+$0x0]  }
0x16a: {  	v20 =	vadd.s32 v2, v8;
	v24 =	vadd.s32 v2, v10;
	v19 =	vld [tilespmem:s26+$0x10];
	v9 =	vshrl.u32 v22, $0x17  }
0x16b: {  	v8 =	vshrl.u32 v22, $0xF;
	v10 =	vshrl.u32 v23, $0x17;
	v21 =	vld [tilespmem:s26+$0x20];
	v9 =	vand.u32 $0xFF, v9  }
0x16c: {  	v8 =	vand.u32 $0xFF, v8;
	v22 =	vld [tilespmem:s26+$0xFFFFFFC0];
	v25 =	vshrl.u32 v11, $0x17;
	vm7 =	veq.s32 v9, v7  }
0x16d: {  	v23 =	vshrl.u32 v23, $0xF;
	v27 =	vadd.s32 v2, v8;
	v26 =	vshrl.u32 v13, $0x17;
	[tilespmem:v14+s16+$0x0] =	vst.idx.add.s32.msk vm6, v3  }
0x16e: {  	v28 =	vshrl.u32 v11, $0xF;
	v29 =	vshrl.u32 v13, $0xF;
	v13 =	vshrl.u32 v12, $0x17;
	[tilespmem:v15+s16+$0x0] =	vst.idx.add.s32.msk vm5, v3  }
0x16f: {  	v9 =	vshrl.u32 v12, $0xF;
	v8 =	vshrl.u32 v19, $0xF;
	v12 =	vshrl.u32 v19, $0x17;
	[tilespmem:v16+s16+$0x0] =	vst.idx.add.s32.msk vm4, v3  }
.Ltmp5:
0x170: {  	v11 =	vand.u32 $0xFF, v10;
	v10 =	vshrl.u32 v21, $0xF;
	v21 =	vshrl.u32 v21, $0x17;
	[tilespmem:v17+s16+$0x0] =	vst.idx.add.s32.msk vm3, v3;
	(pc) =	sbr.rel @p1 .LBB2_12-.Ltmp5, $4  }
0x171: {  	v14 =	vand.u32 $0xFF, v25;
	v16 =	vshrl.u32 v22, $0xF;
	v15 =	vshrl.u32 v22, $0x17;
	[tilespmem:v18+s16+$0x0] =	vst.idx.add.s32.msk vm2, v3  }
0x172: {  	s25 =	simm.s32 $0x10808;
	s23 =	simm.s32 $0x11090;
	v13 =	vand.u32 $0xFF, v13;
	v19 =	vand.u32 $0xFF, v15;
	v15 =	vand.u32 $0xFF, v26;
	[tilespmem:v27+s16+$0x0] =	vst.idx.add.s32.msk vm7, v3  }
0x173: {  	v17 =	vand.u32 $0xFF, v16;
	v16 =	vand.u32 $0xFF, v12;
	v12 =	vand.u32 $0xFF, v21;
	[tilespmem:v20+s16+$0x0] =	vst.idx.add.s32.msk vm1, v3  }
0x174: {  	s26 =	sadd.s32 $0x80, s26;
	v18 =	vand.u32 $0xFF, v29;
	v21 =	vand.u32 $0xFF, v23;
	v20 =	vand.u32 $0xFF, v28;
	[tilespmem:v24+s16+$0x0] =	vst.idx.add.s32.msk vm0, v3  }
0x175: {  	vm0 =	veq.s32 v19, v7  }
0x176: {  	vm1 =	veq.s32 v11, v7;
	v11 =	vadd.s32 v2, v17  }
0x177: {  	vm2 =	veq.s32 v14, v7;
	v14 =	vadd.s32 v2, v21  }
0x178: {  	vm3 =	veq.s32 v15, v7;
	v15 =	vadd.s32 v2, v20  }
0x179: {  	v9 =	vand.u32 $0xFF, v9;
	vm4 =	veq.s32 v13, v7;
	v13 =	vadd.s32 v2, v18  }
0x17a: {  	v8 =	vand.u32 $0xFF, v8;
	vm5 =	veq.s32 v16, v7;
	v9 =	vadd.s32 v2, v9  }
0x17b: {  	v10 =	vand.u32 $0xFF, v10;
	vm6 =	veq.s32 v12, v7;
	v7 =	vadd.s32 v2, v8;
	[tilespmem:v11+s16+$0x0] =	vst.idx.add.s32.msk vm0, v3  }
0x17c: {  	v8 =	vadd.s32 v2, v10;
	[tilespmem:v14+s16+$0x0] =	vst.idx.add.s32.msk vm1, v3  }
0x17d: {  	[tilespmem:v15+s16+$0x0] =	vst.idx.add.s32.msk vm2, v3  }
0x17e: {  	[tilespmem:v13+s16+$0x0] =	vst.idx.add.s32.msk vm3, v3  }
0x17f: {  	[tilespmem:v9+s16+$0x0] =	vst.idx.add.s32.msk vm4, v3  }
0x180: {  	[tilespmem:v7+s16+$0x0] =	vst.idx.add.s32.msk vm5, v3  }
0x181: {  	[tilespmem:v8+s16+$0x0] =	vst.idx.add.s32.msk vm6, v3  }
0x182: {  	v7 =	vld [tilespmem:s25+$0xFFFFF808]  }
0x183: {  	v8 =	vld [tilespmem:s25+$0xFFFFF909]  }
0x184: {  	v9 =	vld [tilespmem:s25+$0xFFFFFA0A]  }
0x185: {  	v10 =	vld [tilespmem:s25+$0xFFFFFB0B]  }
0x186: {  	v11 =	vld [tilespmem:s25+$0xFFFFFC0C]  }
0x187: {  	v12 =	vld [tilespmem:s25+$0xFFFFFD0D]  }
0x188: {  	v13 =	vld [tilespmem:s25+$0xFFFFFE0E]  }
0x189: {  	v14 =	vld [tilespmem:s25+$0xFFFFFF0F]  }
0x18a: {  	v15 =	vld [tilespmem:s25+$0x10]  }
0x18b: {  	v58 =	vld [tilespmem:s25+$0x111]  }
0x18c: {  	v59 =	vld [tilespmem:s25+$0x212]  }
0x18d: {  	v60 =	vld [tilespmem:s25+$0x313]  }
0x18e: {  	v61 =	vld [tilespmem:s25+$0x414]  }
0x18f: {  	v62 =	vld [tilespmem:s25+$0x515]  }
0x190: {  	v63 =	vld [tilespmem:s25+$0x616]  }
0x191: {  	v22 =	vld [tilespmem:s25+$0x717]  }
0x192: {  	v7 =	vadd.s32 v7, v8;
	v8 =	vld [tilespmem:s25+$0xFFFFF8F9]  }
0x193: {  	v7 =	vadd.s32 v9, v7;
	v9 =	vld [tilespmem:s25+$0xFFFFF7F8]  }
0x194: {  	v7 =	vadd.s32 v10, v7;
	v10 =	vld [tilespmem:s25+$0xFFFFF9FA]  }
0x195: {  	v7 =	vadd.s32 v11, v7;
	v11 =	vld [tilespmem:s25+$0xFFFFFAFB]  }
0x196: {  	v7 =	vadd.s32 v12, v7;
	v12 =	vld [tilespmem:s25+$0xFFFFFBFC]  }
0x197: {  	v7 =	vadd.s32 v13, v7;
	v13 =	vld [tilespmem:s25+$0xFFFFFCFD]  }
0x198: {  	v7 =	vadd.s32 v14, v7;
	v8 =	vadd.s32 v9, v8;
	v9 =	vld [tilespmem:s25+$0xFFFFFDFE]  }
0x199: {  	v7 =	vadd.s32 v15, v7;
	v8 =	vadd.s32 v10, v8;
	v10 =	vld [tilespmem:s25+$0xFFFFFEFF]  }
0x19a: {  	v7 =	vadd.s32 v58, v7;
	v8 =	vadd.s32 v11, v8;
	v11 =	vld [tilespmem:s25+$0x0]  }
0x19b: {  	v7 =	vadd.s32 v59, v7;
	v8 =	vadd.s32 v12, v8;
	v12 =	vld [tilespmem:s25+$0x101]  }
0x19c: {  	v7 =	vadd.s32 v60, v7;
	v8 =	vadd.s32 v13, v8;
	v13 =	vld [tilespmem:s25+$0x202]  }
0x19d: {  	v14 =	vadd.s32 v61, v7;
	v8 =	vadd.s32 v9, v8;
	v7 =	vld [tilespmem:s25+$0x303]  }
0x19e: {  	v9 =	vadd.s32 v62, v14;
	v10 =	vadd.s32 v10, v8;
	v8 =	vld [tilespmem:s25+$0x404]  }
0x19f: {  	v14 =	vadd.s32 v63, v9;
	v10 =	vadd.s32 v11, v10;
	v9 =	vld [tilespmem:s25+$0x505]  }
0x1a0: {  	v11 =	vadd.s32 v22, v14;
	v12 =	vadd.s32 v12, v10;
	v10 =	vld [tilespmem:s25+$0x606]  }
0x1a1: {  	s24 =	simm.s32 $0x0;
	[tilespmem:s23+$0x0] =	vst v11;
	v12 =	vadd.s32 v13, v12;
	v11 =	vld [tilespmem:s25+$0x707];
	s25 =	simm.s32 $0x10828  }
.LBB2_14:
0x1a2: {  	v13 =	vld [tilespmem:s25+$0xFFFFF808];
	v7 =	vadd.s32 v7, v12  }
0x1a3: {  	s24 =	sadd.s32 $0x2, s24;
	v12 =	vld [tilespmem:s25+$0xFFFFF909];
	v7 =	vadd.s32 v8, v7  }
0x1a4: {  	p1 =	slt.u32 s24, $0xE;
	v8 =	vld [tilespmem:s25+$0xFFFFFA0A];
	v7 =	vadd.s32 v9, v7  }
0x1a5: {  	v9 =	vld [tilespmem:s25+$0xFFFFFB0B];
	v7 =	vadd.s32 v10, v7  }
0x1a6: {  	v10 =	vld [tilespmem:s25+$0xFFFFFC0C];
	v7 =	vadd.s32 v11, v7  }
0x1a7: {  	v11 =	vld [tilespmem:s25+$0xFFFFFD0D];
	[tilespmem:s23+$0xFFFFFFF0] =	vst v7  }
0x1a8: {  	v7 =	vadd.s32 v13, v12;
	v12 =	vld [tilespmem:s25+$0xFFFFFE0E]  }
0x1a9: {  	v7 =	vadd.s32 v8, v7;
	v8 =	vld [tilespmem:s25+$0xFFFFFF0F]  }
0x1aa: {  	v7 =	vadd.s32 v9, v7;
	v9 =	vld [tilespmem:s25+$0x10]  }
0x1ab: {  	v7 =	vadd.s32 v10, v7;
	v10 =	vld [tilespmem:s25+$0x111]  }
0x1ac: {  	v7 =	vadd.s32 v11, v7;
	v11 =	vld [tilespmem:s25+$0x212]  }
0x1ad: {  	v7 =	vadd.s32 v12, v7;
	v12 =	vld [tilespmem:s25+$0x313]  }
0x1ae: {  	v7 =	vadd.s32 v8, v7;
	v8 =	vld [tilespmem:s25+$0x414]  }
0x1af: {  	v7 =	vadd.s32 v9, v7;
	v9 =	vld [tilespmem:s25+$0x515]  }
0x1b0: {  	v7 =	vadd.s32 v10, v7;
	v10 =	vld [tilespmem:s25+$0x616]  }
0x1b1: {  	v7 =	vadd.s32 v11, v7;
	v11 =	vld [tilespmem:s25+$0x717]  }
0x1b2: {  	v13 =	vld [tilespmem:s25+$0xFFFFF8F9];
	v7 =	vadd.s32 v12, v7  }
0x1b3: {  	v12 =	vld [tilespmem:s25+$0xFFFFF7F8];
	v7 =	vadd.s32 v8, v7  }
0x1b4: {  	v8 =	vld [tilespmem:s25+$0xFFFFF9FA];
	v7 =	vadd.s32 v9, v7  }
0x1b5: {  	v9 =	vld [tilespmem:s25+$0xFFFFFAFB];
	v7 =	vadd.s32 v10, v7  }
0x1b6: {  	s23 =	sadd.s32 $0x20, s23;
	v10 =	vld [tilespmem:s25+$0xFFFFFBFC];
	v7 =	vadd.s32 v11, v7  }
0x1b7: {  	v11 =	vld [tilespmem:s25+$0xFFFFFCFD];
	[tilespmem:s23+$0x0] =	vst v7  }
0x1b8: {  	v7 =	vadd.s32 v12, v13;
	v12 =	vld [tilespmem:s25+$0xFFFFFDFE]  }
0x1b9: {  	v7 =	vadd.s32 v8, v7;
	v8 =	vld [tilespmem:s25+$0xFFFFFEFF]  }
0x1ba: {  	v7 =	vadd.s32 v9, v7;
	v9 =	vld [tilespmem:s25+$0x0]  }
0x1bb: {  	v7 =	vadd.s32 v10, v7;
	v10 =	vld [tilespmem:s25+$0x101]  }
0x1bc: {  	v7 =	vadd.s32 v11, v7;
	v11 =	vld [tilespmem:s25+$0x202]  }
.Ltmp6:
0x1bd: {  	v12 =	vadd.s32 v12, v7;
	v7 =	vld [tilespmem:s25+$0x303];
	(pc) =	sbr.rel @p1 .LBB2_14-.Ltmp6, $4  }
0x1be: {  	v12 =	vadd.s32 v8, v12;
	v8 =	vld [tilespmem:s25+$0x404]  }
0x1bf: {  	v12 =	vadd.s32 v9, v12;
	v9 =	vld [tilespmem:s25+$0x505]  }
0x1c0: {  	v12 =	vadd.s32 v10, v12;
	v10 =	vld [tilespmem:s25+$0x606]  }
0x1c1: {  	v12 =	vadd.s32 v11, v12;
	v11 =	vld [tilespmem:s25+$0x707];
	s25 =	sadd.s32 $0x20, s25  }
0x1c2: {  	v7 =	vadd.s32 v7, v12  }
0x1c3: {  	v7 =	vadd.s32 v8, v7  }
0x1c4: {  	v7 =	vadd.s32 v9, v7  }
0x1c5: {  	v7 =	vadd.s32 v10, v7  }
0x1c6: {  	v7 =	vadd.s32 v11, v7  }
0x1c7: {  	[tilespmem:s23+$0xFFFFFFF0] =	vst v7  }
0x1c8: {  	[bflag:$0x0] =	sbarrier.arrive $0xFFFF  }
0x1c9: {  	[spmem:s9] =	stream.linear.scatter [tilespmem:s14], [sflag:$0x3], $0x100, $0x38;
	[tilespmem:$0x11488] =	vst v63  }
0x1ca: {  	_ =	swait.ge [sflag:s15], $0x100  }
0x1cb: {  	[sflag:s15] =	ssyncset.done $0x0  }
0x1cc: {  	[sflag:s15] =	ssyncadd.s32 $0xFFFFFF00  }
0x1cd: {  	[bflag:$0x0] =	sbarrier.arrive $0xFFFF  }
0x1ce: {  	[tilespmem:s16], [sflag:$0x3] =	stream.linear.gather [spmem:s3], $0x1000, $0x38;
	[tilespmem:$0x11488] =	vst v63  }
0x1cf: {  	_ =	swait.ge [sflag:s15], $0x1000  }
0x1d0: {  	[sflag:s15] =	ssyncset.done $0x0  }
0x1d1: {  	s0 =	simm.s32 $0x10810;
	s1 =	simm.s32 $0x0;
	[sflag:s15] =	ssyncadd.s32 $0xFFFFF000  }
0x1d2: {  	s1 =	sand.u32 $0xE0, s1;
	v7 =	vld [tilespmem:s0+$0xFFFFF7F0]  }
0x1d3: {  	v8 =	vld [tilespmem:s1+$0x10100]  }
0x1d4: {  	v9 =	vld [tilespmem:s1+$0x10200]  }
0x1d5: {  	v10 =	vld [tilespmem:s1+$0x10300]  }
0x1d6: {  	v11 =	vld [tilespmem:s1+$0x10400]  }
0x1d7: {  	v12 =	vld [tilespmem:s1+$0x10500]  }
0x1d8: {  	v13 =	vld [tilespmem:s1+$0x10600]  }
0x1d9: {  	v14 =	vld [tilespmem:s1+$0x10700]  }
0x1da: {  	v15 =	vld [tilespmem:s1+$0x10800]  }
0x1db: {  	v16 =	vld [tilespmem:s1+$0x10900]  }
0x1dc: {  	v17 =	vld [tilespmem:s1+$0x10A00]  }
0x1dd: {  	v18 =	vld [tilespmem:s1+$0x10B00]  }
0x1de: {  	v19 =	vld [tilespmem:s1+$0x10C00]  }
0x1df: {  	v20 =	vld [tilespmem:s1+$0x10D00]  }
0x1e0: {  	v21 =	vld [tilespmem:s1+$0x10E00]  }
0x1e1: {  	v22 =	vld [tilespmem:s1+$0x10F00]  }
0x1e2: {  	v7 =	vadd.s32 v7, v8;
	v8 =	vld [tilespmem:s0+$0xFFFFF800]  }
0x1e3: {  	v7 =	vadd.s32 v9, v7;
	v9 =	vld [tilespmem:s0+$0xFFFFF900]  }
0x1e4: {  	v7 =	vadd.s32 v10, v7;
	v10 =	vld [tilespmem:s0+$0xFFFFFA00]  }
0x1e5: {  	v7 =	vadd.s32 v11, v7;
	v11 =	vld [tilespmem:s0+$0xFFFFFB00]  }
0x1e6: {  	v7 =	vadd.s32 v12, v7;
	v12 =	vld [tilespmem:s0+$0xFFFFFC00]  }
0x1e7: {  	v7 =	vadd.s32 v13, v7;
	v13 =	vld [tilespmem:s0+$0xFFFFFD00]  }
0x1e8: {  	v7 =	vadd.s32 v14, v7;
	v8 =	vadd.s32 v8, v9;
	v9 =	vld [tilespmem:s0+$0xFFFFFE00]  }
0x1e9: {  	v7 =	vadd.s32 v15, v7;
	v8 =	vadd.s32 v10, v8;
	v10 =	vld [tilespmem:s0+$0xFFFFFF00]  }
0x1ea: {  	v7 =	vadd.s32 v16, v7;
	v8 =	vadd.s32 v11, v8;
	v11 =	vld [tilespmem:s0+$0x0]  }
0x1eb: {  	v7 =	vadd.s32 v17, v7;
	v8 =	vadd.s32 v12, v8;
	v12 =	vld [tilespmem:s0+$0x100]  }
0x1ec: {  	v7 =	vadd.s32 v18, v7;
	v8 =	vadd.s32 v13, v8;
	v13 =	vld [tilespmem:s0+$0x200]  }
0x1ed: {  	v14 =	vadd.s32 v19, v7;
	v8 =	vadd.s32 v9, v8;
	v7 =	vld [tilespmem:s0+$0x300]  }
0x1ee: {  	v9 =	vadd.s32 v20, v14;
	v10 =	vadd.s32 v10, v8;
	v8 =	vld [tilespmem:s0+$0x400]  }
0x1ef: {  	v14 =	vadd.s32 v21, v9;
	v10 =	vadd.s32 v11, v10;
	v9 =	vld [tilespmem:s0+$0x500]  }
0x1f0: {  	s23 =	simm.s32 $0x11090;
	v11 =	vadd.s32 v22, v14;
	v12 =	vadd.s32 v12, v10;
	v10 =	vld [tilespmem:s0+$0x600]  }
0x1f1: {  	s24 =	simm.s32 $0x0;
	s25 =	simm.s32 $0x10830;
	s26 =	simm.s32 $0x20;
	[tilespmem:s23+$0xFFFFFFF0] =	vst v11;
	v12 =	vadd.s32 v13, v12;
	v11 =	vld [tilespmem:s0+$0x700]  }
.LBB2_16:
0x1f2: {  	v13 =	vld [tilespmem:s25+$0xFFFFF7F0];
	s0 =	sand.u32 $0xE0, s26;
	s24 =	sadd.s32 $0x2, s24;
	v7 =	vadd.s32 v7, v12  }
0x1f3: {  	v12 =	vld [tilespmem:s0+$0x10100];
	p1 =	slt.u32 s24, $0xE;
	v7 =	vadd.s32 v8, v7  }
0x1f4: {  	v8 =	vld [tilespmem:s0+$0x10200];
	v7 =	vadd.s32 v9, v7  }
0x1f5: {  	v9 =	vld [tilespmem:s0+$0x10300];
	v7 =	vadd.s32 v10, v7  }
0x1f6: {  	v10 =	vld [tilespmem:s0+$0x10400];
	v7 =	vadd.s32 v11, v7  }
0x1f7: {  	v11 =	vld [tilespmem:s0+$0x10500];
	[tilespmem:s23+$0x0] =	vst v7  }
0x1f8: {  	v7 =	vadd.s32 v13, v12;
	v12 =	vld [tilespmem:s0+$0x10600]  }
0x1f9: {  	v7 =	vadd.s32 v8, v7;
	v8 =	vld [tilespmem:s0+$0x10700]  }
0x1fa: {  	v7 =	vadd.s32 v9, v7;
	v9 =	vld [tilespmem:s0+$0x10800]  }
0x1fb: {  	v7 =	vadd.s32 v10, v7;
	v10 =	vld [tilespmem:s0+$0x10900]  }
0x1fc: {  	v7 =	vadd.s32 v11, v7;
	v11 =	vld [tilespmem:s0+$0x10A00]  }
0x1fd: {  	v7 =	vadd.s32 v12, v7;
	v12 =	vld [tilespmem:s0+$0x10B00]  }
0x1fe: {  	v7 =	vadd.s32 v8, v7;
	v8 =	vld [tilespmem:s0+$0x10C00]  }
0x1ff: {  	v7 =	vadd.s32 v9, v7;
	v9 =	vld [tilespmem:s0+$0x10D00]  }
0x200: {  	v7 =	vadd.s32 v10, v7;
	v10 =	vld [tilespmem:s0+$0x10E00]  }
0x201: {  	v7 =	vadd.s32 v11, v7;
	v11 =	vld [tilespmem:s0+$0x10F00]  }
0x202: {  	v7 =	vadd.s32 v12, v7;
	v12 =	vld [tilespmem:s25+$0xFFFFF800]  }
0x203: {  	v7 =	vadd.s32 v8, v7;
	v8 =	vld [tilespmem:s25+$0xFFFFF900]  }
0x204: {  	v7 =	vadd.s32 v9, v7;
	v9 =	vld [tilespmem:s25+$0xFFFFFA00]  }
0x205: {  	v7 =	vadd.s32 v10, v7;
	v10 =	vld [tilespmem:s25+$0xFFFFFB00]  }
0x206: {  	s23 =	sadd.s32 $0x20, s23;
	v7 =	vadd.s32 v11, v7;
	v11 =	vld [tilespmem:s25+$0xFFFFFC00]  }
0x207: {  	[tilespmem:s23+$0xFFFFFFF0] =	vst v7;
	v7 =	vld [tilespmem:s25+$0xFFFFFD00]  }
0x208: {  	v8 =	vadd.s32 v12, v8;
	v12 =	vld [tilespmem:s25+$0xFFFFFE00]  }
0x209: {  	v8 =	vadd.s32 v9, v8;
	v9 =	vld [tilespmem:s25+$0xFFFFFF00]  }
0x20a: {  	v8 =	vadd.s32 v10, v8;
	v10 =	vld [tilespmem:s25+$0x0]  }
0x20b: {  	v8 =	vadd.s32 v11, v8;
	v11 =	vld [tilespmem:s25+$0x100]  }
0x20c: {  	v7 =	vadd.s32 v7, v8;
	v13 =	vld [tilespmem:s25+$0x200]  }
.Ltmp7:
0x20d: {  	v8 =	vadd.s32 v12, v7;
	v7 =	vld [tilespmem:s25+$0x300];
	(pc) =	sbr.rel @p1 .LBB2_16-.Ltmp7, $4  }
0x20e: {  	v9 =	vadd.s32 v9, v8;
	v8 =	vld [tilespmem:s25+$0x400]  }
0x20f: {  	v10 =	vadd.s32 v10, v9;
	v9 =	vld [tilespmem:s25+$0x500]  }
0x210: {  	v11 =	vadd.s32 v11, v10;
	v10 =	vld [tilespmem:s25+$0x600]  }
0x211: {  	s26 =	sadd.s32 $0x20, s26;
	v12 =	vadd.s32 v13, v11;
	v11 =	vld [tilespmem:s25+$0x700];
	s25 =	sadd.s32 $0x20, s25  }
0x212: {  	v7 =	vadd.s32 v7, v12  }
0x213: {  	v7 =	vadd.s32 v8, v7  }
0x214: {  	v7 =	vadd.s32 v9, v7  }
0x215: {  	v63 =	vmov s22;
	v7 =	vadd.s32 v10, v7  }
0x216: {  	vm0 =	veq.s32 v63, v1;
	v7 =	vadd.s32 v11, v7  }
0x217: {  	s0 =	simm.s32 $0x11170;
	v6 =	vnsel vm0, $0x0, v6;
	[tilespmem:s23+$0x0] =	vst v7  }
0x218: {  	(xrf0) =	vadd.scan.msk.s32 $0xffff, v6;
	v6 =	vld [tilespmem:s0+$0x0]  }
0x219: {  	v5 =	vnsel vm0, $0x0, v5  }
0x21a: {  	(xrf0) =	vadd.scan.msk.s32 $0xffff, v5;
	_ =	sdelay $0x2  }
0x21b: {  	(xrf0) =	vadd.scan.msk.s32 $0xffff, v6;
	_ =	sdelay $0x1  }
0x21c: {  	v5, _, _ =	vpop (xrf0)  }
0x21d: {  	(v2sf) =	vpush v5, $0xF;
	v5, _, _ =	vpop (xrf0)  }
0x21e: {  	(v2sf) =	vpush v5, $0xF;
	_ =	sdelay $0x1  }
0x21f: {  	s26 =	simm.s32 $0x11160;
	v5, _, _ =	vpop (xrf0)  }
0x220: {  	(v2sf) =	vpush v5, $0xF;
	v5 =	vld [tilespmem:s26+$0x0]  }
0x221: {  	s1 =	simm.s32 $0x11150  }
0x222: {  	v6 =	vld [tilespmem:s1+$0x0];
	_ =	sdelay $0x2  }
0x223: {  	(xrf0) =	vadd.scan.msk.s32 $0xffff, v5;
	_ =	sdelay $0x1  }
0x224: {  	(xrf0) =	vadd.scan.msk.s32 $0xffff, v6;
	_ =	sdelay $0x2  }
0x225: {  	s4 =	simm.s32 $0x11140  }
0x226: {  	v7 =	vld [tilespmem:s4+$0x0];
	s5 =	spop (v2sf);
	v6, _, _ =	vpop (xrf0)  }
0x227: {  	s1 =	spop (v2sf);
	(v2sf) =	vpush v6, $0xF  }
0x228: {  	v6, _, _ =	vpop (xrf0)  }
0x229: {  	(v2sf) =	vpush v6, $0xF;
	_ =	sdelay $0x1  }
0x22a: {  	s13 =	simm.s32 $0x11130;
	(xrf0) =	vadd.scan.msk.s32 $0xffff, v7  }
0x22b: {  	s28 =	simm.s32 $0xF;
	s29 =	simm.s32 $0xE;
	s24 =	simm.s32 $0xC;
	v5 =	vld [tilespmem:s13+$0x0]  }
0x22c: {  	s25 =	simm.s32 $0xB;
	p2 =	por $0x1, $0x1;
	s30 =	simm.s32 $0x0  }
0x22d: {  	s31 =	simm.s32 $0x0;
	s23 =	simm.s32 $0x0;
	s0 =	sadd.s32 s5, s21  }
0x22e: {  	s4 =	simm.s32 $0x11120;
	s0 =	ssub.s32 s1, s0;
	s22 =	spop (v2sf)  }
0x22f: {  	s26 =	simm.s32 $0xD;
	s21 =	sadd.s32 $0x28F5, s0;
	s1 =	sadd.s32 $0x0, s22  }
0x230: {  	s0 =	simm.s32 $0xA;
	(xrf0) =	vadd.scan.msk.s32 $0xffff, v5;
	v5, _, _ =	vpop (xrf0);
	s22 =	simm.s32 $0x0;
	p3 =	sge.s32 s1, s21  }
.LBB2_18:
0x231: {  	p1 =	sne.s32 s0, $0x0;
	p3 =	por !p2, !p3;
	s13 =	smov.u32 s25  }
0x232: {  	v6 =	vld [tilespmem:s4+$0x0];
	(v2sf) =	vpush v5, $0xF;
	s25 =	smov.u32 s0;
	s0 =	sadd.s32 $0xFFFFFFFF, s0;
	s5 =	smov.u32 s23  }
.Ltmp8:
0x233: {  	s23 =	smov.u32 @p2 s1;
	p3 =	por !p3, !p3;
	(pc) =	sbr.rel @p1 .LBB2_18-.Ltmp8, $4  }
0x234: {  	s30 =	smov.u32 @p3 s28;
	s31 =	simm.s32 @p3 $0x1;
	s28 =	smov.u32 s29  }
0x235: {  	s22 =	smov.u32 @p3 s5;
	s29 =	smov.u32 s26;
	s1 =	spop (v2sf)  }
0x236: {  	s26 =	smov.u32 s24;
	s24 =	smov.u32 s13;
	s1 =	sadd.s32 s23, s1  }
0x237: {  	s4 =	sadd.s32 $0xFFFFFFF0, s4;
	p2 =	seq.s32 s31, $0x0;
	(xrf0) =	vadd.scan.msk.s32 $0xffff, v6;
	v5, _, _ =	vpop (xrf0);
	p3 =	sge.s32 s1, s21  }
0x238: {  	_ = 	snop  }
0x239: {  	(v2sf) =	vpush v5, $0xF;
	_ =	sdelay $0x2  }
0x23a: {  	p1 =	por !p2, !p3  }
0x23b: {  	p1 =	por !p1, !p1;
	v5, _, _ =	vpop (xrf0)  }
0x23c: {  	s0 =	spop (v2sf);
	s22 =	smov.u32 @p1 s23;
	s23 =	smov.u32 @p2 s1;
	(v2sf) =	vpush v5, $0xF  }
0x23d: {  	s31 =	simm.s32 @p1 $0x1;
	s0 =	sadd.s32 s23, s0  }
0x23e: {  	p3 =	seq.s32 s31, $0x0;
	p5 =	sge.s32 s0, s21  }
0x23f: {  	p2 =	por !p3, !p5  }
0x240: {  	p2 =	por !p2, !p2  }
0x241: {  	s22 =	smov.u32 @p2 s23;
	s23 =	smov.u32 @p3 s0;
	s4 =	spop (v2sf)  }
0x242: {  	s31 =	simm.s32 @p2 $0x1;
	s0 =	sadd.s32 s23, s4  }
0x243: {  	p4 =	seq.s32 s31, $0x0;
	p6 =	sge.s32 s0, s21  }
0x244: {  	p3 =	por !p4, !p6  }
0x245: {  	p3 =	por !p3, !p3  }
0x246: {  	s22 =	smov.u32 @p3 s23;
	s23 =	smov.u32 @p4 s0;
	s5 =	spop (v2sf)  }
0x247: {  	s31 =	simm.s32 @p3 $0x1;
	s0 =	sadd.s32 s23, s5  }
0x248: {  	p4 =	seq.s32 s31, $0x0;
	p5 =	sge.s32 s0, s21  }
0x249: {  	p5 =	por !p4, !p5  }
0x24a: {  	p5 =	por !p5, !p5  }
0x24b: {  	s22 =	smov.u32 @p5 s23;
	s23 =	smov.u32 @p4 s0;
	s13 =	spop (v2sf)  }
0x24c: {  	s30 =	smov.u32 @p1 s28;
	s31 =	simm.s32 @p5 $0x1;
	s0 =	sadd.s32 s23, s13  }
0x24d: {  	s30 =	smov.u32 @p2 s29;
	p4 =	seq.s32 s31, $0x0;
	p6 =	sge.s32 s0, s21  }
0x24e: {  	s30 =	smov.u32 @p3 s26;
	p1 =	por !p4, !p6  }
0x24f: {  	s30 =	smov.u32 @p5 s24;
	p1 =	por !p1, !p1  }
0x250: {  	s30 =	smov.u32 @p1 s25  }
0x251: {  	s29 =	sshll.u32 s30, $0x4  }
0x252: {  	v5 =	vld [tilespmem:s29+$0x11080];
	_ =	sdelay $0x4  }
0x253: {  	(xrf0) =	vadd.scan.msk.s32 $0xffff, v5;
	_ =	sdelay $0x5  }
0x254: {  	v6, _, _ =	vpop (xrf0)  }
0x255: {  	v7 =	vbroadcast v6, $0xF;
	_ =	sdelay $0x1  }
0x256: {  	v6 =	vsub.s32 v7, v6  }
0x257: {  	s22 =	smov.u32 @p1 s23;
	v6 =	vadd.s32 v5, v6  }
0x258: {  	v7 =	vadd.s32 s22, v6  }
0x259: {  	vm0 =	vlt.s32 v7, s21  }
0x25a: {  	v7 =	vsel vm0, $0x7FFFFFFF, v4  }
0x25b: {  	(xrf0) =	vmax.scan.msk.u32 $0xffff, v7;
	_ =	sdelay $0x5  }
0x25c: {  	v7, _, _ =	vpop (xrf0)  }
0x25d: {  	(v2sf) =	vpush v7, $0xF;
	_ =	sdelay $0xd  }
0x25e: {  	[tilespmem:s16], [sflag:$0x3] =	stream.linear.gather [spmem:s2], $0x1080, $0x38;
	[tilespmem:$0x11488] =	vst v63  }
0x25f: {  	s30 =	spop (v2sf)  }
0x260: {  	_ =	swait.ge [sflag:s15], $0x1080  }
0x261: {  	[sflag:s15] =	ssyncset.done $0x0  }
0x262: {  	s4 =	simm.s32 $0x40;
	[sflag:s15] =	ssyncadd.s32 $0xFFFFEF80  }
0x263: {  	v8 =	vld [tilespmem:s4+$0x30]  }
0x264: {  	v9 =	vld [tilespmem:s4+$0xFFFFFFD0]  }
0x265: {  	v10 =	vld [tilespmem:s4+$0xFFFFFFE0]  }
0x266: {  	s23 =	sxor.u32 $0x80000000, s30;
	v11 =	vld [tilespmem:s4+$0xFFFFFFF0]  }
0x267: {  	s31 =	sshll.u32 s20, $0x8;
	s0 =	sadd.s32 s29, s23;
	v12 =	vld [tilespmem:s4+$0x0]  }
0x268: {  	s20 =	sor.u32 s31, s0;
	v13 =	vld [tilespmem:s4+$0x10]  }
0x269: {  	v7 =	vmov s20;
	v16 =	vld [tilespmem:s4+$0x20];
	v14 =	vshrl.u32 v8, $0xF  }
0x26a: {  	v17 =	vld [tilespmem:s4+$0xFFFFFFC0];
	v15 =	vshrl.u32 v9, $0xF;
	v8 =	vshrl.u32 v8, $0x7;
	v18 =	vshrl.u32 v10, $0xF  }
0x26b: {  	v20 =	vshrl.u32 v9, $0x7;
	v21 =	vshrl.u32 v11, $0xF;
	v23 =	vshrl.u32 v10, $0x7  }
0x26c: {  	v24 =	vshrl.u32 v11, $0x7;
	v25 =	vshrl.u32 v12, $0xF;
	v14 =	vand.u32 $0xFFFF, v14  }
0x26d: {  	v9 =	vshrl.u32 v12, $0x7;
	v8 =	vand.u32 $0xFF, v8;
	vm15 =	veq.s32 v14, v7  }
0x26e: {  	v12 =	vshrl.u32 v13, $0xF;
	v10 =	vshrl.u32 v16, $0x7;
	v22 =	vadd.s32 v2, v8  }
0x26f: {  	v26 =	vshrl.u32 v16, $0xF;
	v16 =	vshrl.u32 v17, $0x7;
	v11 =	vand.u32 $0xFFFF, v15  }
0x270: {  	v15 =	vand.u32 $0xFFFF, v21;
	v21 =	vand.u32 $0xFF, v20;
	v20 =	vand.u32 $0xFF, v23  }
0x271: {  	v8 =	vshrl.u32 v13, $0x7;
	v13 =	vshrl.u32 v17, $0xF;
	v14 =	vand.u32 $0xFFFF, v18  }
0x272: {  	v17 =	vand.u32 $0xFF, v16;
	v16 =	vand.u32 $0xFFFF, v12;
	v12 =	vand.u32 $0xFFFF, v26  }
0x273: {  	s28 =	simm.s32 $0xC0;
	s25 =	simm.s32 $0x0;
	v18 =	vand.u32 $0xFF, v24;
	v19 =	vand.u32 $0xFFFF, v13;
	v13 =	vand.u32 $0xFFFF, v25;
	[tilespmem:v22+s16+$0x0] =	vst.idx.add.s32.msk vm15, v3  }
.LBB2_20:
0x274: {  	v22 =	vld [tilespmem:s28+$0x30];
	s25 =	sadd.s32 $0x80, s25;
	v9 =	vand.u32 $0xFF, v9;
	v8 =	vand.u32 $0xFF, v8;
	v10 =	vand.u32 $0xFF, v10  }
0x275: {  	vm6 =	veq.s32 v19, v7;
	vm5 =	veq.s32 v11, v7;
	vm4 =	veq.s32 v14, v7;
	v23 =	vld [tilespmem:s28+$0xFFFFFFD0];
	p1 =	slt.u32 s25, $0xFF80  }
0x276: {  	vm3 =	veq.s32 v15, v7;
	vm2 =	veq.s32 v13, v7;
	vm1 =	veq.s32 v16, v7;
	v11 =	vld [tilespmem:s28+$0xFFFFFFE0]  }
0x277: {  	v14 =	vadd.s32 v2, v17;
	v15 =	vadd.s32 v2, v21;
	vm0 =	veq.s32 v12, v7;
	v13 =	vld [tilespmem:s28+$0xFFFFFFF0]  }
0x278: {  	v16 =	vadd.s32 v2, v20;
	v17 =	vadd.s32 v2, v18;
	v18 =	vadd.s32 v2, v9;
	v12 =	vld [tilespmem:s28+$0x0]  }
0x279: {  	v20 =	vadd.s32 v2, v8;
	v24 =	vadd.s32 v2, v10;
	v19 =	vld [tilespmem:s28+$0x10];
	v9 =	vshrl.u32 v22, $0xF  }
0x27a: {  	v8 =	vshrl.u32 v22, $0x7;
	v10 =	vshrl.u32 v23, $0xF;
	v21 =	vld [tilespmem:s28+$0x20];
	v9 =	vand.u32 $0xFFFF, v9  }
0x27b: {  	v8 =	vand.u32 $0xFF, v8;
	v22 =	vld [tilespmem:s28+$0xFFFFFFC0];
	v25 =	vshrl.u32 v11, $0xF;
	vm7 =	veq.s32 v9, v7  }
0x27c: {  	v23 =	vshrl.u32 v23, $0x7;
	v27 =	vadd.s32 v2, v8;
	v26 =	vshrl.u32 v13, $0xF;
	[tilespmem:v14+s16+$0x0] =	vst.idx.add.s32.msk vm6, v3  }
0x27d: {  	v28 =	vshrl.u32 v11, $0x7;
	v29 =	vshrl.u32 v13, $0x7;
	v13 =	vshrl.u32 v12, $0xF;
	[tilespmem:v15+s16+$0x0] =	vst.idx.add.s32.msk vm5, v3  }
0x27e: {  	v9 =	vshrl.u32 v12, $0x7;
	v8 =	vshrl.u32 v19, $0x7;
	v12 =	vshrl.u32 v19, $0xF;
	[tilespmem:v16+s16+$0x0] =	vst.idx.add.s32.msk vm4, v3  }
.Ltmp9:
0x27f: {  	v11 =	vand.u32 $0xFFFF, v10;
	v10 =	vshrl.u32 v21, $0x7;
	v21 =	vshrl.u32 v21, $0xF;
	[tilespmem:v17+s16+$0x0] =	vst.idx.add.s32.msk vm3, v3;
	(pc) =	sbr.rel @p1 .LBB2_20-.Ltmp9, $4  }
0x280: {  	v14 =	vand.u32 $0xFFFF, v25;
	v16 =	vshrl.u32 v22, $0x7;
	v15 =	vshrl.u32 v22, $0xF;
	[tilespmem:v18+s16+$0x0] =	vst.idx.add.s32.msk vm2, v3  }
0x281: {  	s26 =	simm.s32 $0x10808;
	s24 =	simm.s32 $0x11090;
	v13 =	vand.u32 $0xFFFF, v13;
	v19 =	vand.u32 $0xFFFF, v15;
	v15 =	vand.u32 $0xFFFF, v26;
	[tilespmem:v27+s16+$0x0] =	vst.idx.add.s32.msk vm7, v3  }
0x282: {  	v17 =	vand.u32 $0xFF, v16;
	v16 =	vand.u32 $0xFFFF, v12;
	v12 =	vand.u32 $0xFFFF, v21;
	[tilespmem:v20+s16+$0x0] =	vst.idx.add.s32.msk vm1, v3  }
0x283: {  	s28 =	sadd.s32 $0x80, s28;
	v18 =	vand.u32 $0xFF, v29;
	v21 =	vand.u32 $0xFF, v23;
	v20 =	vand.u32 $0xFF, v28;
	[tilespmem:v24+s16+$0x0] =	vst.idx.add.s32.msk vm0, v3  }
0x284: {  	vm0 =	veq.s32 v19, v7  }
0x285: {  	vm1 =	veq.s32 v11, v7;
	v11 =	vadd.s32 v2, v17  }
0x286: {  	vm2 =	veq.s32 v14, v7;
	v14 =	vadd.s32 v2, v21  }
0x287: {  	vm3 =	veq.s32 v15, v7;
	v15 =	vadd.s32 v2, v20  }
0x288: {  	v9 =	vand.u32 $0xFF, v9;
	vm4 =	veq.s32 v13, v7;
	v13 =	vadd.s32 v2, v18  }
0x289: {  	v8 =	vand.u32 $0xFF, v8;
	vm5 =	veq.s32 v16, v7;
	v9 =	vadd.s32 v2, v9  }
0x28a: {  	v10 =	vand.u32 $0xFF, v10;
	vm6 =	veq.s32 v12, v7;
	v7 =	vadd.s32 v2, v8;
	[tilespmem:v11+s16+$0x0] =	vst.idx.add.s32.msk vm0, v3  }
0x28b: {  	v8 =	vadd.s32 v2, v10;
	[tilespmem:v14+s16+$0x0] =	vst.idx.add.s32.msk vm1, v3  }
0x28c: {  	[tilespmem:v15+s16+$0x0] =	vst.idx.add.s32.msk vm2, v3  }
0x28d: {  	[tilespmem:v13+s16+$0x0] =	vst.idx.add.s32.msk vm3, v3  }
0x28e: {  	[tilespmem:v9+s16+$0x0] =	vst.idx.add.s32.msk vm4, v3  }
0x28f: {  	[tilespmem:v7+s16+$0x0] =	vst.idx.add.s32.msk vm5, v3  }
0x290: {  	[tilespmem:v8+s16+$0x0] =	vst.idx.add.s32.msk vm6, v3  }
0x291: {  	v7 =	vld [tilespmem:s26+$0xFFFFF808]  }
0x292: {  	v8 =	vld [tilespmem:s26+$0xFFFFF909]  }
0x293: {  	v9 =	vld [tilespmem:s26+$0xFFFFFA0A]  }
0x294: {  	v10 =	vld [tilespmem:s26+$0xFFFFFB0B]  }
0x295: {  	v11 =	vld [tilespmem:s26+$0xFFFFFC0C]  }
0x296: {  	v12 =	vld [tilespmem:s26+$0xFFFFFD0D]  }
0x297: {  	v13 =	vld [tilespmem:s26+$0xFFFFFE0E]  }
0x298: {  	v14 =	vld [tilespmem:s26+$0xFFFFFF0F]  }
0x299: {  	v15 =	vld [tilespmem:s26+$0x10]  }
0x29a: {  	v58 =	vld [tilespmem:s26+$0x111]  }
0x29b: {  	v59 =	vld [tilespmem:s26+$0x212]  }
0x29c: {  	v60 =	vld [tilespmem:s26+$0x313]  }
0x29d: {  	v61 =	vld [tilespmem:s26+$0x414]  }
0x29e: {  	v62 =	vld [tilespmem:s26+$0x515]  }
0x29f: {  	v63 =	vld [tilespmem:s26+$0x616]  }
0x2a0: {  	v22 =	vld [tilespmem:s26+$0x717]  }
0x2a1: {  	v7 =	vadd.s32 v7, v8;
	v8 =	vld [tilespmem:s26+$0xFFFFF8F9]  }
0x2a2: {  	v7 =	vadd.s32 v9, v7;
	v9 =	vld [tilespmem:s26+$0xFFFFF7F8]  }
0x2a3: {  	v7 =	vadd.s32 v10, v7;
	v10 =	vld [tilespmem:s26+$0xFFFFF9FA]  }
0x2a4: {  	v7 =	vadd.s32 v11, v7;
	v11 =	vld [tilespmem:s26+$0xFFFFFAFB]  }
0x2a5: {  	v7 =	vadd.s32 v12, v7;
	v12 =	vld [tilespmem:s26+$0xFFFFFBFC]  }
0x2a6: {  	v7 =	vadd.s32 v13, v7;
	v13 =	vld [tilespmem:s26+$0xFFFFFCFD]  }
0x2a7: {  	v7 =	vadd.s32 v14, v7;
	v8 =	vadd.s32 v9, v8;
	v9 =	vld [tilespmem:s26+$0xFFFFFDFE]  }
0x2a8: {  	v7 =	vadd.s32 v15, v7;
	v8 =	vadd.s32 v10, v8;
	v10 =	vld [tilespmem:s26+$0xFFFFFEFF]  }
0x2a9: {  	v7 =	vadd.s32 v58, v7;
	v8 =	vadd.s32 v11, v8;
	v11 =	vld [tilespmem:s26+$0x0]  }
0x2aa: {  	v7 =	vadd.s32 v59, v7;
	v8 =	vadd.s32 v12, v8;
	v12 =	vld [tilespmem:s26+$0x101]  }
0x2ab: {  	v7 =	vadd.s32 v60, v7;
	v8 =	vadd.s32 v13, v8;
	v13 =	vld [tilespmem:s26+$0x202]  }
0x2ac: {  	v14 =	vadd.s32 v61, v7;
	v8 =	vadd.s32 v9, v8;
	v7 =	vld [tilespmem:s26+$0x303]  }
0x2ad: {  	v9 =	vadd.s32 v62, v14;
	v10 =	vadd.s32 v10, v8;
	v8 =	vld [tilespmem:s26+$0x404]  }
0x2ae: {  	v14 =	vadd.s32 v63, v9;
	v10 =	vadd.s32 v11, v10;
	v9 =	vld [tilespmem:s26+$0x505]  }
0x2af: {  	v11 =	vadd.s32 v22, v14;
	v12 =	vadd.s32 v12, v10;
	v10 =	vld [tilespmem:s26+$0x606]  }
0x2b0: {  	s25 =	simm.s32 $0x0;
	[tilespmem:s24+$0x0] =	vst v11;
	v12 =	vadd.s32 v13, v12;
	v11 =	vld [tilespmem:s26+$0x707];
	s26 =	simm.s32 $0x10828  }
.LBB2_22:
0x2b1: {  	v13 =	vld [tilespmem:s26+$0xFFFFF808];
	v7 =	vadd.s32 v7, v12  }
0x2b2: {  	s25 =	sadd.s32 $0x2, s25;
	v12 =	vld [tilespmem:s26+$0xFFFFF909];
	v7 =	vadd.s32 v8, v7  }
0x2b3: {  	p1 =	slt.u32 s25, $0xE;
	v8 =	vld [tilespmem:s26+$0xFFFFFA0A];
	v7 =	vadd.s32 v9, v7  }
0x2b4: {  	v9 =	vld [tilespmem:s26+$0xFFFFFB0B];
	v7 =	vadd.s32 v10, v7  }
0x2b5: {  	v10 =	vld [tilespmem:s26+$0xFFFFFC0C];
	v7 =	vadd.s32 v11, v7  }
0x2b6: {  	v11 =	vld [tilespmem:s26+$0xFFFFFD0D];
	[tilespmem:s24+$0xFFFFFFF0] =	vst v7  }
0x2b7: {  	v7 =	vadd.s32 v13, v12;
	v12 =	vld [tilespmem:s26+$0xFFFFFE0E]  }
0x2b8: {  	v7 =	vadd.s32 v8, v7;
	v8 =	vld [tilespmem:s26+$0xFFFFFF0F]  }
0x2b9: {  	v7 =	vadd.s32 v9, v7;
	v9 =	vld [tilespmem:s26+$0x10]  }
0x2ba: {  	v7 =	vadd.s32 v10, v7;
	v10 =	vld [tilespmem:s26+$0x111]  }
0x2bb: {  	v7 =	vadd.s32 v11, v7;
	v11 =	vld [tilespmem:s26+$0x212]  }
0x2bc: {  	v7 =	vadd.s32 v12, v7;
	v12 =	vld [tilespmem:s26+$0x313]  }
0x2bd: {  	v7 =	vadd.s32 v8, v7;
	v8 =	vld [tilespmem:s26+$0x414]  }
0x2be: {  	v7 =	vadd.s32 v9, v7;
	v9 =	vld [tilespmem:s26+$0x515]  }
0x2bf: {  	v7 =	vadd.s32 v10, v7;
	v10 =	vld [tilespmem:s26+$0x616]  }
0x2c0: {  	v7 =	vadd.s32 v11, v7;
	v11 =	vld [tilespmem:s26+$0x717]  }
0x2c1: {  	v13 =	vld [tilespmem:s26+$0xFFFFF8F9];
	v7 =	vadd.s32 v12, v7  }
0x2c2: {  	v12 =	vld [tilespmem:s26+$0xFFFFF7F8];
	v7 =	vadd.s32 v8, v7  }
0x2c3: {  	v8 =	vld [tilespmem:s26+$0xFFFFF9FA];
	v7 =	vadd.s32 v9, v7  }
0x2c4: {  	v9 =	vld [tilespmem:s26+$0xFFFFFAFB];
	v7 =	vadd.s32 v10, v7  }
0x2c5: {  	s24 =	sadd.s32 $0x20, s24;
	v10 =	vld [tilespmem:s26+$0xFFFFFBFC];
	v7 =	vadd.s32 v11, v7  }
0x2c6: {  	v11 =	vld [tilespmem:s26+$0xFFFFFCFD];
	[tilespmem:s24+$0x0] =	vst v7  }
0x2c7: {  	v7 =	vadd.s32 v12, v13;
	v12 =	vld [tilespmem:s26+$0xFFFFFDFE]  }
0x2c8: {  	v7 =	vadd.s32 v8, v7;
	v8 =	vld [tilespmem:s26+$0xFFFFFEFF]  }
0x2c9: {  	v7 =	vadd.s32 v9, v7;
	v9 =	vld [tilespmem:s26+$0x0]  }
0x2ca: {  	v7 =	vadd.s32 v10, v7;
	v10 =	vld [tilespmem:s26+$0x101]  }
0x2cb: {  	v7 =	vadd.s32 v11, v7;
	v11 =	vld [tilespmem:s26+$0x202]  }
.Ltmp10:
0x2cc: {  	v12 =	vadd.s32 v12, v7;
	v7 =	vld [tilespmem:s26+$0x303];
	(pc) =	sbr.rel @p1 .LBB2_22-.Ltmp10, $4  }
0x2cd: {  	v12 =	vadd.s32 v8, v12;
	v8 =	vld [tilespmem:s26+$0x404]  }
0x2ce: {  	v12 =	vadd.s32 v9, v12;
	v9 =	vld [tilespmem:s26+$0x505]  }
0x2cf: {  	v12 =	vadd.s32 v10, v12;
	v10 =	vld [tilespmem:s26+$0x606]  }
0x2d0: {  	v12 =	vadd.s32 v11, v12;
	v11 =	vld [tilespmem:s26+$0x707];
	s26 =	sadd.s32 $0x20, s26  }
0x2d1: {  	v7 =	vadd.s32 v7, v12  }
0x2d2: {  	v7 =	vadd.s32 v8, v7  }
0x2d3: {  	v7 =	vadd.s32 v9, v7  }
0x2d4: {  	v7 =	vadd.s32 v10, v7  }
0x2d5: {  	v7 =	vadd.s32 v11, v7  }
0x2d6: {  	[tilespmem:s24+$0xFFFFFFF0] =	vst v7  }
0x2d7: {  	[bflag:$0x0] =	sbarrier.arrive $0xFFFF  }
0x2d8: {  	[spmem:s9] =	stream.linear.scatter [tilespmem:s14], [sflag:$0x3], $0x100, $0x38;
	[tilespmem:$0x11488] =	vst v63  }
0x2d9: {  	_ =	swait.ge [sflag:s15], $0x100  }
0x2da: {  	[sflag:s15] =	ssyncset.done $0x0  }
0x2db: {  	[sflag:s15] =	ssyncadd.s32 $0xFFFFFF00  }
0x2dc: {  	[bflag:$0x0] =	sbarrier.arrive $0xFFFF  }
0x2dd: {  	[tilespmem:s16], [sflag:$0x3] =	stream.linear.gather [spmem:s3], $0x1000, $0x38;
	[tilespmem:$0x11488] =	vst v63  }
0x2de: {  	_ =	swait.ge [sflag:s15], $0x1000  }
0x2df: {  	[sflag:s15] =	ssyncset.done $0x0  }
0x2e0: {  	s0 =	simm.s32 $0x10810;
	s1 =	simm.s32 $0x0;
	[sflag:s15] =	ssyncadd.s32 $0xFFFFF000  }
0x2e1: {  	s1 =	sand.u32 $0xE0, s1;
	v7 =	vld [tilespmem:s0+$0xFFFFF7F0]  }
0x2e2: {  	v8 =	vld [tilespmem:s1+$0x10100]  }
0x2e3: {  	v9 =	vld [tilespmem:s1+$0x10200]  }
0x2e4: {  	v10 =	vld [tilespmem:s1+$0x10300]  }
0x2e5: {  	v11 =	vld [tilespmem:s1+$0x10400]  }
0x2e6: {  	v12 =	vld [tilespmem:s1+$0x10500]  }
0x2e7: {  	v13 =	vld [tilespmem:s1+$0x10600]  }
0x2e8: {  	v14 =	vld [tilespmem:s1+$0x10700]  }
0x2e9: {  	v15 =	vld [tilespmem:s1+$0x10800]  }
0x2ea: {  	v16 =	vld [tilespmem:s1+$0x10900]  }
0x2eb: {  	v17 =	vld [tilespmem:s1+$0x10A00]  }
0x2ec: {  	v18 =	vld [tilespmem:s1+$0x10B00]  }
0x2ed: {  	v19 =	vld [tilespmem:s1+$0x10C00]  }
0x2ee: {  	v20 =	vld [tilespmem:s1+$0x10D00]  }
0x2ef: {  	v21 =	vld [tilespmem:s1+$0x10E00]  }
0x2f0: {  	v22 =	vld [tilespmem:s1+$0x10F00]  }
0x2f1: {  	v7 =	vadd.s32 v7, v8;
	v8 =	vld [tilespmem:s0+$0xFFFFF800]  }
0x2f2: {  	v7 =	vadd.s32 v9, v7;
	v9 =	vld [tilespmem:s0+$0xFFFFF900]  }
0x2f3: {  	v7 =	vadd.s32 v10, v7;
	v10 =	vld [tilespmem:s0+$0xFFFFFA00]  }
0x2f4: {  	v7 =	vadd.s32 v11, v7;
	v11 =	vld [tilespmem:s0+$0xFFFFFB00]  }
0x2f5: {  	v7 =	vadd.s32 v12, v7;
	v12 =	vld [tilespmem:s0+$0xFFFFFC00]  }
0x2f6: {  	v7 =	vadd.s32 v13, v7;
	v13 =	vld [tilespmem:s0+$0xFFFFFD00]  }
0x2f7: {  	v7 =	vadd.s32 v14, v7;
	v8 =	vadd.s32 v8, v9;
	v9 =	vld [tilespmem:s0+$0xFFFFFE00]  }
0x2f8: {  	v7 =	vadd.s32 v15, v7;
	v8 =	vadd.s32 v10, v8;
	v10 =	vld [tilespmem:s0+$0xFFFFFF00]  }
0x2f9: {  	v7 =	vadd.s32 v16, v7;
	v8 =	vadd.s32 v11, v8;
	v11 =	vld [tilespmem:s0+$0x0]  }
0x2fa: {  	v7 =	vadd.s32 v17, v7;
	v8 =	vadd.s32 v12, v8;
	v12 =	vld [tilespmem:s0+$0x100]  }
0x2fb: {  	v7 =	vadd.s32 v18, v7;
	v8 =	vadd.s32 v13, v8;
	v13 =	vld [tilespmem:s0+$0x200]  }
0x2fc: {  	v14 =	vadd.s32 v19, v7;
	v8 =	vadd.s32 v9, v8;
	v7 =	vld [tilespmem:s0+$0x300]  }
0x2fd: {  	v9 =	vadd.s32 v20, v14;
	v10 =	vadd.s32 v10, v8;
	v8 =	vld [tilespmem:s0+$0x400]  }
0x2fe: {  	v14 =	vadd.s32 v21, v9;
	v10 =	vadd.s32 v11, v10;
	v9 =	vld [tilespmem:s0+$0x500]  }
0x2ff: {  	s24 =	simm.s32 $0x11090;
	v11 =	vadd.s32 v22, v14;
	v12 =	vadd.s32 v12, v10;
	v10 =	vld [tilespmem:s0+$0x600]  }
0x300: {  	s25 =	simm.s32 $0x0;
	s26 =	simm.s32 $0x10830;
	s28 =	simm.s32 $0x20;
	[tilespmem:s24+$0xFFFFFFF0] =	vst v11;
	v12 =	vadd.s32 v13, v12;
	v11 =	vld [tilespmem:s0+$0x700]  }
.LBB2_24:
0x301: {  	v13 =	vld [tilespmem:s26+$0xFFFFF7F0];
	s0 =	sand.u32 $0xE0, s28;
	s25 =	sadd.s32 $0x2, s25;
	v7 =	vadd.s32 v7, v12  }
0x302: {  	v12 =	vld [tilespmem:s0+$0x10100];
	p1 =	slt.u32 s25, $0xE;
	v7 =	vadd.s32 v8, v7  }
0x303: {  	v8 =	vld [tilespmem:s0+$0x10200];
	v7 =	vadd.s32 v9, v7  }
0x304: {  	v9 =	vld [tilespmem:s0+$0x10300];
	v7 =	vadd.s32 v10, v7  }
0x305: {  	v10 =	vld [tilespmem:s0+$0x10400];
	v7 =	vadd.s32 v11, v7  }
0x306: {  	v11 =	vld [tilespmem:s0+$0x10500];
	[tilespmem:s24+$0x0] =	vst v7  }
0x307: {  	v7 =	vadd.s32 v13, v12;
	v12 =	vld [tilespmem:s0+$0x10600]  }
0x308: {  	v7 =	vadd.s32 v8, v7;
	v8 =	vld [tilespmem:s0+$0x10700]  }
0x309: {  	v7 =	vadd.s32 v9, v7;
	v9 =	vld [tilespmem:s0+$0x10800]  }
0x30a: {  	v7 =	vadd.s32 v10, v7;
	v10 =	vld [tilespmem:s0+$0x10900]  }
0x30b: {  	v7 =	vadd.s32 v11, v7;
	v11 =	vld [tilespmem:s0+$0x10A00]  }
0x30c: {  	v7 =	vadd.s32 v12, v7;
	v12 =	vld [tilespmem:s0+$0x10B00]  }
0x30d: {  	v7 =	vadd.s32 v8, v7;
	v8 =	vld [tilespmem:s0+$0x10C00]  }
0x30e: {  	v7 =	vadd.s32 v9, v7;
	v9 =	vld [tilespmem:s0+$0x10D00]  }
0x30f: {  	v7 =	vadd.s32 v10, v7;
	v10 =	vld [tilespmem:s0+$0x10E00]  }
0x310: {  	v7 =	vadd.s32 v11, v7;
	v11 =	vld [tilespmem:s0+$0x10F00]  }
0x311: {  	v7 =	vadd.s32 v12, v7;
	v12 =	vld [tilespmem:s26+$0xFFFFF800]  }
0x312: {  	v7 =	vadd.s32 v8, v7;
	v8 =	vld [tilespmem:s26+$0xFFFFF900]  }
0x313: {  	v7 =	vadd.s32 v9, v7;
	v9 =	vld [tilespmem:s26+$0xFFFFFA00]  }
0x314: {  	v7 =	vadd.s32 v10, v7;
	v10 =	vld [tilespmem:s26+$0xFFFFFB00]  }
0x315: {  	s24 =	sadd.s32 $0x20, s24;
	v7 =	vadd.s32 v11, v7;
	v11 =	vld [tilespmem:s26+$0xFFFFFC00]  }
0x316: {  	[tilespmem:s24+$0xFFFFFFF0] =	vst v7;
	v7 =	vld [tilespmem:s26+$0xFFFFFD00]  }
0x317: {  	v8 =	vadd.s32 v12, v8;
	v12 =	vld [tilespmem:s26+$0xFFFFFE00]  }
0x318: {  	v8 =	vadd.s32 v9, v8;
	v9 =	vld [tilespmem:s26+$0xFFFFFF00]  }
0x319: {  	v8 =	vadd.s32 v10, v8;
	v10 =	vld [tilespmem:s26+$0x0]  }
0x31a: {  	v8 =	vadd.s32 v11, v8;
	v11 =	vld [tilespmem:s26+$0x100]  }
0x31b: {  	v7 =	vadd.s32 v7, v8;
	v13 =	vld [tilespmem:s26+$0x200]  }
.Ltmp11:
0x31c: {  	v8 =	vadd.s32 v12, v7;
	v7 =	vld [tilespmem:s26+$0x300];
	(pc) =	sbr.rel @p1 .LBB2_24-.Ltmp11, $4  }
0x31d: {  	v9 =	vadd.s32 v9, v8;
	v8 =	vld [tilespmem:s26+$0x400]  }
0x31e: {  	v10 =	vadd.s32 v10, v9;
	v9 =	vld [tilespmem:s26+$0x500]  }
0x31f: {  	v11 =	vadd.s32 v11, v10;
	v10 =	vld [tilespmem:s26+$0x600]  }
0x320: {  	s28 =	sadd.s32 $0x20, s28;
	v12 =	vadd.s32 v13, v11;
	v11 =	vld [tilespmem:s26+$0x700];
	s26 =	sadd.s32 $0x20, s26  }
0x321: {  	v7 =	vadd.s32 v7, v12  }
0x322: {  	v7 =	vadd.s32 v8, v7  }
0x323: {  	v7 =	vadd.s32 v9, v7  }
0x324: {  	v63 =	vmov s23;
	v7 =	vadd.s32 v10, v7  }
0x325: {  	vm0 =	veq.s32 v63, v1;
	v7 =	vadd.s32 v11, v7  }
0x326: {  	s0 =	simm.s32 $0x11170;
	v6 =	vnsel vm0, $0x0, v6;
	[tilespmem:s24+$0x0] =	vst v7  }
0x327: {  	(xrf0) =	vadd.scan.msk.s32 $0xffff, v6;
	v6 =	vld [tilespmem:s0+$0x0]  }
0x328: {  	v5 =	vnsel vm0, $0x0, v5  }
0x329: {  	(xrf0) =	vadd.scan.msk.s32 $0xffff, v5;
	_ =	sdelay $0x2  }
0x32a: {  	(xrf0) =	vadd.scan.msk.s32 $0xffff, v6;
	_ =	sdelay $0x1  }
0x32b: {  	v5, _, _ =	vpop (xrf0)  }
0x32c: {  	(v2sf) =	vpush v5, $0xF;
	v5, _, _ =	vpop (xrf0)  }
0x32d: {  	(v2sf) =	vpush v5, $0xF;
	_ =	sdelay $0x1  }
0x32e: {  	s1 =	simm.s32 $0x11160;
	v5, _, _ =	vpop (xrf0)  }
0x32f: {  	(v2sf) =	vpush v5, $0xF;
	v5 =	vld [tilespmem:s1+$0x0]  }
0x330: {  	s4 =	simm.s32 $0x11150  }
0x331: {  	v6 =	vld [tilespmem:s4+$0x0];
	_ =	sdelay $0x2  }
0x332: {  	(xrf0) =	vadd.scan.msk.s32 $0xffff, v5;
	_ =	sdelay $0x1  }
0x333: {  	(xrf0) =	vadd.scan.msk.s32 $0xffff, v6;
	_ =	sdelay $0x2  }
0x334: {  	s5 =	simm.s32 $0x11140  }
0x335: {  	v7 =	vld [tilespmem:s5+$0x0];
	s13 =	spop (v2sf);
	v6, _, _ =	vpop (xrf0)  }
0x336: {  	s1 =	spop (v2sf);
	(v2sf) =	vpush v6, $0xF  }
0x337: {  	v6, _, _ =	vpop (xrf0)  }
0x338: {  	(v2sf) =	vpush v6, $0xF;
	_ =	sdelay $0x1  }
0x339: {  	s4 =	simm.s32 $0x11130;
	(xrf0) =	vadd.scan.msk.s32 $0xffff, v7  }
0x33a: {  	s23 =	simm.s32 $0x0;
	s28 =	simm.s32 $0xF;
	s29 =	simm.s32 $0xE;
	v5 =	vld [tilespmem:s4+$0x0]  }
0x33b: {  	s26 =	simm.s32 $0xD;
	s25 =	simm.s32 $0xB;
	p2 =	por $0x1, $0x1  }
0x33c: {  	s30 =	simm.s32 $0x0;
	s31 =	simm.s32 $0x0;
	s0 =	sadd.s32 s13, s22  }
0x33d: {  	s24 =	simm.s32 $0xC;
	s0 =	ssub.s32 s21, s0;
	s22 =	spop (v2sf)  }
0x33e: {  	s4 =	simm.s32 $0x11120;
	s21 =	sadd.s32 s1, s0;
	s1 =	sadd.s32 $0x0, s22  }
0x33f: {  	s0 =	simm.s32 $0xA;
	(xrf0) =	vadd.scan.msk.s32 $0xffff, v5;
	v5, _, _ =	vpop (xrf0);
	s22 =	simm.s32 $0x0;
	p3 =	sge.s32 s1, s21  }
.LBB2_26:
0x340: {  	p1 =	sne.s32 s0, $0x0;
	p3 =	por !p2, !p3;
	s5 =	smov.u32 s25  }
0x341: {  	v6 =	vld [tilespmem:s4+$0x0];
	(v2sf) =	vpush v5, $0xF;
	s25 =	smov.u32 s0;
	s0 =	sadd.s32 $0xFFFFFFFF, s0;
	s13 =	smov.u32 s23  }
.Ltmp12:
0x342: {  	s23 =	smov.u32 @p2 s1;
	p3 =	por !p3, !p3;
	(pc) =	sbr.rel @p1 .LBB2_26-.Ltmp12, $4  }
0x343: {  	s30 =	smov.u32 @p3 s28;
	s31 =	simm.s32 @p3 $0x1;
	s28 =	smov.u32 s29  }
0x344: {  	s22 =	smov.u32 @p3 s13;
	s29 =	smov.u32 s26;
	s1 =	spop (v2sf)  }
0x345: {  	s26 =	smov.u32 s24;
	s24 =	smov.u32 s5;
	s1 =	sadd.s32 s23, s1  }
0x346: {  	s4 =	sadd.s32 $0xFFFFFFF0, s4;
	p2 =	seq.s32 s31, $0x0;
	(xrf0) =	vadd.scan.msk.s32 $0xffff, v6;
	v5, _, _ =	vpop (xrf0);
	p3 =	sge.s32 s1, s21  }
0x347: {  	_ = 	snop  }
0x348: {  	(v2sf) =	vpush v5, $0xF;
	_ =	sdelay $0x2  }
0x349: {  	p1 =	por !p2, !p3  }
0x34a: {  	p1 =	por !p1, !p1;
	v5, _, _ =	vpop (xrf0)  }
0x34b: {  	s0 =	spop (v2sf);
	s22 =	smov.u32 @p1 s23;
	s23 =	smov.u32 @p2 s1;
	(v2sf) =	vpush v5, $0xF  }
0x34c: {  	s31 =	simm.s32 @p1 $0x1;
	s0 =	sadd.s32 s23, s0  }
0x34d: {  	p3 =	seq.s32 s31, $0x0;
	p5 =	sge.s32 s0, s21  }
0x34e: {  	p2 =	por !p3, !p5  }
0x34f: {  	p2 =	por !p2, !p2  }
0x350: {  	s22 =	smov.u32 @p2 s23;
	s23 =	smov.u32 @p3 s0;
	s4 =	spop (v2sf)  }
0x351: {  	s31 =	simm.s32 @p2 $0x1;
	s0 =	sadd.s32 s23, s4  }
0x352: {  	p4 =	seq.s32 s31, $0x0;
	p6 =	sge.s32 s0, s21  }
0x353: {  	p3 =	por !p4, !p6  }
0x354: {  	p3 =	por !p3, !p3  }
0x355: {  	s22 =	smov.u32 @p3 s23;
	s23 =	smov.u32 @p4 s0;
	s5 =	spop (v2sf)  }
0x356: {  	s31 =	simm.s32 @p3 $0x1;
	s0 =	sadd.s32 s23, s5  }
0x357: {  	p4 =	seq.s32 s31, $0x0;
	p5 =	sge.s32 s0, s21  }
0x358: {  	p5 =	por !p4, !p5  }
0x359: {  	p5 =	por !p5, !p5  }
0x35a: {  	s22 =	smov.u32 @p5 s23;
	s23 =	smov.u32 @p4 s0;
	s13 =	spop (v2sf)  }
0x35b: {  	s30 =	smov.u32 @p1 s28;
	s31 =	simm.s32 @p5 $0x1;
	s0 =	sadd.s32 s23, s13  }
0x35c: {  	s30 =	smov.u32 @p2 s29;
	p4 =	seq.s32 s31, $0x0;
	p6 =	sge.s32 s0, s21  }
0x35d: {  	s30 =	smov.u32 @p3 s26;
	p1 =	por !p4, !p6  }
0x35e: {  	s30 =	smov.u32 @p5 s24;
	p1 =	por !p1, !p1  }
0x35f: {  	s30 =	smov.u32 @p1 s25  }
0x360: {  	s29 =	sshll.u32 s30, $0x4  }
0x361: {  	v5 =	vld [tilespmem:s29+$0x11080];
	_ =	sdelay $0x4  }
0x362: {  	(xrf0) =	vadd.scan.msk.s32 $0xffff, v5;
	_ =	sdelay $0x5  }
0x363: {  	v6, _, _ =	vpop (xrf0)  }
0x364: {  	v7 =	vbroadcast v6, $0xF;
	_ =	sdelay $0x1  }
0x365: {  	v6 =	vsub.s32 v7, v6  }
0x366: {  	s22 =	smov.u32 @p1 s23;
	v6 =	vadd.s32 v5, v6  }
0x367: {  	v7 =	vadd.s32 s22, v6  }
0x368: {  	vm0 =	vlt.s32 v7, s21  }
0x369: {  	v7 =	vsel vm0, $0x7FFFFFFF, v4  }
0x36a: {  	(xrf0) =	vmax.scan.msk.u32 $0xffff, v7;
	_ =	sdelay $0x5  }
0x36b: {  	v7, _, _ =	vpop (xrf0)  }
0x36c: {  	(v2sf) =	vpush v7, $0xF;
	_ =	sdelay $0xd  }
0x36d: {  	[tilespmem:s16], [sflag:$0x3] =	stream.linear.gather [spmem:s2], $0x1080, $0x38;
	[tilespmem:$0x11488] =	vst v63  }
0x36e: {  	s30 =	spop (v2sf)  }
0x36f: {  	_ =	swait.ge [sflag:s15], $0x1080  }
0x370: {  	[sflag:s15] =	ssyncset.done $0x0  }
0x371: {  	s4 =	simm.s32 $0x40;
	[sflag:s15] =	ssyncadd.s32 $0xFFFFEF80  }
0x372: {  	v9 =	vld [tilespmem:s4+$0xFFFFFFD0];
	_ =	sdelay $0x1  }
0x373: {  	v11 =	vld [tilespmem:s4+$0x10]  }
0x374: {  	s23 =	sxor.u32 $0x80000000, s30;
	v10 =	vld [tilespmem:s4+$0x30]  }
0x375: {  	s31 =	sshll.u32 s20, $0x8;
	s0 =	sadd.s32 s29, s23;
	v13 =	vld [tilespmem:s4+$0xFFFFFFF0]  }
0x376: {  	s20 =	sor.u32 s31, s0;
	v14 =	vand.u32 $0x7F, v9;
	v9 =	vshrl.u32 v9, $0x7  }
0x377: {  	v7 =	vmov s20;
	v8 =	vld [tilespmem:s4+$0x20];
	v9 =	vand.u32 $0xFFFFFF, v9  }
0x378: {  	vm0 =	veq.s32 v9, v7;
	v9 =	vshrl.u32 v11, $0x7  }
0x379: {  	v12 =	vshrl.u32 v10, $0x7;
	v15 =	vand.u32 $0x7F, v11;
	v11 =	vld [tilespmem:s4+$0xFFFFFFE0];
	v9 =	vand.u32 $0xFFFFFF, v9  }
0x37a: {  	v10 =	vand.u32 $0x7F, v10;
	v16 =	vshrl.u32 v13, $0x7;
	vm3 =	veq.s32 v9, v7  }
0x37b: {  	v17 =	vand.u32 $0x7F, v13;
	v16 =	vand.u32 $0xFFFFFF, v16;
	v13 =	vadd.s32 v2, v15  }
0x37c: {  	v18 =	vshrl.u32 v8, $0x7;
	v12 =	vand.u32 $0xFFFFFF, v12;
	vm1 =	veq.s32 v16, v7;
	v16 =	vld [tilespmem:s4+$0x0]  }
0x37d: {  	s26 =	simm.s32 $0xC0;
	s25 =	simm.s32 $0x0;
	v15 =	vld [tilespmem:s4+$0xFFFFFFC0];
	v9 =	vadd.s32 v2, v14;
	v14 =	vadd.s32 v2, v17;
	v17 =	vand.u32 $0xFFFFFF, v18  }
.LBB2_28:
0x37e: {  	v18 =	vld [tilespmem:s26+$0xFFFFFFD0];
	s25 =	sadd.s32 $0x80, s25;
	v19 =	vshrl.u32 v11, $0x7;
	v20 =	vand.u32 $0x7F, v8;
	vm2 =	veq.s32 v17, v7  }
0x37f: {  	vm5 =	veq.s32 v12, v7;
	v8 =	vld [tilespmem:s26+$0x20];
	p1 =	slt.u32 s25, $0xFF80;
	v17 =	vand.u32 $0xFFFFFF, v19;
	v19 =	vadd.s32 v2, v20  }
0x380: {  	v11 =	vand.u32 $0x7F, v11;
	v10 =	vadd.s32 v2, v10;
	vm4 =	veq.s32 v17, v7;
	[tilespmem:v13+s16+$0x0] =	vst.idx.add.s32.msk vm3, v3  }
0x381: {  	v13 =	vadd.s32 v2, v11;
	v12 =	vld [tilespmem:s26+$0x30];
	v11 =	vand.u32 $0x7F, v16;
	v16 =	vshrl.u32 v16, $0x7  }
0x382: {  	v17 =	vand.u32 $0x7F, v15;
	v15 =	vshrl.u32 v15, $0x7;
	[tilespmem:v14+s16+$0x0] =	vst.idx.add.s32.msk vm1, v3;
	v14 =	vand.u32 $0xFFFFFF, v16  }
0x383: {  	v20 =	vand.u32 $0x7F, v18;
	v16 =	vld [tilespmem:s26+$0x10];
	v15 =	vand.u32 $0xFFFFFF, v15;
	vm1 =	veq.s32 v14, v7  }
0x384: {  	v14 =	vld [tilespmem:s26+$0xFFFFFFF0];
	vm6 =	veq.s32 v15, v7;
	v15 =	vadd.s32 v2, v11  }
0x385: {  	v17 =	vadd.s32 v2, v17;
	[tilespmem:v10+s16+$0x0] =	vst.idx.add.s32.msk vm5, v3  }
0x386: {  	v10 =	vshrl.u32 v18, $0x7;
	v11 =	vld [tilespmem:s26+$0xFFFFFFE0];
	v18 =	vshrl.u32 v12, $0x7  }
0x387: {  	v21 =	vand.u32 $0xFFFFFF, v10;
	v10 =	vand.u32 $0x7F, v12;
	v12 =	vand.u32 $0xFFFFFF, v18;
	[tilespmem:v9+s16+$0x0] =	vst.idx.add.s32.msk vm0, v3  }
0x388: {  	vm0 =	veq.s32 v21, v7;
	v9 =	vand.u32 $0x7F, v16;
	v16 =	vshrl.u32 v16, $0x7;
	[tilespmem:v13+s16+$0x0] =	vst.idx.add.s32.msk vm4, v3  }
.Ltmp13:
0x389: {  	v18 =	vand.u32 $0x7F, v14;
	v13 =	vshrl.u32 v14, $0x7;
	v14 =	vand.u32 $0xFFFFFF, v16;
	[tilespmem:v15+s16+$0x0] =	vst.idx.add.s32.msk vm1, v3;
	(pc) =	sbr.rel @p1 .LBB2_28-.Ltmp13, $4  }
0x38a: {  	v15 =	vand.u32 $0xFFFFFF, v13;
	vm3 =	veq.s32 v14, v7;
	[tilespmem:v17+s16+$0x0] =	vst.idx.add.s32.msk vm6, v3  }
0x38b: {  	v13 =	vadd.s32 v2, v9;
	[tilespmem:v19+s16+$0x0] =	vst.idx.add.s32.msk vm2, v3  }
0x38c: {  	v17 =	vshrl.u32 v8, $0x7;
	vm1 =	veq.s32 v15, v7;
	v16 =	vld [tilespmem:s26+$0x0]  }
0x38d: {  	s24 =	simm.s32 $0x11090;
	v9 =	vadd.s32 v2, v20;
	v14 =	vadd.s32 v2, v18;
	v17 =	vand.u32 $0xFFFFFF, v17;
	v15 =	vld [tilespmem:s26+$0xFFFFFFC0];
	s26 =	sadd.s32 $0x80, s26  }
0x38e: {  	v18 =	vshrl.u32 v11, $0x7  }
0x38f: {  	vm2 =	veq.s32 v12, v7;
	v11 =	vand.u32 $0x7F, v11;
	v10 =	vadd.s32 v2, v10  }
0x390: {  	v8 =	vand.u32 $0x7F, v8;
	vm15 =	veq.s32 v17, v7;
	v18 =	vand.u32 $0xFFFFFF, v18  }
0x391: {  	v11 =	vadd.s32 v2, v11;
	v8 =	vadd.s32 v2, v8;
	v12 =	vshrl.u32 v16, $0x7  }
0x392: {  	vm4 =	veq.s32 v18, v7;
	v59 =	vshrl.u32 v15, $0x7;
	v12 =	vand.u32 $0xFFFFFF, v12  }
0x393: {  	[tilespmem:v13+s16+$0x0] =	vst.idx.add.s32.msk vm3, v3;
	v60 =	vand.u32 $0x7F, v16;
	v18 =	vand.u32 $0xFFFFFF, v59;
	vm5 =	veq.s32 v12, v7  }
0x394: {  	[tilespmem:v14+s16+$0x0] =	vst.idx.add.s32.msk vm1, v3;
	v13 =	vadd.s32 v2, v60;
	v12 =	vand.u32 $0x7F, v15;
	vm14 =	veq.s32 v18, v7  }
0x395: {  	[tilespmem:v9+s16+$0x0] =	vst.idx.add.s32.msk vm0, v3;
	v7 =	vadd.s32 v2, v12  }
0x396: {  	[tilespmem:v10+s16+$0x0] =	vst.idx.add.s32.msk vm2, v3  }
0x397: {  	[tilespmem:v8+s16+$0x0] =	vst.idx.add.s32.msk vm15, v3  }
0x398: {  	[tilespmem:v11+s16+$0x0] =	vst.idx.add.s32.msk vm4, v3  }
0x399: {  	[tilespmem:v13+s16+$0x0] =	vst.idx.add.s32.msk vm5, v3  }
0x39a: {  	s0 =	simm.s32 $0x10808;
	[tilespmem:v7+s16+$0x0] =	vst.idx.add.s32.msk vm14, v3  }
0x39b: {  	v7 =	vld [tilespmem:s0+$0xFFFFF808]  }
0x39c: {  	v8 =	vld [tilespmem:s0+$0xFFFFF909]  }
0x39d: {  	v9 =	vld [tilespmem:s0+$0xFFFFFA0A]  }
0x39e: {  	v10 =	vld [tilespmem:s0+$0xFFFFFB0B]  }
0x39f: {  	v11 =	vld [tilespmem:s0+$0xFFFFFC0C]  }
0x3a0: {  	v12 =	vld [tilespmem:s0+$0xFFFFFD0D]  }
0x3a1: {  	v13 =	vld [tilespmem:s0+$0xFFFFFE0E]  }
0x3a2: {  	v14 =	vld [tilespmem:s0+$0xFFFFFF0F]  }
0x3a3: {  	v15 =	vld [tilespmem:s0+$0x10]  }
0x3a4: {  	v61 =	vld [tilespmem:s0+$0x111]  }
0x3a5: {  	v62 =	vld [tilespmem:s0+$0x212]  }
0x3a6: {  	v63 =	vld [tilespmem:s0+$0x313]  }
0x3a7: {  	v19 =	vld [tilespmem:s0+$0x414]  }
0x3a8: {  	v20 =	vld [tilespmem:s0+$0x515]  }
0x3a9: {  	v21 =	vld [tilespmem:s0+$0x616]  }
0x3aa: {  	v22 =	vld [tilespmem:s0+$0x717]  }
0x3ab: {  	v7 =	vadd.s32 v7, v8;
	v8 =	vld [tilespmem:s0+$0xFFFFF8F9]  }
0x3ac: {  	v7 =	vadd.s32 v9, v7;
	v9 =	vld [tilespmem:s0+$0xFFFFF7F8]  }
0x3ad: {  	v7 =	vadd.s32 v10, v7;
	v10 =	vld [tilespmem:s0+$0xFFFFF9FA]  }
0x3ae: {  	v7 =	vadd.s32 v11, v7;
	v11 =	vld [tilespmem:s0+$0xFFFFFAFB]  }
0x3af: {  	v7 =	vadd.s32 v12, v7;
	v12 =	vld [tilespmem:s0+$0xFFFFFBFC]  }
0x3b0: {  	v7 =	vadd.s32 v13, v7;
	v13 =	vld [tilespmem:s0+$0xFFFFFCFD]  }
0x3b1: {  	v7 =	vadd.s32 v14, v7;
	v8 =	vadd.s32 v9, v8;
	v9 =	vld [tilespmem:s0+$0xFFFFFDFE]  }
0x3b2: {  	v7 =	vadd.s32 v15, v7;
	v8 =	vadd.s32 v10, v8;
	v10 =	vld [tilespmem:s0+$0xFFFFFEFF]  }
0x3b3: {  	v7 =	vadd.s32 v61, v7;
	v8 =	vadd.s32 v11, v8;
	v11 =	vld [tilespmem:s0+$0x0]  }
0x3b4: {  	v7 =	vadd.s32 v62, v7;
	v8 =	vadd.s32 v12, v8;
	v12 =	vld [tilespmem:s0+$0x101]  }
0x3b5: {  	v7 =	vadd.s32 v63, v7;
	v8 =	vadd.s32 v13, v8;
	v13 =	vld [tilespmem:s0+$0x202]  }
0x3b6: {  	v14 =	vadd.s32 v19, v7;
	v8 =	vadd.s32 v9, v8;
	v7 =	vld [tilespmem:s0+$0x303]  }
0x3b7: {  	v9 =	vadd.s32 v20, v14;
	v10 =	vadd.s32 v10, v8;
	v8 =	vld [tilespmem:s0+$0x404]  }
0x3b8: {  	v14 =	vadd.s32 v21, v9;
	v10 =	vadd.s32 v11, v10;
	v9 =	vld [tilespmem:s0+$0x505]  }
0x3b9: {  	v11 =	vadd.s32 v22, v14;
	v12 =	vadd.s32 v12, v10;
	v10 =	vld [tilespmem:s0+$0x606]  }
0x3ba: {  	s25 =	simm.s32 $0x0;
	s26 =	simm.s32 $0x10828;
	[tilespmem:s24+$0x0] =	vst v11;
	v12 =	vadd.s32 v13, v12;
	v11 =	vld [tilespmem:s0+$0x707]  }
.LBB2_30:
0x3bb: {  	v13 =	vld [tilespmem:s26+$0xFFFFF808];
	v7 =	vadd.s32 v7, v12  }
0x3bc: {  	s25 =	sadd.s32 $0x2, s25;
	v12 =	vld [tilespmem:s26+$0xFFFFF909];
	v7 =	vadd.s32 v8, v7  }
0x3bd: {  	p1 =	slt.u32 s25, $0x6;
	v8 =	vld [tilespmem:s26+$0xFFFFFA0A];
	v7 =	vadd.s32 v9, v7  }
0x3be: {  	v9 =	vld [tilespmem:s26+$0xFFFFFB0B];
	v7 =	vadd.s32 v10, v7  }
0x3bf: {  	v10 =	vld [tilespmem:s26+$0xFFFFFC0C];
	v7 =	vadd.s32 v11, v7  }
0x3c0: {  	v11 =	vld [tilespmem:s26+$0xFFFFFD0D];
	[tilespmem:s24+$0xFFFFFFF0] =	vst v7  }
0x3c1: {  	v7 =	vadd.s32 v13, v12;
	v12 =	vld [tilespmem:s26+$0xFFFFFE0E]  }
0x3c2: {  	v7 =	vadd.s32 v8, v7;
	v8 =	vld [tilespmem:s26+$0xFFFFFF0F]  }
0x3c3: {  	v7 =	vadd.s32 v9, v7;
	v9 =	vld [tilespmem:s26+$0x10]  }
0x3c4: {  	v7 =	vadd.s32 v10, v7;
	v10 =	vld [tilespmem:s26+$0x111]  }
0x3c5: {  	v7 =	vadd.s32 v11, v7;
	v11 =	vld [tilespmem:s26+$0x212]  }
0x3c6: {  	v7 =	vadd.s32 v12, v7;
	v12 =	vld [tilespmem:s26+$0x313]  }
0x3c7: {  	v7 =	vadd.s32 v8, v7;
	v8 =	vld [tilespmem:s26+$0x414]  }
0x3c8: {  	v7 =	vadd.s32 v9, v7;
	v9 =	vld [tilespmem:s26+$0x515]  }
0x3c9: {  	v7 =	vadd.s32 v10, v7;
	v10 =	vld [tilespmem:s26+$0x616]  }
0x3ca: {  	v7 =	vadd.s32 v11, v7;
	v11 =	vld [tilespmem:s26+$0x717]  }
0x3cb: {  	v13 =	vld [tilespmem:s26+$0xFFFFF8F9];
	v7 =	vadd.s32 v12, v7  }
0x3cc: {  	v12 =	vld [tilespmem:s26+$0xFFFFF7F8];
	v7 =	vadd.s32 v8, v7  }
0x3cd: {  	v8 =	vld [tilespmem:s26+$0xFFFFF9FA];
	v7 =	vadd.s32 v9, v7  }
0x3ce: {  	v9 =	vld [tilespmem:s26+$0xFFFFFAFB];
	v7 =	vadd.s32 v10, v7  }
0x3cf: {  	s24 =	sadd.s32 $0x20, s24;
	v10 =	vld [tilespmem:s26+$0xFFFFFBFC];
	v7 =	vadd.s32 v11, v7  }
0x3d0: {  	v11 =	vld [tilespmem:s26+$0xFFFFFCFD];
	[tilespmem:s24+$0x0] =	vst v7  }
0x3d1: {  	v7 =	vadd.s32 v12, v13;
	v12 =	vld [tilespmem:s26+$0xFFFFFDFE]  }
0x3d2: {  	v7 =	vadd.s32 v8, v7;
	v8 =	vld [tilespmem:s26+$0xFFFFFEFF]  }
0x3d3: {  	v7 =	vadd.s32 v9, v7;
	v9 =	vld [tilespmem:s26+$0x0]  }
0x3d4: {  	v7 =	vadd.s32 v10, v7;
	v10 =	vld [tilespmem:s26+$0x101]  }
0x3d5: {  	v7 =	vadd.s32 v11, v7;
	v11 =	vld [tilespmem:s26+$0x202]  }
.Ltmp14:
0x3d6: {  	v12 =	vadd.s32 v12, v7;
	v7 =	vld [tilespmem:s26+$0x303];
	(pc) =	sbr.rel @p1 .LBB2_30-.Ltmp14, $4  }
0x3d7: {  	v12 =	vadd.s32 v8, v12;
	v8 =	vld [tilespmem:s26+$0x404]  }
0x3d8: {  	v12 =	vadd.s32 v9, v12;
	v9 =	vld [tilespmem:s26+$0x505]  }
0x3d9: {  	v12 =	vadd.s32 v10, v12;
	v10 =	vld [tilespmem:s26+$0x606]  }
0x3da: {  	v12 =	vadd.s32 v11, v12;
	v11 =	vld [tilespmem:s26+$0x707];
	s26 =	sadd.s32 $0x20, s26  }
0x3db: {  	v7 =	vadd.s32 v7, v12  }
0x3dc: {  	v7 =	vadd.s32 v8, v7  }
0x3dd: {  	v7 =	vadd.s32 v9, v7  }
0x3de: {  	v7 =	vadd.s32 v10, v7  }
0x3df: {  	v7 =	vadd.s32 v11, v7  }
0x3e0: {  	[tilespmem:s24+$0xFFFFFFF0] =	vst v7  }
0x3e1: {  	[tilespmem:$0x11100] =	vst v0  }
0x3e2: {  	[tilespmem:$0x11110] =	vst v0  }
0x3e3: {  	[tilespmem:$0x11120] =	vst v0  }
0x3e4: {  	[tilespmem:$0x11130] =	vst v0  }
0x3e5: {  	[tilespmem:$0x11140] =	vst v0  }
0x3e6: {  	[tilespmem:$0x11150] =	vst v0  }
0x3e7: {  	[tilespmem:$0x11160] =	vst v0  }
0x3e8: {  	[tilespmem:$0x11170] =	vst v0  }
0x3e9: {  	[bflag:$0x0] =	sbarrier.arrive $0xFFFF  }
0x3ea: {  	[spmem:s9] =	stream.linear.scatter [tilespmem:s14], [sflag:$0x3], $0x100, $0x38;
	[tilespmem:$0x11488] =	vst v63  }
0x3eb: {  	_ =	swait.ge [sflag:s15], $0x100  }
0x3ec: {  	[sflag:s15] =	ssyncset.done $0x0  }
0x3ed: {  	[sflag:s15] =	ssyncadd.s32 $0xFFFFFF00  }
0x3ee: {  	[bflag:$0x0] =	sbarrier.arrive $0xFFFF  }
0x3ef: {  	[tilespmem:s16], [sflag:$0x3] =	stream.linear.gather [spmem:s3], $0x1000, $0x38;
	[tilespmem:$0x11488] =	vst v63  }
0x3f0: {  	_ =	swait.ge [sflag:s15], $0x1000  }
0x3f1: {  	[sflag:s15] =	ssyncset.done $0x0  }
0x3f2: {  	s0 =	simm.s32 $0x10810;
	s1 =	simm.s32 $0x0;
	[sflag:s15] =	ssyncadd.s32 $0xFFFFF000  }
0x3f3: {  	s1 =	sand.u32 $0xE0, s1;
	v7 =	vld [tilespmem:s0+$0xFFFFF7F0]  }
0x3f4: {  	v8 =	vld [tilespmem:s1+$0x10100]  }
0x3f5: {  	v9 =	vld [tilespmem:s1+$0x10200]  }
0x3f6: {  	v10 =	vld [tilespmem:s1+$0x10300]  }
0x3f7: {  	v11 =	vld [tilespmem:s1+$0x10400]  }
0x3f8: {  	v12 =	vld [tilespmem:s1+$0x10500]  }
0x3f9: {  	v13 =	vld [tilespmem:s1+$0x10600]  }
0x3fa: {  	v14 =	vld [tilespmem:s1+$0x10700]  }
0x3fb: {  	v15 =	vld [tilespmem:s1+$0x10800]  }
0x3fc: {  	v16 =	vld [tilespmem:s1+$0x10900]  }
0x3fd: {  	v17 =	vld [tilespmem:s1+$0x10A00]  }
0x3fe: {  	v18 =	vld [tilespmem:s1+$0x10B00]  }
0x3ff: {  	v19 =	vld [tilespmem:s1+$0x10C00]  }
0x400: {  	v20 =	vld [tilespmem:s1+$0x10D00]  }
0x401: {  	v21 =	vld [tilespmem:s1+$0x10E00]  }
0x402: {  	v22 =	vld [tilespmem:s1+$0x10F00]  }
0x403: {  	v7 =	vadd.s32 v7, v8;
	v8 =	vld [tilespmem:s0+$0xFFFFF800]  }
0x404: {  	v7 =	vadd.s32 v9, v7;
	v9 =	vld [tilespmem:s0+$0xFFFFF900]  }
0x405: {  	v7 =	vadd.s32 v10, v7;
	v10 =	vld [tilespmem:s0+$0xFFFFFA00]  }
0x406: {  	v7 =	vadd.s32 v11, v7;
	v11 =	vld [tilespmem:s0+$0xFFFFFB00]  }
0x407: {  	v7 =	vadd.s32 v12, v7;
	v12 =	vld [tilespmem:s0+$0xFFFFFC00]  }
0x408: {  	v7 =	vadd.s32 v13, v7;
	v13 =	vld [tilespmem:s0+$0xFFFFFD00]  }
0x409: {  	v7 =	vadd.s32 v14, v7;
	v8 =	vadd.s32 v8, v9;
	v9 =	vld [tilespmem:s0+$0xFFFFFE00]  }
0x40a: {  	v7 =	vadd.s32 v15, v7;
	v8 =	vadd.s32 v10, v8;
	v10 =	vld [tilespmem:s0+$0xFFFFFF00]  }
0x40b: {  	v7 =	vadd.s32 v16, v7;
	v8 =	vadd.s32 v11, v8;
	v11 =	vld [tilespmem:s0+$0x0]  }
0x40c: {  	v7 =	vadd.s32 v17, v7;
	v8 =	vadd.s32 v12, v8;
	v12 =	vld [tilespmem:s0+$0x100]  }
0x40d: {  	v7 =	vadd.s32 v18, v7;
	v8 =	vadd.s32 v13, v8;
	v13 =	vld [tilespmem:s0+$0x200]  }
0x40e: {  	v14 =	vadd.s32 v19, v7;
	v8 =	vadd.s32 v9, v8;
	v7 =	vld [tilespmem:s0+$0x300]  }
0x40f: {  	v9 =	vadd.s32 v20, v14;
	v10 =	vadd.s32 v10, v8;
	v8 =	vld [tilespmem:s0+$0x400]  }
0x410: {  	v14 =	vadd.s32 v21, v9;
	v10 =	vadd.s32 v11, v10;
	v9 =	vld [tilespmem:s0+$0x500]  }
0x411: {  	s24 =	simm.s32 $0x11090;
	v11 =	vadd.s32 v22, v14;
	v12 =	vadd.s32 v12, v10;
	v10 =	vld [tilespmem:s0+$0x600]  }
0x412: {  	s25 =	simm.s32 $0x0;
	s26 =	simm.s32 $0x10830;
	s28 =	simm.s32 $0x20;
	[tilespmem:s24+$0xFFFFFFF0] =	vst v11;
	v12 =	vadd.s32 v13, v12;
	v11 =	vld [tilespmem:s0+$0x700]  }
.LBB2_32:
0x413: {  	v13 =	vld [tilespmem:s26+$0xFFFFF7F0];
	s0 =	sand.u32 $0xE0, s28;
	s25 =	sadd.s32 $0x2, s25;
	v7 =	vadd.s32 v7, v12  }
0x414: {  	v12 =	vld [tilespmem:s0+$0x10100];
	p1 =	slt.u32 s25, $0xE;
	v7 =	vadd.s32 v8, v7  }
0x415: {  	v8 =	vld [tilespmem:s0+$0x10200];
	v7 =	vadd.s32 v9, v7  }
0x416: {  	v9 =	vld [tilespmem:s0+$0x10300];
	v7 =	vadd.s32 v10, v7  }
0x417: {  	v10 =	vld [tilespmem:s0+$0x10400];
	v7 =	vadd.s32 v11, v7  }
0x418: {  	v11 =	vld [tilespmem:s0+$0x10500];
	[tilespmem:s24+$0x0] =	vst v7  }
0x419: {  	v7 =	vadd.s32 v13, v12;
	v12 =	vld [tilespmem:s0+$0x10600]  }
0x41a: {  	v7 =	vadd.s32 v8, v7;
	v8 =	vld [tilespmem:s0+$0x10700]  }
0x41b: {  	v7 =	vadd.s32 v9, v7;
	v9 =	vld [tilespmem:s0+$0x10800]  }
0x41c: {  	v7 =	vadd.s32 v10, v7;
	v10 =	vld [tilespmem:s0+$0x10900]  }
0x41d: {  	v7 =	vadd.s32 v11, v7;
	v11 =	vld [tilespmem:s0+$0x10A00]  }
0x41e: {  	v7 =	vadd.s32 v12, v7;
	v12 =	vld [tilespmem:s0+$0x10B00]  }
0x41f: {  	v7 =	vadd.s32 v8, v7;
	v8 =	vld [tilespmem:s0+$0x10C00]  }
0x420: {  	v7 =	vadd.s32 v9, v7;
	v9 =	vld [tilespmem:s0+$0x10D00]  }
0x421: {  	v7 =	vadd.s32 v10, v7;
	v10 =	vld [tilespmem:s0+$0x10E00]  }
0x422: {  	v7 =	vadd.s32 v11, v7;
	v11 =	vld [tilespmem:s0+$0x10F00]  }
0x423: {  	v7 =	vadd.s32 v12, v7;
	v12 =	vld [tilespmem:s26+$0xFFFFF800]  }
0x424: {  	v7 =	vadd.s32 v8, v7;
	v8 =	vld [tilespmem:s26+$0xFFFFF900]  }
0x425: {  	v7 =	vadd.s32 v9, v7;
	v9 =	vld [tilespmem:s26+$0xFFFFFA00]  }
0x426: {  	v7 =	vadd.s32 v10, v7;
	v10 =	vld [tilespmem:s26+$0xFFFFFB00]  }
0x427: {  	s24 =	sadd.s32 $0x20, s24;
	v7 =	vadd.s32 v11, v7;
	v11 =	vld [tilespmem:s26+$0xFFFFFC00]  }
0x428: {  	[tilespmem:s24+$0xFFFFFFF0] =	vst v7;
	v7 =	vld [tilespmem:s26+$0xFFFFFD00]  }
0x429: {  	v8 =	vadd.s32 v12, v8;
	v12 =	vld [tilespmem:s26+$0xFFFFFE00]  }
0x42a: {  	v8 =	vadd.s32 v9, v8;
	v9 =	vld [tilespmem:s26+$0xFFFFFF00]  }
0x42b: {  	v8 =	vadd.s32 v10, v8;
	v10 =	vld [tilespmem:s26+$0x0]  }
0x42c: {  	v8 =	vadd.s32 v11, v8;
	v11 =	vld [tilespmem:s26+$0x100]  }
0x42d: {  	v7 =	vadd.s32 v7, v8;
	v13 =	vld [tilespmem:s26+$0x200]  }
.Ltmp15:
0x42e: {  	v8 =	vadd.s32 v12, v7;
	v7 =	vld [tilespmem:s26+$0x300];
	(pc) =	sbr.rel @p1 .LBB2_32-.Ltmp15, $4  }
0x42f: {  	v9 =	vadd.s32 v9, v8;
	v8 =	vld [tilespmem:s26+$0x400]  }
0x430: {  	v10 =	vadd.s32 v10, v9;
	v9 =	vld [tilespmem:s26+$0x500]  }
0x431: {  	v11 =	vadd.s32 v11, v10;
	v10 =	vld [tilespmem:s26+$0x600]  }
0x432: {  	s28 =	sadd.s32 $0x20, s28;
	v12 =	vadd.s32 v13, v11;
	v11 =	vld [tilespmem:s26+$0x700];
	s26 =	sadd.s32 $0x20, s26  }
0x433: {  	v7 =	vadd.s32 v7, v12  }
0x434: {  	v7 =	vadd.s32 v8, v7  }
0x435: {  	v7 =	vadd.s32 v9, v7  }
0x436: {  	v63 =	vmov s23;
	v7 =	vadd.s32 v10, v7  }
0x437: {  	vm0 =	veq.s32 v63, v1;
	v7 =	vadd.s32 v11, v7  }
0x438: {  	s0 =	simm.s32 $0x11170;
	v6 =	vnsel vm0, $0x0, v6;
	[tilespmem:s24+$0x0] =	vst v7  }
0x439: {  	(xrf0) =	vadd.scan.msk.s32 $0xffff, v6;
	v6 =	vld [tilespmem:s0+$0x0]  }
0x43a: {  	v5 =	vnsel vm0, $0x0, v5  }
0x43b: {  	(xrf0) =	vadd.scan.msk.s32 $0xffff, v5;
	_ =	sdelay $0x2  }
0x43c: {  	(xrf0) =	vadd.scan.msk.s32 $0xffff, v6;
	_ =	sdelay $0x1  }
0x43d: {  	v5, _, _ =	vpop (xrf0)  }
0x43e: {  	(v2sf) =	vpush v5, $0xF;
	v5, _, _ =	vpop (xrf0)  }
0x43f: {  	(v2sf) =	vpush v5, $0xF;
	_ =	sdelay $0x1  }
0x440: {  	s26 =	simm.s32 $0x11160;
	v5, _, _ =	vpop (xrf0)  }
0x441: {  	(v2sf) =	vpush v5, $0xF;
	v5 =	vld [tilespmem:s26+$0x0]  }
0x442: {  	s1 =	simm.s32 $0x11150  }
0x443: {  	v6 =	vld [tilespmem:s1+$0x0];
	_ =	sdelay $0x2  }
0x444: {  	(xrf0) =	vadd.scan.msk.s32 $0xffff, v5;
	_ =	sdelay $0x1  }
0x445: {  	(xrf0) =	vadd.scan.msk.s32 $0xffff, v6;
	_ =	sdelay $0x2  }
0x446: {  	s4 =	simm.s32 $0x11140  }
0x447: {  	v7 =	vld [tilespmem:s4+$0x0];
	s5 =	spop (v2sf);
	v6, _, _ =	vpop (xrf0)  }
0x448: {  	s1 =	spop (v2sf);
	(v2sf) =	vpush v6, $0xF  }
0x449: {  	v6, _, _ =	vpop (xrf0)  }
0x44a: {  	(v2sf) =	vpush v6, $0xF;
	_ =	sdelay $0x1  }
0x44b: {  	s4 =	simm.s32 $0x11130;
	(xrf0) =	vadd.scan.msk.s32 $0xffff, v7  }
0x44c: {  	s28 =	simm.s32 $0xE;
	s25 =	simm.s32 $0xD;
	s23 =	simm.s32 $0xC;
	v5 =	vld [tilespmem:s4+$0x0]  }
0x44d: {  	p2 =	por $0x1, $0x1;
	s30 =	simm.s32 $0x0;
	s31 =	simm.s32 $0x0  }
0x44e: {  	s29 =	simm.s32 $0x0;
	s24 =	simm.s32 $0xB;
	s0 =	sadd.s32 s5, s22  }
0x44f: {  	s26 =	simm.s32 $0xF;
	s0 =	ssub.s32 s21, s0;
	s13 =	spop (v2sf)  }
0x450: {  	s4 =	simm.s32 $0x11120;
	s21 =	sadd.s32 s1, s0;
	s1 =	sadd.s32 $0x0, s13  }
0x451: {  	s22 =	simm.s32 $0x0;
	s0 =	simm.s32 $0xA;
	(xrf0) =	vadd.scan.msk.s32 $0xffff, v5;
	v5, _, _ =	vpop (xrf0);
	p3 =	sge.s32 s1, s21  }
.LBB2_34:
0x452: {  	p1 =	sne.s32 s0, $0x0;
	p3 =	por !p2, !p3;
	s5 =	smov.u32 s24  }
0x453: {  	v6 =	vld [tilespmem:s4+$0x0];
	(v2sf) =	vpush v5, $0xF;
	s24 =	smov.u32 s0;
	s0 =	sadd.s32 $0xFFFFFFFF, s0;
	s13 =	smov.u32 s22  }
.Ltmp16:
0x454: {  	s22 =	smov.u32 @p2 s1;
	p3 =	por !p3, !p3;
	(pc) =	sbr.rel @p1 .LBB2_34-.Ltmp16, $4  }
0x455: {  	s30 =	smov.u32 @p3 s26;
	s31 =	simm.s32 @p3 $0x1;
	s26 =	smov.u32 s28  }
0x456: {  	s29 =	smov.u32 @p3 s13;
	s28 =	smov.u32 s25;
	s1 =	spop (v2sf)  }
0x457: {  	s25 =	smov.u32 s23;
	s23 =	smov.u32 s5;
	s1 =	sadd.s32 s22, s1  }
0x458: {  	s4 =	sadd.s32 $0xFFFFFFF0, s4;
	p2 =	seq.s32 s31, $0x0;
	(xrf0) =	vadd.scan.msk.s32 $0xffff, v6;
	v5, _, _ =	vpop (xrf0);
	p3 =	sge.s32 s1, s21  }
0x459: {  	_ = 	snop  }
0x45a: {  	(v2sf) =	vpush v5, $0xF;
	_ =	sdelay $0x2  }
0x45b: {  	p1 =	por !p2, !p3  }
0x45c: {  	p1 =	por !p1, !p1;
	v5, _, _ =	vpop (xrf0)  }
0x45d: {  	s0 =	spop (v2sf);
	s29 =	smov.u32 @p1 s22;
	s22 =	smov.u32 @p2 s1;
	(v2sf) =	vpush v5, $0xF  }
0x45e: {  	s31 =	simm.s32 @p1 $0x1;
	s0 =	sadd.s32 s22, s0  }
0x45f: {  	p3 =	seq.s32 s31, $0x0;
	p5 =	sge.s32 s0, s21  }
0x460: {  	p2 =	por !p3, !p5  }
0x461: {  	p2 =	por !p2, !p2  }
0x462: {  	s29 =	smov.u32 @p2 s22;
	s22 =	smov.u32 @p3 s0;
	s4 =	spop (v2sf)  }
0x463: {  	s31 =	simm.s32 @p2 $0x1;
	s0 =	sadd.s32 s22, s4  }
0x464: {  	p4 =	seq.s32 s31, $0x0;
	p6 =	sge.s32 s0, s21  }
0x465: {  	p3 =	por !p4, !p6  }
0x466: {  	p3 =	por !p3, !p3  }
0x467: {  	s29 =	smov.u32 @p3 s22;
	s22 =	smov.u32 @p4 s0;
	s5 =	spop (v2sf)  }
0x468: {  	s31 =	simm.s32 @p3 $0x1;
	s0 =	sadd.s32 s22, s5  }
0x469: {  	p4 =	seq.s32 s31, $0x0;
	p5 =	sge.s32 s0, s21  }
0x46a: {  	p5 =	por !p4, !p5  }
0x46b: {  	p5 =	por !p5, !p5  }
0x46c: {  	s29 =	smov.u32 @p5 s22;
	s22 =	smov.u32 @p4 s0;
	s13 =	spop (v2sf)  }
0x46d: {  	s30 =	smov.u32 @p1 s26;
	s31 =	simm.s32 @p5 $0x1;
	s0 =	sadd.s32 s22, s13  }
0x46e: {  	s30 =	smov.u32 @p2 s28;
	p4 =	seq.s32 s31, $0x0;
	p6 =	sge.s32 s0, s21  }
0x46f: {  	s30 =	smov.u32 @p3 s25;
	p1 =	por !p4, !p6  }
0x470: {  	s30 =	smov.u32 @p5 s23;
	p1 =	por !p1, !p1  }
0x471: {  	s30 =	smov.u32 @p1 s24  }
0x472: {  	s0 =	sshll.u32 @!p0 s30, $0x4  }
0x473: {  	v5 =	vld @!p0 [tilespmem:s0+$0x11080];
	_ =	sdelay $0x4  }
0x474: {  	(xrf0) =	vadd.scan.msk.s32 @!p0 $0xffff, v5;
	_ =	sdelay $0x5  }
0x475: {  	s29 =	smov.u32 @p1 s22;
	v6, _, _ =	vpop @!p0 (xrf0)  }
0x476: {  	v5 =	vadd.s32 @!p0 s29, v5;
	v7 =	vbroadcast @!p0 v6, $0xF  }
0x477: {  	v5 =	vsub.s32 @!p0 v5, v6  }
0x478: {  	v6 =	vlaneseq.u32 @!p0;
	v5 =	vadd.s32 @!p0 v7, v5  }
0x479: {  	vm0 =	vlt.s32 @!p0 v5, s21;
	v5 =	vor.u32 @!p0 $0x80000000, v6  }
0x47a: {  	v5 =	vsel @!p0 vm0, $0x7FFFFFFF, v5  }
0x47b: {  	(xrf0) =	vmax.scan.msk.u32 @!p0 $0xffff, v5;
	_ =	sdelay $0x5  }
0x47c: {  	v5, _, _ =	vpop @!p0 (xrf0)  }
0x47d: {  	(v2sf) =	vpush @!p0 v5, $0xF;
	_ =	sdelay $0xe  }
0x47e: {  	s1 =	spop @!p0 (v2sf)  }
0x47f: {  	s0 =	sadd.s32 @!p0 s1, s0  }
0x480: {  	s1 =	sshll.u32 @!p0 s20, $0x7;
	s0 =	sadd.s32 @!p0 $0x80000000, s0  }
0x481: {  	s0 =	sor.u32 @!p0 s1, s0  }
0x482: {  	s19 =	sadd.s32 $0x1, s19;
	s4 =	rddreg [dreg:$0x1];
	v5 =	vmov @!p0 s0  }
0x483: {  	p1 =	sne.s32 s19, s10;
	s1 =	simm.s32 @!p0 $0x11200;
	s0 =	simm.s32 @!p0 $0x0;
	[tilespmem:$0x11200] =	vst @!p0 v5  }
0x484: {  	[hbm4b:s4+s0] =	stream.linear.scatter @!p0 [tilespmem:s1], [sflag:$0x3], $0x10, $0x38;
	[tilespmem:$0x11488] =	vst v63  }
.Ltmp17:
0x485: {  	_ = 	snop;
	(pc) =	sbr.rel @p1 .LBB2_1-.Ltmp17, $4  }
0x486: {  	s0 =	simm.s32 @!p0 $0x3  }
0x487: {  	_ =	swait.ge @!p0 [sflag:s0], $0x10  }
0x488: {  	[sflag:s0] =	ssyncset.done @!p0 $0x0  }
0x489: {  	[sflag:s0] =	ssyncadd.s32 @!p0 $0xFFFFFFF0  }
0x48a: {  	_ =	sfence.sel $0x180000  }
0x48b: {  	[bflag:$0x0] =	sbarrier.arrive $0xFFFF  }
0x48c: {  	_ =	strace $0x90000047  }
0x48d: {  	s0 =	stileid.u32;
	[bflag:$0x2] =	sbarrier.arrive $0xFFFF  }
0x48e: {  	p0 =	sne.s32 s0, $0x0;
	s0 =	rddreg [dreg:$0x4]  }
0x48f: {  	s0 =	sadd.s32 @!p0 $0x100000, s0  }
0x490: {  	[sflag:s0] =	ssyncadd.tile.s32 @!p0 $0x1;
	_ =	shalt  }
.Lfunc_end2:
_tile_overlayer_lowered:
.L_overlay_start_2:
0x491: {  	(tag) =	ssettag $0x2  }
0x492: {  	s0 =	rddreg [dreg:$0x0];
	s2 =	stileid.u32  }
0x493: {  	s1 =	rddreg [dreg:$0x1];
	p0 =	sne.s32 s2, $0x0  }
0x494: {  	s3 =	rddreg [dreg:$0x2];
	[bflag:$0x3] =	sbarrier.arrive $0xFFFF;
	s2 =	simm.s32 @!p0 $0x1C03  }
0x495: {  	[timem:s3], [sflag:s2] =	dma.local @!p0 [hbm:s0], s1  }
0x496: {  	s0 =	simm.s32 @!p0 $0x3  }
0x497: {  	_ =	swait.ge @!p0 [sflag:s0], s1  }
0x498: {  	s1 =	ssub.s32 @!p0 $0x0, s1;
	[sflag:s0] =	ssyncset.done @!p0 $0x0  }
0x499: {  	[sflag:s0] =	ssyncadd.s32 @!p0 s1  }
0x49a: {  	[bflag:$0x3] =	sbarrier.arrive $0xFFFF  }
0x49b: {  	_ =	shalt  }

</sc_bundles>
